<compile_context>
chip_gen: v7x
topology: tpu7x:2x2x1
jax: 0.10.2.dev20260603
libtpu: 0.0.44.dev20260713+nightly
codegen_flags: <defaults>
</compile_context>

<pallas_src>
import functools
import jax
import jax.numpy as jnp
from jax import lax
from jax.experimental import pallas as pl
from jax.experimental.pallas import tpu as pltpu
from jax.experimental.pallas import tpu_sc as plsc

D_MODEL = 64
SCALE = 8.0
NUM_WORKERS = 32
SPLIT = 96
NBUF = 4


@jax.jit
def _gather_scale(lut, x):
    b_total, seq = x.shape
    rows_per_worker = b_total // NUM_WORKERS
    mesh = plsc.VectorSubcoreMesh(core_axis_name="c", subcore_axis_name="s")

    @functools.partial(
        pl.kernel,
        out_type=jax.ShapeDtypeStruct((b_total, seq, D_MODEL), jnp.float32),
        mesh=mesh,
        scratch_types=[
            pltpu.VMEM((rows_per_worker, seq), jnp.int32),
            [pltpu.VMEM((seq, D_MODEL), jnp.float32) for _ in range(NBUF)],
            [pltpu.SemaphoreType.DMA for _ in range(NBUF)],
            [pltpu.SemaphoreType.DMA for _ in range(NBUF)],
        ],
        compiler_params=pltpu.CompilerParams(use_tc_tiling_on_sc=False),
    )
    def k(lut_hbm, x_hbm, out_hbm, idx_all, bufs, gsems, osems):
        wid = lax.axis_index("s") * 2 + lax.axis_index("c")
        row0 = wid * rows_per_worker

        pltpu.sync_copy(x_hbm.at[pl.ds(row0, rows_per_worker)], idx_all)

        def fire_gather(c, b):
            pltpu.async_copy(
                lut_hbm.at[idx_all.at[c, pl.ds(0, SPLIT)]],
                bufs[b].at[pl.ds(0, SPLIT)],
                gsems[b],
            )
            pltpu.async_copy(
                lut_hbm.at[idx_all.at[c, pl.ds(SPLIT, seq - SPLIT)]],
                bufs[b].at[pl.ds(SPLIT, seq - SPLIT)],
                gsems[b],
            )

        def drain_gather(c, b):
            pltpu.make_async_copy(
                lut_hbm.at[idx_all.at[c, pl.ds(0, SPLIT)]],
                bufs[b].at[pl.ds(0, SPLIT)],
                gsems[b],
            ).wait()
            pltpu.make_async_copy(
                lut_hbm.at[idx_all.at[c, pl.ds(SPLIT, seq - SPLIT)]],
                bufs[b].at[pl.ds(SPLIT, seq - SPLIT)],
                gsems[b],
            ).wait()

        PF = NBUF - 2

        for b in range(PF):
            fire_gather(b, b)

        def body(i, carry):
            for b in range(NBUF):
                c = i * NBUF + b
                b_pre = (b + PF) % NBUF

                @pl.when(c + PF <= rows_per_worker - 1)
                def _():
                    @pl.when(c >= PF)
                    def _():
                        pltpu.make_async_copy(
                            bufs[b_pre],
                            out_hbm.at[row0],
                            osems[b_pre],
                        ).wait()

                    fire_gather(c + PF, b_pre)

                drain_gather(c, b)

                buf = bufs[b]

                def scale_body(r, c2):
                    for rr in range(4):
                        for j in range(D_MODEL // 16):
                            sl = pl.ds(j * 16, 16)
                            buf[r * 4 + rr, sl] = buf[r * 4 + rr, sl] * SCALE
                    return c2

                lax.fori_loop(0, seq // 4, scale_body, 0, unroll=2)

                pltpu.async_copy(buf, out_hbm.at[row0 + c], osems[b])
            return carry

        lax.fori_loop(0, rows_per_worker // NBUF, body, 0)

        for b in range(NBUF):
            pltpu.make_async_copy(
                bufs[b], out_hbm.at[row0], osems[b]
            ).wait()

    return k(lut, x)


def kernel(x, lut):
    b0, b1 = x.shape
    assert b0 % NUM_WORKERS == 0 and (b0 // NUM_WORKERS) % NBUF == 0
    assert b1 % 8 == 0 and SPLIT % 8 == 0
    return _gather_scale(lut, x.astype(jnp.int32))

# --- scband reference (transcript-rebuilt; emitter-appended) ---
"""Pipeline reference for scband-embeddings-13838384628020 (READ-ONLY COPY).

The authoritative reference and input builder live on the scoring server;
editing this copy changes nothing except your own understanding.
"""

import jax, jax.numpy as jnp
import numpy as np
import math

VOCAB = 1000000
D_MODEL = 64

def setup_inputs(seed: int = 0) -> dict:
    key = jax.random.key(seed)
    k1, k2 = jax.random.split(key)
    x = jax.random.randint(k1, (4096, 200), 0, VOCAB, dtype=jnp.int64) if jax.config.jax_enable_x64 else jax.random.randint(k1, (4096, 200), 0, VOCAB, dtype=jnp.int32)
    lut = jax.random.normal(k2, (VOCAB, D_MODEL), dtype=jnp.float32)
    return {"x": x, "lut": lut}

def reference(x, lut):
    # Embeddings.forward: self.lut(x) * math.sqrt(self.d_model)
    emb = jnp.take(lut, x, axis=0)
    return emb * math.sqrt(D_MODEL)

if __name__ == "__main__":
    import jax
    _d = setup_inputs()
    print(jax.jit(kernel)(*tuple(_d.values())))

</pallas_src>

<mosaic_0001>
#map = affine_map<(d0, d1) -> (0, 0)>
#map1 = affine_map<(d0, d1) -> (0, 0, 0)>
module attributes {stable_mosaic.version = 14 : i64} {
  func.func @k(%arg0: i32, %arg1: i32, %arg2: memref<1000000x64xf32, #tpu.memory_space<hbm>>, %arg3: memref<4096x200xi32, #tpu.memory_space<hbm>>, %arg4: memref<4096x200x64xf32, #tpu.memory_space<hbm>>, %arg5: memref<128x200xi32, #tpu.memory_space<vmem>>, %arg6: memref<200x64xf32, #tpu.memory_space<vmem>>, %arg7: memref<200x64xf32, #tpu.memory_space<vmem>>, %arg8: memref<200x64xf32, #tpu.memory_space<vmem>>, %arg9: memref<200x64xf32, #tpu.memory_space<vmem>>, %arg10: memref<!tpu.dma_semaphore, #tpu.memory_space<semaphore_mem>>, %arg11: memref<!tpu.dma_semaphore, #tpu.memory_space<semaphore_mem>>, %arg12: memref<!tpu.dma_semaphore, #tpu.memory_space<semaphore_mem>>, %arg13: memref<!tpu.dma_semaphore, #tpu.memory_space<semaphore_mem>>, %arg14: memref<!tpu.dma_semaphore, #tpu.memory_space<semaphore_mem>>, %arg15: memref<!tpu.dma_semaphore, #tpu.memory_space<semaphore_mem>>, %arg16: memref<!tpu.dma_semaphore, #tpu.memory_space<semaphore_mem>>, %arg17: memref<!tpu.dma_semaphore, #tpu.memory_space<semaphore_mem>>) attributes {dimension_semantics = [#tpu.dimension_semantics<core_parallel>, #tpu.dimension_semantics<subcore_parallel>], iteration_bounds = array<i64: 2, 16>, scalar_prefetch = 0 : i64, scratch_operands = 13 : i64, tpu.core_type = #tpu.core_type<sc_vector_subcore>, window_params = [{transform_indices = #map}, {transform_indices = #map}, {transform_indices = #map1}]} {
    %mul3A = arith.constant 2 : i32
    %mul3A_0 = arith.muli %arg1, %mul3A : i32
    %add3A = arith.addi %mul3A_0, %arg0 : i32
    %mul3A_1 = arith.constant 128 : i32
    %mul3A_2 = arith.muli %add3A, %mul3A_1 : i32
    "tpu.region"() ({
      %run_scoped3A = tpu.sem_alloc : memref<!tpu.dma_semaphore, #tpu.memory_space<semaphore_mem>>
      %dma_start3A_78 = arith.constant 0 : i32
      %dma_start3A_79 = tpu.memref_slice %arg3[%mul3A_2, %dma_start3A_78] : memref<4096x200xi32, #tpu.memory_space<hbm>> -> memref<128x200xi32, #tpu.memory_space<hbm>>
      %dma_start3A_80 = arith.constant 0 : i32
      %dma_start3A_81 = tpu.memref_slice %arg3[%mul3A_2, %dma_start3A_80] : memref<4096x200xi32, #tpu.memory_space<hbm>> -> memref<128x200xi32, #tpu.memory_space<hbm>>
      tpu.enqueue_dma source(%dma_start3A_81 : memref<128x200xi32, #tpu.memory_space<hbm>>) target(%arg5 : memref<128x200xi32, #tpu.memory_space<vmem>>) target_semaphore(%run_scoped3A : memref<!tpu.dma_semaphore, #tpu.memory_space<semaphore_mem>>)
      %dma_wait3A_82 = arith.constant 0 : i32
      %dma_wait3A_83 = tpu.memref_slice %arg3[%mul3A_2, %dma_wait3A_82] : memref<4096x200xi32, #tpu.memory_space<hbm>> -> memref<128x200xi32, #tpu.memory_space<hbm>>
      %dma_wait3A_84 = arith.constant 0 : i32
      %dma_wait3A_85 = tpu.memref_slice %arg3[%mul3A_2, %dma_wait3A_84] : memref<4096x200xi32, #tpu.memory_space<hbm>> -> memref<128x200xi32, #tpu.memory_space<hbm>>
      tpu.wait_dma2 semaphore(%run_scoped3A : memref<!tpu.dma_semaphore, #tpu.memory_space<semaphore_mem>>) src(%dma_wait3A_85 : memref<128x200xi32, #tpu.memory_space<hbm>>) dst(%arg5 : memref<128x200xi32, #tpu.memory_space<vmem>>)
      tpu.yield
    }) : () -> ()
    %dma_start3A = arith.constant 0 : i32
    %dma_start3A_3 = arith.constant 0 : i32
    %dma_start3A_4 = arith.constant 0 : i32
    %dma_start3A_5 = tpu.memref_slice %arg6[%dma_start3A_3, %dma_start3A_4] : memref<200x64xf32, #tpu.memory_space<vmem>> -> memref<96x64xf32, #tpu.memory_space<vmem>>
    %dma_start3A_6 = arith.constant 0 : i32
    %dma_start3A_7 = tpu.memref_slice %arg5[%dma_start3A, %dma_start3A_6] : memref<128x200xi32, #tpu.memory_space<vmem>> -> memref<1x96xi32, #tpu.memory_space<vmem>>
    %dma_start3A_8 = tpu.memref_squeeze %dma_start3A_7 : memref<1x96xi32, #tpu.memory_space<vmem>> -> memref<96xi32, #tpu.memory_space<vmem>>
    %dma_start3A_9 = arith.constant 0 : i32
    %dma_start3A_10 = arith.constant 0 : i32
    %dma_start3A_11 = tpu.memref_slice %arg2[%dma_start3A_9, %dma_start3A_10] : memref<1000000x64xf32, #tpu.memory_space<hbm>> -> memref<1000000x64xf32, #tpu.memory_space<hbm>>
    tpu.enqueue_indirect_dma source(%dma_start3A_11 : memref<1000000x64xf32, #tpu.memory_space<hbm>>) target(%dma_start3A_5 : memref<96x64xf32, #tpu.memory_space<vmem>>) offsets(%dma_start3A_8 : memref<96xi32, #tpu.memory_space<vmem>>) semaphore(%arg10 : memref<!tpu.dma_semaphore, #tpu.memory_space<semaphore_mem>>)
    %dma_start3A_12 = arith.constant 0 : i32
    %dma_start3A_13 = arith.constant 96 : i32
    %dma_start3A_14 = arith.constant 0 : i32
    %dma_start3A_15 = tpu.memref_slice %arg6[%dma_start3A_13, %dma_start3A_14] : memref<200x64xf32, #tpu.memory_space<vmem>> -> memref<104x64xf32, #tpu.memory_space<vmem>>
    %dma_start3A_16 = arith.constant 96 : i32
    %dma_start3A_17 = tpu.memref_slice %arg5[%dma_start3A_12, %dma_start3A_16] : memref<128x200xi32, #tpu.memory_space<vmem>> -> memref<1x104xi32, #tpu.memory_space<vmem>>
    %dma_start3A_18 = tpu.memref_squeeze %dma_start3A_17 : memref<1x104xi32, #tpu.memory_space<vmem>> -> memref<104xi32, #tpu.memory_space<vmem>>
    %dma_start3A_19 = arith.constant 0 : i32
    %dma_start3A_20 = arith.constant 0 : i32
    %dma_start3A_21 = tpu.memref_slice %arg2[%dma_start3A_19, %dma_start3A_20] : memref<1000000x64xf32, #tpu.memory_space<hbm>> -> memref<1000000x64xf32, #tpu.memory_space<hbm>>
    tpu.enqueue_indirect_dma source(%dma_start3A_21 : memref<1000000x64xf32, #tpu.memory_space<hbm>>) target(%dma_start3A_15 : memref<104x64xf32, #tpu.memory_space<vmem>>) offsets(%dma_start3A_18 : memref<104xi32, #tpu.memory_space<vmem>>) semaphore(%arg10 : memref<!tpu.dma_semaphore, #tpu.memory_space<semaphore_mem>>)
    %dma_start3A_22 = arith.constant 1 : i32
    %dma_start3A_23 = arith.constant 0 : i32
    %dma_start3A_24 = arith.constant 0 : i32
    %dma_start3A_25 = tpu.memref_slice %arg7[%dma_start3A_23, %dma_start3A_24] : memref<200x64xf32, #tpu.memory_space<vmem>> -> memref<96x64xf32, #tpu.memory_space<vmem>>
    %dma_start3A_26 = arith.constant 0 : i32
    %dma_start3A_27 = tpu.memref_slice %arg5[%dma_start3A_22, %dma_start3A_26] : memref<128x200xi32, #tpu.memory_space<vmem>> -> memref<1x96xi32, #tpu.memory_space<vmem>>
    %dma_start3A_28 = tpu.memref_squeeze %dma_start3A_27 : memref<1x96xi32, #tpu.memory_space<vmem>> -> memref<96xi32, #tpu.memory_space<vmem>>
    %dma_start3A_29 = arith.constant 0 : i32
    %dma_start3A_30 = arith.constant 0 : i32
    %dma_start3A_31 = tpu.memref_slice %arg2[%dma_start3A_29, %dma_start3A_30] : memref<1000000x64xf32, #tpu.memory_space<hbm>> -> memref<1000000x64xf32, #tpu.memory_space<hbm>>
    tpu.enqueue_indirect_dma source(%dma_start3A_31 : memref<1000000x64xf32, #tpu.memory_space<hbm>>) target(%dma_start3A_25 : memref<96x64xf32, #tpu.memory_space<vmem>>) offsets(%dma_start3A_28 : memref<96xi32, #tpu.memory_space<vmem>>) semaphore(%arg11 : memref<!tpu.dma_semaphore, #tpu.memory_space<semaphore_mem>>)
    %dma_start3A_32 = arith.constant 1 : i32
    %dma_start3A_33 = arith.constant 96 : i32
    %dma_start3A_34 = arith.constant 0 : i32
    %dma_start3A_35 = tpu.memref_slice %arg7[%dma_start3A_33, %dma_start3A_34] : memref<200x64xf32, #tpu.memory_space<vmem>> -> memref<104x64xf32, #tpu.memory_space<vmem>>
    %dma_start3A_36 = arith.constant 96 : i32
    %dma_start3A_37 = tpu.memref_slice %arg5[%dma_start3A_32, %dma_start3A_36] : memref<128x200xi32, #tpu.memory_space<vmem>> -> memref<1x104xi32, #tpu.memory_space<vmem>>
    %dma_start3A_38 = tpu.memref_squeeze %dma_start3A_37 : memref<1x104xi32, #tpu.memory_space<vmem>> -> memref<104xi32, #tpu.memory_space<vmem>>
    %dma_start3A_39 = arith.constant 0 : i32
    %dma_start3A_40 = arith.constant 0 : i32
    %dma_start3A_41 = tpu.memref_slice %arg2[%dma_start3A_39, %dma_start3A_40] : memref<1000000x64xf32, #tpu.memory_space<hbm>> -> memref<1000000x64xf32, #tpu.memory_space<hbm>>
    tpu.enqueue_indirect_dma source(%dma_start3A_41 : memref<1000000x64xf32, #tpu.memory_space<hbm>>) target(%dma_start3A_35 : memref<104x64xf32, #tpu.memory_space<vmem>>) offsets(%dma_start3A_38 : memref<104xi32, #tpu.memory_space<vmem>>) semaphore(%arg11 : memref<!tpu.dma_semaphore, #tpu.memory_space<semaphore_mem>>)
    %scan3A = arith.constant 0 : i32
    %scan3A_42 = arith.constant 0 : i32
    %scan3A_43 = arith.constant 32 : i32
    %scan3A_44 = arith.addi %scan3A_42, %scan3A_43 : i32
    %scan3A_45 = arith.constant 1 : i32
    scf.for %scan3A_78 = %scan3A_42 to %scan3A_44 step %scan3A_45  : i32 {
      %mul3A_79 = arith.constant 4 : i32
      %mul3A_80 = arith.muli %scan3A_78, %mul3A_79 : i32
      %add3A_81 = arith.constant 0 : i32
      %add3A_82 = arith.addi %mul3A_80, %add3A_81 : i32
      %add3A_83 = arith.constant 2 : i32
      %add3A_84 = arith.addi %add3A_82, %add3A_83 : i32
      %le3A = arith.constant 127 : i32
      %le3A_85 = arith.cmpi sle, %add3A_84, %le3A : i32
      %convert_element_type3A = arith.extui %le3A_85 : i1 to i32
      %cond3A = arith.constant 0 : i32
      %cond3A_86 = arith.cmpi ne, %convert_element_type3A, %cond3A : i32
      scf.if %cond3A_86 {
        %ge3A = arith.constant 2 : i32
        %ge3A_252 = arith.cmpi sge, %add3A_82, %ge3A : i32
        %convert_element_type3A_253 = arith.extui %ge3A_252 : i1 to i32
        %cond3A_254 = arith.constant 0 : i32
        %cond3A_255 = arith.cmpi ne, %convert_element_type3A_253, %cond3A_254 : i32
        scf.if %cond3A_255 {
          %dma_wait3A_276 = arith.constant 0 : i32
          %dma_wait3A_277 = arith.constant 0 : i32
          %dma_wait3A_278 = tpu.memref_slice %arg4[%mul3A_2, %dma_wait3A_276, %dma_wait3A_277] : memref<4096x200x64xf32, #tpu.memory_space<hbm>> -> memref<1x200x64xf32, #tpu.memory_space<hbm>>
          %dma_wait3A_279 = tpu.memref_squeeze %dma_wait3A_278 : memref<1x200x64xf32, #tpu.memory_space<hbm>> -> memref<200x64xf32, #tpu.memory_space<hbm>>
          %dma_wait3A_280 = arith.constant 0 : i32
          %dma_wait3A_281 = arith.constant 0 : i32
          %dma_wait3A_282 = tpu.memref_slice %arg4[%mul3A_2, %dma_wait3A_280, %dma_wait3A_281] : memref<4096x200x64xf32, #tpu.memory_space<hbm>> -> memref<1x200x64xf32, #tpu.memory_space<hbm>>
          %dma_wait3A_283 = tpu.memref_squeeze %dma_wait3A_282 : memref<1x200x64xf32, #tpu.memory_space<hbm>> -> memref<200x64xf32, #tpu.memory_space<hbm>>
          tpu.wait_dma2 semaphore(%arg16 : memref<!tpu.dma_semaphore, #tpu.memory_space<semaphore_mem>>) src(%arg8 : memref<200x64xf32, #tpu.memory_space<vmem>>) dst(%dma_wait3A_283 : memref<200x64xf32, #tpu.memory_space<hbm>>)
        } else {
        }
        %add3A_256 = arith.constant 2 : i32
        %add3A_257 = arith.addi %add3A_82, %add3A_256 : i32
        %dma_start3A_258 = arith.constant 0 : i32
        %dma_start3A_259 = arith.constant 0 : i32
        %dma_start3A_260 = tpu.memref_slice %arg8[%dma_start3A_258, %dma_start3A_259] : memref<200x64xf32, #tpu.memory_space<vmem>> -> memref<96x64xf32, #tpu.memory_space<vmem>>
        %dma_start3A_261 = arith.constant 0 : i32
        %dma_start3A_262 = tpu.memref_slice %arg5[%add3A_257, %dma_start3A_261] : memref<128x200xi32, #tpu.memory_space<vmem>> -> memref<1x96xi32, #tpu.memory_space<vmem>>
        %dma_start3A_263 = tpu.memref_squeeze %dma_start3A_262 : memref<1x96xi32, #tpu.memory_space<vmem>> -> memref<96xi32, #tpu.memory_space<vmem>>
        %dma_start3A_264 = arith.constant 0 : i32
        %dma_start3A_265 = arith.constant 0 : i32
        %dma_start3A_266 = tpu.memref_slice %arg2[%dma_start3A_264, %dma_start3A_265] : memref<1000000x64xf32, #tpu.memory_space<hbm>> -> memref<1000000x64xf32, #tpu.memory_space<hbm>>
        tpu.enqueue_indirect_dma source(%dma_start3A_266 : memref<1000000x64xf32, #tpu.memory_space<hbm>>) target(%dma_start3A_260 : memref<96x64xf32, #tpu.memory_space<vmem>>) offsets(%dma_start3A_263 : memref<96xi32, #tpu.memory_space<vmem>>) semaphore(%arg12 : memref<!tpu.dma_semaphore, #tpu.memory_space<semaphore_mem>>)
        %dma_start3A_267 = arith.constant 96 : i32
        %dma_start3A_268 = arith.constant 0 : i32
        %dma_start3A_269 = tpu.memref_slice %arg8[%dma_start3A_267, %dma_start3A_268] : memref<200x64xf32, #tpu.memory_space<vmem>> -> memref<104x64xf32, #tpu.memory_space<vmem>>
        %dma_start3A_270 = arith.constant 96 : i32
        %dma_start3A_271 = tpu.memref_slice %arg5[%add3A_257, %dma_start3A_270] : memref<128x200xi32, #tpu.memory_space<vmem>> -> memref<1x104xi32, #tpu.memory_space<vmem>>
        %dma_start3A_272 = tpu.memref_squeeze %dma_start3A_271 : memref<1x104xi32, #tpu.memory_space<vmem>> -> memref<104xi32, #tpu.memory_space<vmem>>
        %dma_start3A_273 = arith.constant 0 : i32
        %dma_start3A_274 = arith.constant 0 : i32
        %dma_start3A_275 = tpu.memref_slice %arg2[%dma_start3A_273, %dma_start3A_274] : memref<1000000x64xf32, #tpu.memory_space<hbm>> -> memref<1000000x64xf32, #tpu.memory_space<hbm>>
        tpu.enqueue_indirect_dma source(%dma_start3A_275 : memref<1000000x64xf32, #tpu.memory_space<hbm>>) target(%dma_start3A_269 : memref<104x64xf32, #tpu.memory_space<vmem>>) offsets(%dma_start3A_272 : memref<104xi32, #tpu.memory_space<vmem>>) semaphore(%arg12 : memref<!tpu.dma_semaphore, #tpu.memory_space<semaphore_mem>>)
      } else {
      }
      %dma_wait3A_87 = arith.constant 0 : i32
      %dma_wait3A_88 = arith.constant 0 : i32
      %dma_wait3A_89 = tpu.memref_slice %arg6[%dma_wait3A_87, %dma_wait3A_88] : memref<200x64xf32, #tpu.memory_space<vmem>> -> memref<96x64xf32, #tpu.memory_space<vmem>>
      %dma_wait3A_90 = arith.constant 0 : i32
      %dma_wait3A_91 = tpu.memref_slice %arg5[%add3A_82, %dma_wait3A_90] : memref<128x200xi32, #tpu.memory_space<vmem>> -> memref<1x96xi32, #tpu.memory_space<vmem>>
      %dma_wait3A_92 = tpu.memref_squeeze %dma_wait3A_91 : memref<1x96xi32, #tpu.memory_space<vmem>> -> memref<96xi32, #tpu.memory_space<vmem>>
      %dma_wait3A_93 = arith.constant 0 : i32
      %dma_wait3A_94 = arith.constant 0 : i32
      %dma_wait3A_95 = tpu.memref_slice %arg2[%dma_wait3A_93, %dma_wait3A_94] : memref<1000000x64xf32, #tpu.memory_space<hbm>> -> memref<1000000x64xf32, #tpu.memory_space<hbm>>
      tpu.wait_indirect_dma semaphore(%arg10 : memref<!tpu.dma_semaphore, #tpu.memory_space<semaphore_mem>>) src(%dma_wait3A_95 : memref<1000000x64xf32, #tpu.memory_space<hbm>>) dst(%dma_wait3A_89 : memref<96x64xf32, #tpu.memory_space<vmem>>)
      %dma_wait3A_96 = arith.constant 96 : i32
      %dma_wait3A_97 = arith.constant 0 : i32
      %dma_wait3A_98 = tpu.memref_slice %arg6[%dma_wait3A_96, %dma_wait3A_97] : memref<200x64xf32, #tpu.memory_space<vmem>> -> memref<104x64xf32, #tpu.memory_space<vmem>>
      %dma_wait3A_99 = arith.constant 96 : i32
      %dma_wait3A_100 = tpu.memref_slice %arg5[%add3A_82, %dma_wait3A_99] : memref<128x200xi32, #tpu.memory_space<vmem>> -> memref<1x104xi32, #tpu.memory_space<vmem>>
      %dma_wait3A_101 = tpu.memref_squeeze %dma_wait3A_100 : memref<1x104xi32, #tpu.memory_space<vmem>> -> memref<104xi32, #tpu.memory_space<vmem>>
      %dma_wait3A_102 = arith.constant 0 : i32
      %dma_wait3A_103 = arith.constant 0 : i32
      %dma_wait3A_104 = tpu.memref_slice %arg2[%dma_wait3A_102, %dma_wait3A_103] : memref<1000000x64xf32, #tpu.memory_space<hbm>> -> memref<1000000x64xf32, #tpu.memory_space<hbm>>
      tpu.wait_indirect_dma semaphore(%arg10 : memref<!tpu.dma_semaphore, #tpu.memory_space<semaphore_mem>>) src(%dma_wait3A_104 : memref<1000000x64xf32, #tpu.memory_space<hbm>>) dst(%dma_wait3A_98 : memref<104x64xf32, #tpu.memory_space<vmem>>)
      %scan3A_105 = arith.constant 0 : i32
      %scan3A_106 = arith.constant 0 : i32
      %scan3A_107 = arith.constant 50 : i32
      %scan3A_108 = arith.addi %scan3A_106, %scan3A_107 : i32
      %scan3A_109 = arith.constant 2 : i32
      scf.for %scan3A_252 = %scan3A_106 to %scan3A_108 step %scan3A_109  : i32 {
        %mul3A_253 = arith.constant 4 : i32
        %mul3A_254 = arith.muli %scan3A_252, %mul3A_253 : i32
        %add3A_255 = arith.constant 0 : i32
        %add3A_256 = arith.addi %mul3A_254, %add3A_255 : i32
        %get3A = arith.index_cast %add3A_256 : i32 to index
        %get3A_257 = arith.constant 0 : index
        %get3A_258 = tpu.vector_load %arg6[%get3A, %get3A_257] {strides = array<i32>} : memref<200x64xf32, #tpu.memory_space<vmem>>, vector<1x16xf32>,
        %get3A_259 = vector.shape_cast %get3A_258 : vector<1x16xf32> to vector<16xf32>
        %mul3A_260 = arith.constant 8.000000e+00 : f32
        %mul3A_261 = vector.broadcast %mul3A_260 : f32 to vector<16xf32>
        %mul3A_262 = arith.mulf %get3A_259, %mul3A_261 : vector<16xf32>
        %mul3A_263 = arith.constant 4 : i32
        %mul3A_264 = arith.muli %scan3A_252, %mul3A_263 : i32
        %add3A_265 = arith.constant 0 : i32
        %add3A_266 = arith.addi %mul3A_264, %add3A_265 : i32
        %swap3A = arith.index_cast %add3A_266 : i32 to index
        %swap3A_267 = arith.constant 0 : index
        %swap3A_268 = tpu.vector_load %arg6[%swap3A, %swap3A_267] {strides = array<i32>} : memref<200x64xf32, #tpu.memory_space<vmem>>, vector<1x16xf32>,
        %swap3A_269 = vector.shape_cast %swap3A_268 : vector<1x16xf32> to vector<16xf32>
        %swap3A_270 = vector.shape_cast %mul3A_262 : vector<16xf32> to vector<1x16xf32>
        tpu.vector_store %arg6[%swap3A, %swap3A_267], %swap3A_270 {strides = array<i32>} : memref<200x64xf32, #tpu.memory_space<vmem>>, vector<1x16xf32>,
        %mul3A_271 = arith.constant 4 : i32
        %mul3A_272 = arith.muli %scan3A_252, %mul3A_271 : i32
        %add3A_273 = arith.constant 0 : i32
        %add3A_274 = arith.addi %mul3A_272, %add3A_273 : i32
        %get3A_275 = arith.index_cast %add3A_274 : i32 to index
        %get3A_276 = arith.constant 16 : index
        %get3A_277 = tpu.vector_load %arg6[%get3A_275, %get3A_276] {strides = array<i32>} : memref<200x64xf32, #tpu.memory_space<vmem>>, vector<1x16xf32>,
        %get3A_278 = vector.shape_cast %get3A_277 : vector<1x16xf32> to vector<16xf32>
        %mul3A_279 = arith.constant 8.000000e+00 : f32
        %mul3A_280 = vector.broadcast %mul3A_279 : f32 to vector<16xf32>
        %mul3A_281 = arith.mulf %get3A_278, %mul3A_280 : vector<16xf32>
        %mul3A_282 = arith.constant 4 : i32
        %mul3A_283 = arith.muli %scan3A_252, %mul3A_282 : i32
        %add3A_284 = arith.constant 0 : i32
        %add3A_285 = arith.addi %mul3A_283, %add3A_284 : i32
        %swap3A_286 = arith.index_cast %add3A_285 : i32 to index
        %swap3A_287 = arith.constant 16 : index
        %swap3A_288 = tpu.vector_load %arg6[%swap3A_286, %swap3A_287] {strides = array<i32>} : memref<200x64xf32, #tpu.memory_space<vmem>>, vector<1x16xf32>,
        %swap3A_289 = vector.shape_cast %swap3A_288 : vector<1x16xf32> to vector<16xf32>
        %swap3A_290 = vector.shape_cast %mul3A_281 : vector<16xf32> to vector<1x16xf32>
        tpu.vector_store %arg6[%swap3A_286, %swap3A_287], %swap3A_290 {strides = array<i32>} : memref<200x64xf32, #tpu.memory_space<vmem>>, vector<1x16xf32>,
        %mul3A_291 = arith.constant 4 : i32
        %mul3A_292 = arith.muli %scan3A_252, %mul3A_291 : i32
        %add3A_293 = arith.constant 0 : i32
        %add3A_294 = arith.addi %mul3A_292, %add3A_293 : i32
        %get3A_295 = arith.index_cast %add3A_294 : i32 to index
        %get3A_296 = arith.constant 32 : index
        %get3A_297 = tpu.vector_load %arg6[%get3A_295, %get3A_296] {strides = array<i32>} : memref<200x64xf32, #tpu.memory_space<vmem>>, vector<1x16xf32>,
        %get3A_298 = vector.shape_cast %get3A_297 : vector<1x16xf32> to vector<16xf32>
        %mul3A_299 = arith.constant 8.000000e+00 : f32
        %mul3A_300 = vector.broadcast %mul3A_299 : f32 to vector<16xf32>
        %mul3A_301 = arith.mulf %get3A_298, %mul3A_300 : vector<16xf32>
        %mul3A_302 = arith.constant 4 : i32
        %mul3A_303 = arith.muli %scan3A_252, %mul3A_302 : i32
        %add3A_304 = arith.constant 0 : i32
        %add3A_305 = arith.addi %mul3A_303, %add3A_304 : i32
        %swap3A_306 = arith.index_cast %add3A_305 : i32 to index
        %swap3A_307 = arith.constant 32 : index
        %swap3A_308 = tpu.vector_load %arg6[%swap3A_306, %swap3A_307] {strides = array<i32>} : memref<200x64xf32, #tpu.memory_space<vmem>>, vector<1x16xf32>,
        %swap3A_309 = vector.shape_cast %swap3A_308 : vector<1x16xf32> to vector<16xf32>
        %swap3A_310 = vector.shape_cast %mul3A_301 : vector<16xf32> to vector<1x16xf32>
        tpu.vector_store %arg6[%swap3A_306, %swap3A_307], %swap3A_310 {strides = array<i32>} : memref<200x64xf32, #tpu.memory_space<vmem>>, vector<1x16xf32>,
        %mul3A_311 = arith.constant 4 : i32
        %mul3A_312 = arith.muli %scan3A_252, %mul3A_311 : i32
        %add3A_313 = arith.constant 0 : i32
        %add3A_314 = arith.addi %mul3A_312, %add3A_313 : i32
        %get3A_315 = arith.index_cast %add3A_314 : i32 to index
        %get3A_316 = arith.constant 48 : index
        %get3A_317 = tpu.vector_load %arg6[%get3A_315, %get3A_316] {strides = array<i32>} : memref<200x64xf32, #tpu.memory_space<vmem>>, vector<1x16xf32>,
        %get3A_318 = vector.shape_cast %get3A_317 : vector<1x16xf32> to vector<16xf32>
        %mul3A_319 = arith.constant 8.000000e+00 : f32
        %mul3A_320 = vector.broadcast %mul3A_319 : f32 to vector<16xf32>
        %mul3A_321 = arith.mulf %get3A_318, %mul3A_320 : vector<16xf32>
        %mul3A_322 = arith.constant 4 : i32
        %mul3A_323 = arith.muli %scan3A_252, %mul3A_322 : i32
        %add3A_324 = arith.constant 0 : i32
        %add3A_325 = arith.addi %mul3A_323, %add3A_324 : i32
        %swap3A_326 = arith.index_cast %add3A_325 : i32 to index
        %swap3A_327 = arith.constant 48 : index
        %swap3A_328 = tpu.vector_load %arg6[%swap3A_326, %swap3A_327] {strides = array<i32>} : memref<200x64xf32, #tpu.memory_space<vmem>>, vector<1x16xf32>,
        %swap3A_329 = vector.shape_cast %swap3A_328 : vector<1x16xf32> to vector<16xf32>
        %swap3A_330 = vector.shape_cast %mul3A_321 : vector<16xf32> to vector<1x16xf32>
        tpu.vector_store %arg6[%swap3A_326, %swap3A_327], %swap3A_330 {strides = array<i32>} : memref<200x64xf32, #tpu.memory_space<vmem>>, vector<1x16xf32>,
        %mul3A_331 = arith.constant 4 : i32
        %mul3A_332 = arith.muli %scan3A_252, %mul3A_331 : i32
        %add3A_333 = arith.constant 1 : i32
        %add3A_334 = arith.addi %mul3A_332, %add3A_333 : i32
        %get3A_335 = arith.index_cast %add3A_334 : i32 to index
        %get3A_336 = arith.constant 0 : index
        %get3A_337 = tpu.vector_load %arg6[%get3A_335, %get3A_336] {strides = array<i32>} : memref<200x64xf32, #tpu.memory_space<vmem>>, vector<1x16xf32>,
        %get3A_338 = vector.shape_cast %get3A_337 : vector<1x16xf32> to vector<16xf32>
        %mul3A_339 = arith.constant 8.000000e+00 : f32
        %mul3A_340 = vector.broadcast %mul3A_339 : f32 to vector<16xf32>
        %mul3A_341 = arith.mulf %get3A_338, %mul3A_340 : vector<16xf32>
        %mul3A_342 = arith.constant 4 : i32
        %mul3A_343 = arith.muli %scan3A_252, %mul3A_342 : i32
        %add3A_344 = arith.constant 1 : i32
        %add3A_345 = arith.addi %mul3A_343, %add3A_344 : i32
        %swap3A_346 = arith.index_cast %add3A_345 : i32 to index
        %swap3A_347 = arith.constant 0 : index
        %swap3A_348 = tpu.vector_load %arg6[%swap3A_346, %swap3A_347] {strides = array<i32>} : memref<200x64xf32, #tpu.memory_space<vmem>>, vector<1x16xf32>,
        %swap3A_349 = vector.shape_cast %swap3A_348 : vector<1x16xf32> to vector<16xf32>
        %swap3A_350 = vector.shape_cast %mul3A_341 : vector<16xf32> to vector<1x16xf32>
        tpu.vector_store %arg6[%swap3A_346, %swap3A_347], %swap3A_350 {strides = array<i32>} : memref<200x64xf32, #tpu.memory_space<vmem>>, vector<1x16xf32>,
        %mul3A_351 = arith.constant 4 : i32
        %mul3A_352 = arith.muli %scan3A_252, %mul3A_351 : i32
        %add3A_353 = arith.constant 1 : i32
        %add3A_354 = arith.addi %mul3A_352, %add3A_353 : i32
        %get3A_355 = arith.index_cast %add3A_354 : i32 to index
        %get3A_356 = arith.constant 16 : index
        %get3A_357 = tpu.vector_load %arg6[%get3A_355, %get3A_356] {strides = array<i32>} : memref<200x64xf32, #tpu.memory_space<vmem>>, vector<1x16xf32>,
        %get3A_358 = vector.shape_cast %get3A_357 : vector<1x16xf32> to vector<16xf32>
        %mul3A_359 = arith.constant 8.000000e+00 : f32
        %mul3A_360 = vector.broadcast %mul3A_359 : f32 to vector<16xf32>
        %mul3A_361 = arith.mulf %get3A_358, %mul3A_360 : vector<16xf32>
        %mul3A_362 = arith.constant 4 : i32
        %mul3A_363 = arith.muli %scan3A_252, %mul3A_362 : i32
        %add3A_364 = arith.constant 1 : i32
        %add3A_365 = arith.addi %mul3A_363, %add3A_364 : i32
        %swap3A_366 = arith.index_cast %add3A_365 : i32 to index
        %swap3A_367 = arith.constant 16 : index
        %swap3A_368 = tpu.vector_load %arg6[%swap3A_366, %swap3A_367] {strides = array<i32>} : memref<200x64xf32, #tpu.memory_space<vmem>>, vector<1x16xf32>,
        %swap3A_369 = vector.shape_cast %swap3A_368 : vector<1x16xf32> to vector<16xf32>
        %swap3A_370 = vector.shape_cast %mul3A_361 : vector<16xf32> to vector<1x16xf32>
        tpu.vector_store %arg6[%swap3A_366, %swap3A_367], %swap3A_370 {strides = array<i32>} : memref<200x64xf32, #tpu.memory_space<vmem>>, vector<1x16xf32>,
        %mul3A_371 = arith.constant 4 : i32
        %mul3A_372 = arith.muli %scan3A_252, %mul3A_371 : i32
        %add3A_373 = arith.constant 1 : i32
        %add3A_374 = arith.addi %mul3A_372, %add3A_373 : i32
        %get3A_375 = arith.index_cast %add3A_374 : i32 to index
        %get3A_376 = arith.constant 32 : index
        %get3A_377 = tpu.vector_load %arg6[%get3A_375, %get3A_376] {strides = array<i32>} : memref<200x64xf32, #tpu.memory_space<vmem>>, vector<1x16xf32>,
        %get3A_378 = vector.shape_cast %get3A_377 : vector<1x16xf32> to vector<16xf32>
        %mul3A_379 = arith.constant 8.000000e+00 : f32
        %mul3A_380 = vector.broadcast %mul3A_379 : f32 to vector<16xf32>
        %mul3A_381 = arith.mulf %get3A_378, %mul3A_380 : vector<16xf32>
        %mul3A_382 = arith.constant 4 : i32
        %mul3A_383 = arith.muli %scan3A_252, %mul3A_382 : i32
        %add3A_384 = arith.constant 1 : i32
        %add3A_385 = arith.addi %mul3A_383, %add3A_384 : i32
        %swap3A_386 = arith.index_cast %add3A_385 : i32 to index
        %swap3A_387 = arith.constant 32 : index
        %swap3A_388 = tpu.vector_load %arg6[%swap3A_386, %swap3A_387] {strides = array<i32>} : memref<200x64xf32, #tpu.memory_space<vmem>>, vector<1x16xf32>,
        %swap3A_389 = vector.shape_cast %swap3A_388 : vector<1x16xf32> to vector<16xf32>
        %swap3A_390 = vector.shape_cast %mul3A_381 : vector<16xf32> to vector<1x16xf32>
        tpu.vector_store %arg6[%swap3A_386, %swap3A_387], %swap3A_390 {strides = array<i32>} : memref<200x64xf32, #tpu.memory_space<vmem>>, vector<1x16xf32>,
        %mul3A_391 = arith.constant 4 : i32
        %mul3A_392 = arith.muli %scan3A_252, %mul3A_391 : i32
        %add3A_393 = arith.constant 1 : i32
        %add3A_394 = arith.addi %mul3A_392, %add3A_393 : i32
        %get3A_395 = arith.index_cast %add3A_394 : i32 to index
        %get3A_396 = arith.constant 48 : index
        %get3A_397 = tpu.vector_load %arg6[%get3A_395, %get3A_396] {strides = array<i32>} : memref<200x64xf32, #tpu.memory_space<vmem>>, vector<1x16xf32>,
        %get3A_398 = vector.shape_cast %get3A_397 : vector<1x16xf32> to vector<16xf32>
        %mul3A_399 = arith.constant 8.000000e+00 : f32
        %mul3A_400 = vector.broadcast %mul3A_399 : f32 to vector<16xf32>
        %mul3A_401 = arith.mulf %get3A_398, %mul3A_400 : vector<16xf32>
        %mul3A_402 = arith.constant 4 : i32
        %mul3A_403 = arith.muli %scan3A_252, %mul3A_402 : i32
        %add3A_404 = arith.constant 1 : i32
        %add3A_405 = arith.addi %mul3A_403, %add3A_404 : i32
        %swap3A_406 = arith.index_cast %add3A_405 : i32 to index
        %swap3A_407 = arith.constant 48 : index
        %swap3A_408 = tpu.vector_load %arg6[%swap3A_406, %swap3A_407] {strides = array<i32>} : memref<200x64xf32, #tpu.memory_space<vmem>>, vector<1x16xf32>,
        %swap3A_409 = vector.shape_cast %swap3A_408 : vector<1x16xf32> to vector<16xf32>
        %swap3A_410 = vector.shape_cast %mul3A_401 : vector<16xf32> to vector<1x16xf32>
        tpu.vector_store %arg6[%swap3A_406, %swap3A_407], %swap3A_410 {strides = array<i32>} : memref<200x64xf32, #tpu.memory_space<vmem>>, vector<1x16xf32>,
        %mul3A_411 = arith.constant 4 : i32
        %mul3A_412 = arith.muli %scan3A_252, %mul3A_411 : i32
        %add3A_413 = arith.constant 2 : i32
        %add3A_414 = arith.addi %mul3A_412, %add3A_413 : i32
        %get3A_415 = arith.index_cast %add3A_414 : i32 to index
        %get3A_416 = arith.constant 0 : index
        %get3A_417 = tpu.vector_load %arg6[%get3A_415, %get3A_416] {strides = array<i32>} : memref<200x64xf32, #tpu.memory_space<vmem>>, vector<1x16xf32>,
        %get3A_418 = vector.shape_cast %get3A_417 : vector<1x16xf32> to vector<16xf32>
        %mul3A_419 = arith.constant 8.000000e+00 : f32
        %mul3A_420 = vector.broadcast %mul3A_419 : f32 to vector<16xf32>
        %mul3A_421 = arith.mulf %get3A_418, %mul3A_420 : vector<16xf32>
        %mul3A_422 = arith.constant 4 : i32
        %mul3A_423 = arith.muli %scan3A_252, %mul3A_422 : i32
        %add3A_424 = arith.constant 2 : i32
        %add3A_425 = arith.addi %mul3A_423, %add3A_424 : i32
        %swap3A_426 = arith.index_cast %add3A_425 : i32 to index
        %swap3A_427 = arith.constant 0 : index
        %swap3A_428 = tpu.vector_load %arg6[%swap3A_426, %swap3A_427] {strides = array<i32>} : memref<200x64xf32, #tpu.memory_space<vmem>>, vector<1x16xf32>,
        %swap3A_429 = vector.shape_cast %swap3A_428 : vector<1x16xf32> to vector<16xf32>
        %swap3A_430 = vector.shape_cast %mul3A_421 : vector<16xf32> to vector<1x16xf32>
        tpu.vector_store %arg6[%swap3A_426, %swap3A_427], %swap3A_430 {strides = array<i32>} : memref<200x64xf32, #tpu.memory_space<vmem>>, vector<1x16xf32>,
        %mul3A_431 = arith.constant 4 : i32
        %mul3A_432 = arith.muli %scan3A_252, %mul3A_431 : i32
        %add3A_433 = arith.constant 2 : i32
        %add3A_434 = arith.addi %mul3A_432, %add3A_433 : i32
        %get3A_435 = arith.index_cast %add3A_434 : i32 to index
        %get3A_436 = arith.constant 16 : index
        %get3A_437 = tpu.vector_load %arg6[%get3A_435, %get3A_436] {strides = array<i32>} : memref<200x64xf32, #tpu.memory_space<vmem>>, vector<1x16xf32>,
        %get3A_438 = vector.shape_cast %get3A_437 : vector<1x16xf32> to vector<16xf32>
        %mul3A_439 = arith.constant 8.000000e+00 : f32
        %mul3A_440 = vector.broadcast %mul3A_439 : f32 to vector<16xf32>
        %mul3A_441 = arith.mulf %get3A_438, %mul3A_440 : vector<16xf32>
        %mul3A_442 = arith.constant 4 : i32
        %mul3A_443 = arith.muli %scan3A_252, %mul3A_442 : i32
        %add3A_444 = arith.constant 2 : i32
        %add3A_445 = arith.addi %mul3A_443, %add3A_444 : i32
        %swap3A_446 = arith.index_cast %add3A_445 : i32 to index
        %swap3A_447 = arith.constant 16 : index
        %swap3A_448 = tpu.vector_load %arg6[%swap3A_446, %swap3A_447] {strides = array<i32>} : memref<200x64xf32, #tpu.memory_space<vmem>>, vector<1x16xf32>,
        %swap3A_449 = vector.shape_cast %swap3A_448 : vector<1x16xf32> to vector<16xf32>
        %swap3A_450 = vector.shape_cast %mul3A_441 : vector<16xf32> to vector<1x16xf32>
        tpu.vector_store %arg6[%swap3A_446, %swap3A_447], %swap3A_450 {strides = array<i32>} : memref<200x64xf32, #tpu.memory_space<vmem>>, vector<1x16xf32>,
        %mul3A_451 = arith.constant 4 : i32
        %mul3A_452 = arith.muli %scan3A_252, %mul3A_451 : i32
        %add3A_453 = arith.constant 2 : i32
        %add3A_454 = arith.addi %mul3A_452, %add3A_453 : i32
        %get3A_455 = arith.index_cast %add3A_454 : i32 to index
        %get3A_456 = arith.constant 32 : index
        %get3A_457 = tpu.vector_load %arg6[%get3A_455, %get3A_456] {strides = array<i32>} : memref<200x64xf32, #tpu.memory_space<vmem>>, vector<1x16xf32>,
        %get3A_458 = vector.shape_cast %get3A_457 : vector<1x16xf32> to vector<16xf32>
        %mul3A_459 = arith.constant 8.000000e+00 : f32
        %mul3A_460 = vector.broadcast %mul3A_459 : f32 to vector<16xf32>
        %mul3A_461 = arith.mulf %get3A_458, %mul3A_460 : vector<16xf32>
        %mul3A_462 = arith.constant 4 : i32
        %mul3A_463 = arith.muli %scan3A_252, %mul3A_462 : i32
        %add3A_464 = arith.constant 2 : i32
        %add3A_465 = arith.addi %mul3A_463, %add3A_464 : i32
        %swap3A_466 = arith.index_cast %add3A_465 : i32 to index
        %swap3A_467 = arith.constant 32 : index
        %swap3A_468 = tpu.vector_load %arg6[%swap3A_466, %swap3A_467] {strides = array<i32>} : memref<200x64xf32, #tpu.memory_space<vmem>>, vector<1x16xf32>,
        %swap3A_469 = vector.shape_cast %swap3A_468 : vector<1x16xf32> to vector<16xf32>
        %swap3A_470 = vector.shape_cast %mul3A_461 : vector<16xf32> to vector<1x16xf32>
        tpu.vector_store %arg6[%swap3A_466, %swap3A_467], %swap3A_470 {strides = array<i32>} : memref<200x64xf32, #tpu.memory_space<vmem>>, vector<1x16xf32>,
        %mul3A_471 = arith.constant 4 : i32
        %mul3A_472 = arith.muli %scan3A_252, %mul3A_471 : i32
        %add3A_473 = arith.constant 2 : i32
        %add3A_474 = arith.addi %mul3A_472, %add3A_473 : i32
        %get3A_475 = arith.index_cast %add3A_474 : i32 to index
        %get3A_476 = arith.constant 48 : index
        %get3A_477 = tpu.vector_load %arg6[%get3A_475, %get3A_476] {strides = array<i32>} : memref<200x64xf32, #tpu.memory_space<vmem>>, vector<1x16xf32>,
        %get3A_478 = vector.shape_cast %get3A_477 : vector<1x16xf32> to vector<16xf32>
        %mul3A_479 = arith.constant 8.000000e+00 : f32
        %mul3A_480 = vector.broadcast %mul3A_479 : f32 to vector<16xf32>
        %mul3A_481 = arith.mulf %get3A_478, %mul3A_480 : vector<16xf32>
        %mul3A_482 = arith.constant 4 : i32
        %mul3A_483 = arith.muli %scan3A_252, %mul3A_482 : i32
        %add3A_484 = arith.constant 2 : i32
        %add3A_485 = arith.addi %mul3A_483, %add3A_484 : i32
        %swap3A_486 = arith.index_cast %add3A_485 : i32 to index
        %swap3A_487 = arith.constant 48 : index
        %swap3A_488 = tpu.vector_load %arg6[%swap3A_486, %swap3A_487] {strides = array<i32>} : memref<200x64xf32, #tpu.memory_space<vmem>>, vector<1x16xf32>,
        %swap3A_489 = vector.shape_cast %swap3A_488 : vector<1x16xf32> to vector<16xf32>
        %swap3A_490 = vector.shape_cast %mul3A_481 : vector<16xf32> to vector<1x16xf32>
        tpu.vector_store %arg6[%swap3A_486, %swap3A_487], %swap3A_490 {strides = array<i32>} : memref<200x64xf32, #tpu.memory_space<vmem>>, vector<1x16xf32>,
        %mul3A_491 = arith.constant 4 : i32
        %mul3A_492 = arith.muli %scan3A_252, %mul3A_491 : i32
        %add3A_493 = arith.constant 3 : i32
        %add3A_494 = arith.addi %mul3A_492, %add3A_493 : i32
        %get3A_495 = arith.index_cast %add3A_494 : i32 to index
        %get3A_496 = arith.constant 0 : index
        %get3A_497 = tpu.vector_load %arg6[%get3A_495, %get3A_496] {strides = array<i32>} : memref<200x64xf32, #tpu.memory_space<vmem>>, vector<1x16xf32>,
        %get3A_498 = vector.shape_cast %get3A_497 : vector<1x16xf32> to vector<16xf32>
        %mul3A_499 = arith.constant 8.000000e+00 : f32
        %mul3A_500 = vector.broadcast %mul3A_499 : f32 to vector<16xf32>
        %mul3A_501 = arith.mulf %get3A_498, %mul3A_500 : vector<16xf32>
        %mul3A_502 = arith.constant 4 : i32
        %mul3A_503 = arith.muli %scan3A_252, %mul3A_502 : i32
        %add3A_504 = arith.constant 3 : i32
        %add3A_505 = arith.addi %mul3A_503, %add3A_504 : i32
        %swap3A_506 = arith.index_cast %add3A_505 : i32 to index
        %swap3A_507 = arith.constant 0 : index
        %swap3A_508 = tpu.vector_load %arg6[%swap3A_506, %swap3A_507] {strides = array<i32>} : memref<200x64xf32, #tpu.memory_space<vmem>>, vector<1x16xf32>,
        %swap3A_509 = vector.shape_cast %swap3A_508 : vector<1x16xf32> to vector<16xf32>
        %swap3A_510 = vector.shape_cast %mul3A_501 : vector<16xf32> to vector<1x16xf32>
        tpu.vector_store %arg6[%swap3A_506, %swap3A_507], %swap3A_510 {strides = array<i32>} : memref<200x64xf32, #tpu.memory_space<vmem>>, vector<1x16xf32>,
        %mul3A_511 = arith.constant 4 : i32
        %mul3A_512 = arith.muli %scan3A_252, %mul3A_511 : i32
        %add3A_513 = arith.constant 3 : i32
        %add3A_514 = arith.addi %mul3A_512, %add3A_513 : i32
        %get3A_515 = arith.index_cast %add3A_514 : i32 to index
        %get3A_516 = arith.constant 16 : index
        %get3A_517 = tpu.vector_load %arg6[%get3A_515, %get3A_516] {strides = array<i32>} : memref<200x64xf32, #tpu.memory_space<vmem>>, vector<1x16xf32>,
        %get3A_518 = vector.shape_cast %get3A_517 : vector<1x16xf32> to vector<16xf32>
        %mul3A_519 = arith.constant 8.000000e+00 : f32
        %mul3A_520 = vector.broadcast %mul3A_519 : f32 to vector<16xf32>
        %mul3A_521 = arith.mulf %get3A_518, %mul3A_520 : vector<16xf32>
        %mul3A_522 = arith.constant 4 : i32
        %mul3A_523 = arith.muli %scan3A_252, %mul3A_522 : i32
        %add3A_524 = arith.constant 3 : i32
        %add3A_525 = arith.addi %mul3A_523, %add3A_524 : i32
        %swap3A_526 = arith.index_cast %add3A_525 : i32 to index
        %swap3A_527 = arith.constant 16 : index
        %swap3A_528 = tpu.vector_load %arg6[%swap3A_526, %swap3A_527] {strides = array<i32>} : memref<200x64xf32, #tpu.memory_space<vmem>>, vector<1x16xf32>,
        %swap3A_529 = vector.shape_cast %swap3A_528 : vector<1x16xf32> to vector<16xf32>
        %swap3A_530 = vector.shape_cast %mul3A_521 : vector<16xf32> to vector<1x16xf32>
        tpu.vector_store %arg6[%swap3A_526, %swap3A_527], %swap3A_530 {strides = array<i32>} : memref<200x64xf32, #tpu.memory_space<vmem>>, vector<1x16xf32>,
        %mul3A_531 = arith.constant 4 : i32
        %mul3A_532 = arith.muli %scan3A_252, %mul3A_531 : i32
        %add3A_533 = arith.constant 3 : i32
        %add3A_534 = arith.addi %mul3A_532, %add3A_533 : i32
        %get3A_535 = arith.index_cast %add3A_534 : i32 to index
        %get3A_536 = arith.constant 32 : index
        %get3A_537 = tpu.vector_load %arg6[%get3A_535, %get3A_536] {strides = array<i32>} : memref<200x64xf32, #tpu.memory_space<vmem>>, vector<1x16xf32>,
        %get3A_538 = vector.shape_cast %get3A_537 : vector<1x16xf32> to vector<16xf32>
        %mul3A_539 = arith.constant 8.000000e+00 : f32
        %mul3A_540 = vector.broadcast %mul3A_539 : f32 to vector<16xf32>
        %mul3A_541 = arith.mulf %get3A_538, %mul3A_540 : vector<16xf32>
        %mul3A_542 = arith.constant 4 : i32
        %mul3A_543 = arith.muli %scan3A_252, %mul3A_542 : i32
        %add3A_544 = arith.constant 3 : i32
        %add3A_545 = arith.addi %mul3A_543, %add3A_544 : i32
        %swap3A_546 = arith.index_cast %add3A_545 : i32 to index
        %swap3A_547 = arith.constant 32 : index
        %swap3A_548 = tpu.vector_load %arg6[%swap3A_546, %swap3A_547] {strides = array<i32>} : memref<200x64xf32, #tpu.memory_space<vmem>>, vector<1x16xf32>,
        %swap3A_549 = vector.shape_cast %swap3A_548 : vector<1x16xf32> to vector<16xf32>
        %swap3A_550 = vector.shape_cast %mul3A_541 : vector<16xf32> to vector<1x16xf32>
        tpu.vector_store %arg6[%swap3A_546, %swap3A_547], %swap3A_550 {strides = array<i32>} : memref<200x64xf32, #tpu.memory_space<vmem>>, vector<1x16xf32>,
        %mul3A_551 = arith.constant 4 : i32
        %mul3A_552 = arith.muli %scan3A_252, %mul3A_551 : i32
        %add3A_553 = arith.constant 3 : i32
        %add3A_554 = arith.addi %mul3A_552, %add3A_553 : i32
        %get3A_555 = arith.index_cast %add3A_554 : i32 to index
        %get3A_556 = arith.constant 48 : index
        %get3A_557 = tpu.vector_load %arg6[%get3A_555, %get3A_556] {strides = array<i32>} : memref<200x64xf32, #tpu.memory_space<vmem>>, vector<1x16xf32>,
        %get3A_558 = vector.shape_cast %get3A_557 : vector<1x16xf32> to vector<16xf32>
        %mul3A_559 = arith.constant 8.000000e+00 : f32
        %mul3A_560 = vector.broadcast %mul3A_559 : f32 to vector<16xf32>
        %mul3A_561 = arith.mulf %get3A_558, %mul3A_560 : vector<16xf32>
        %mul3A_562 = arith.constant 4 : i32
        %mul3A_563 = arith.muli %scan3A_252, %mul3A_562 : i32
        %add3A_564 = arith.constant 3 : i32
        %add3A_565 = arith.addi %mul3A_563, %add3A_564 : i32
        %swap3A_566 = arith.index_cast %add3A_565 : i32 to index
        %swap3A_567 = arith.constant 48 : index
        %swap3A_568 = tpu.vector_load %arg6[%swap3A_566, %swap3A_567] {strides = array<i32>} : memref<200x64xf32, #tpu.memory_space<vmem>>, vector<1x16xf32>,
        %swap3A_569 = vector.shape_cast %swap3A_568 : vector<1x16xf32> to vector<16xf32>
        %swap3A_570 = vector.shape_cast %mul3A_561 : vector<16xf32> to vector<1x16xf32>
        tpu.vector_store %arg6[%swap3A_566, %swap3A_567], %swap3A_570 {strides = array<i32>} : memref<200x64xf32, #tpu.memory_space<vmem>>, vector<1x16xf32>,
        %scan3A_571 = arith.constant 1 : i32
        %scan3A_572 = arith.addi %scan3A_252, %scan3A_571 : i32
        %mul3A_573 = arith.constant 4 : i32
        %mul3A_574 = arith.muli %scan3A_572, %mul3A_573 : i32
        %add3A_575 = arith.constant 0 : i32
        %add3A_576 = arith.addi %mul3A_574, %add3A_575 : i32
        %get3A_577 = arith.index_cast %add3A_576 : i32 to index
        %get3A_578 = arith.constant 0 : index
        %get3A_579 = tpu.vector_load %arg6[%get3A_577, %get3A_578] {strides = array<i32>} : memref<200x64xf32, #tpu.memory_space<vmem>>, vector<1x16xf32>,
        %get3A_580 = vector.shape_cast %get3A_579 : vector<1x16xf32> to vector<16xf32>
        %mul3A_581 = arith.constant 8.000000e+00 : f32
        %mul3A_582 = vector.broadcast %mul3A_581 : f32 to vector<16xf32>
        %mul3A_583 = arith.mulf %get3A_580, %mul3A_582 : vector<16xf32>
        %mul3A_584 = arith.constant 4 : i32
        %mul3A_585 = arith.muli %scan3A_572, %mul3A_584 : i32
        %add3A_586 = arith.constant 0 : i32
        %add3A_587 = arith.addi %mul3A_585, %add3A_586 : i32
        %swap3A_588 = arith.index_cast %add3A_587 : i32 to index
        %swap3A_589 = arith.constant 0 : index
        %swap3A_590 = tpu.vector_load %arg6[%swap3A_588, %swap3A_589] {strides = array<i32>} : memref<200x64xf32, #tpu.memory_space<vmem>>, vector<1x16xf32>,
        %swap3A_591 = vector.shape_cast %swap3A_590 : vector<1x16xf32> to vector<16xf32>
        %swap3A_592 = vector.shape_cast %mul3A_583 : vector<16xf32> to vector<1x16xf32>
        tpu.vector_store %arg6[%swap3A_588, %swap3A_589], %swap3A_592 {strides = array<i32>} : memref<200x64xf32, #tpu.memory_space<vmem>>, vector<1x16xf32>,
        %mul3A_593 = arith.constant 4 : i32
        %mul3A_594 = arith.muli %scan3A_572, %mul3A_593 : i32
        %add3A_595 = arith.constant 0 : i32
        %add3A_596 = arith.addi %mul3A_594, %add3A_595 : i32
        %get3A_597 = arith.index_cast %add3A_596 : i32 to index
        %get3A_598 = arith.constant 16 : index
        %get3A_599 = tpu.vector_load %arg6[%get3A_597, %get3A_598] {strides = array<i32>} : memref<200x64xf32, #tpu.memory_space<vmem>>, vector<1x16xf32>,
        %get3A_600 = vector.shape_cast %get3A_599 : vector<1x16xf32> to vector<16xf32>
        %mul3A_601 = arith.constant 8.000000e+00 : f32
        %mul3A_602 = vector.broadcast %mul3A_601 : f32 to vector<16xf32>
        %mul3A_603 = arith.mulf %get3A_600, %mul3A_602 : vector<16xf32>
        %mul3A_604 = arith.constant 4 : i32
        %mul3A_605 = arith.muli %scan3A_572, %mul3A_604 : i32
        %add3A_606 = arith.constant 0 : i32
        %add3A_607 = arith.addi %mul3A_605, %add3A_606 : i32
        %swap3A_608 = arith.index_cast %add3A_607 : i32 to index
        %swap3A_609 = arith.constant 16 : index
        %swap3A_610 = tpu.vector_load %arg6[%swap3A_608, %swap3A_609] {strides = array<i32>} : memref<200x64xf32, #tpu.memory_space<vmem>>, vector<1x16xf32>,
        %swap3A_611 = vector.shape_cast %swap3A_610 : vector<1x16xf32> to vector<16xf32>
        %swap3A_612 = vector.shape_cast %mul3A_603 : vector<16xf32> to vector<1x16xf32>
        tpu.vector_store %arg6[%swap3A_608, %swap3A_609], %swap3A_612 {strides = array<i32>} : memref<200x64xf32, #tpu.memory_space<vmem>>, vector<1x16xf32>,
        %mul3A_613 = arith.constant 4 : i32
        %mul3A_614 = arith.muli %scan3A_572, %mul3A_613 : i32
        %add3A_615 = arith.constant 0 : i32
        %add3A_616 = arith.addi %mul3A_614, %add3A_615 : i32
        %get3A_617 = arith.index_cast %add3A_616 : i32 to index
        %get3A_618 = arith.constant 32 : index
        %get3A_619 = tpu.vector_load %arg6[%get3A_617, %get3A_618] {strides = array<i32>} : memref<200x64xf32, #tpu.memory_space<vmem>>, vector<1x16xf32>,
        %get3A_620 = vector.shape_cast %get3A_619 : vector<1x16xf32> to vector<16xf32>
        %mul3A_621 = arith.constant 8.000000e+00 : f32
        %mul3A_622 = vector.broadcast %mul3A_621 : f32 to vector<16xf32>
        %mul3A_623 = arith.mulf %get3A_620, %mul3A_622 : vector<16xf32>
        %mul3A_624 = arith.constant 4 : i32
        %mul3A_625 = arith.muli %scan3A_572, %mul3A_624 : i32
        %add3A_626 = arith.constant 0 : i32
        %add3A_627 = arith.addi %mul3A_625, %add3A_626 : i32
        %swap3A_628 = arith.index_cast %add3A_627 : i32 to index
        %swap3A_629 = arith.constant 32 : index
        %swap3A_630 = tpu.vector_load %arg6[%swap3A_628, %swap3A_629] {strides = array<i32>} : memref<200x64xf32, #tpu.memory_space<vmem>>, vector<1x16xf32>,
        %swap3A_631 = vector.shape_cast %swap3A_630 : vector<1x16xf32> to vector<16xf32>
        %swap3A_632 = vector.shape_cast %mul3A_623 : vector<16xf32> to vector<1x16xf32>
        tpu.vector_store %arg6[%swap3A_628, %swap3A_629], %swap3A_632 {strides = array<i32>} : memref<200x64xf32, #tpu.memory_space<vmem>>, vector<1x16xf32>,
        %mul3A_633 = arith.constant 4 : i32
        %mul3A_634 = arith.muli %scan3A_572, %mul3A_633 : i32
        %add3A_635 = arith.constant 0 : i32
        %add3A_636 = arith.addi %mul3A_634, %add3A_635 : i32
        %get3A_637 = arith.index_cast %add3A_636 : i32 to index
        %get3A_638 = arith.constant 48 : index
        %get3A_639 = tpu.vector_load %arg6[%get3A_637, %get3A_638] {strides = array<i32>} : memref<200x64xf32, #tpu.memory_space<vmem>>, vector<1x16xf32>,
        %get3A_640 = vector.shape_cast %get3A_639 : vector<1x16xf32> to vector<16xf32>
        %mul3A_641 = arith.constant 8.000000e+00 : f32
        %mul3A_642 = vector.broadcast %mul3A_641 : f32 to vector<16xf32>
        %mul3A_643 = arith.mulf %get3A_640, %mul3A_642 : vector<16xf32>
        %mul3A_644 = arith.constant 4 : i32
        %mul3A_645 = arith.muli %scan3A_572, %mul3A_644 : i32
        %add3A_646 = arith.constant 0 : i32
        %add3A_647 = arith.addi %mul3A_645, %add3A_646 : i32
        %swap3A_648 = arith.index_cast %add3A_647 : i32 to index
        %swap3A_649 = arith.constant 48 : index
        %swap3A_650 = tpu.vector_load %arg6[%swap3A_648, %swap3A_649] {strides = array<i32>} : memref<200x64xf32, #tpu.memory_space<vmem>>, vector<1x16xf32>,
        %swap3A_651 = vector.shape_cast %swap3A_650 : vector<1x16xf32> to vector<16xf32>
        %swap3A_652 = vector.shape_cast %mul3A_643 : vector<16xf32> to vector<1x16xf32>
        tpu.vector_store %arg6[%swap3A_648, %swap3A_649], %swap3A_652 {strides = array<i32>} : memref<200x64xf32, #tpu.memory_space<vmem>>, vector<1x16xf32>,
        %mul3A_653 = arith.constant 4 : i32
        %mul3A_654 = arith.muli %scan3A_572, %mul3A_653 : i32
        %add3A_655 = arith.constant 1 : i32
        %add3A_656 = arith.addi %mul3A_654, %add3A_655 : i32
        %get3A_657 = arith.index_cast %add3A_656 : i32 to index
        %get3A_658 = arith.constant 0 : index
        %get3A_659 = tpu.vector_load %arg6[%get3A_657, %get3A_658] {strides = array<i32>} : memref<200x64xf32, #tpu.memory_space<vmem>>, vector<1x16xf32>,
        %get3A_660 = vector.shape_cast %get3A_659 : vector<1x16xf32> to vector<16xf32>
        %mul3A_661 = arith.constant 8.000000e+00 : f32
        %mul3A_662 = vector.broadcast %mul3A_661 : f32 to vector<16xf32>
        %mul3A_663 = arith.mulf %get3A_660, %mul3A_662 : vector<16xf32>
        %mul3A_664 = arith.constant 4 : i32
        %mul3A_665 = arith.muli %scan3A_572, %mul3A_664 : i32
        %add3A_666 = arith.constant 1 : i32
        %add3A_667 = arith.addi %mul3A_665, %add3A_666 : i32
        %swap3A_668 = arith.index_cast %add3A_667 : i32 to index
        %swap3A_669 = arith.constant 0 : index
        %swap3A_670 = tpu.vector_load %arg6[%swap3A_668, %swap3A_669] {strides = array<i32>} : memref<200x64xf32, #tpu.memory_space<vmem>>, vector<1x16xf32>,
        %swap3A_671 = vector.shape_cast %swap3A_670 : vector<1x16xf32> to vector<16xf32>
        %swap3A_672 = vector.shape_cast %mul3A_663 : vector<16xf32> to vector<1x16xf32>
        tpu.vector_store %arg6[%swap3A_668, %swap3A_669], %swap3A_672 {strides = array<i32>} : memref<200x64xf32, #tpu.memory_space<vmem>>, vector<1x16xf32>,
        %mul3A_673 = arith.constant 4 : i32
        %mul3A_674 = arith.muli %scan3A_572, %mul3A_673 : i32
        %add3A_675 = arith.constant 1 : i32
        %add3A_676 = arith.addi %mul3A_674, %add3A_675 : i32
        %get3A_677 = arith.index_cast %add3A_676 : i32 to index
        %get3A_678 = arith.constant 16 : index
        %get3A_679 = tpu.vector_load %arg6[%get3A_677, %get3A_678] {strides = array<i32>} : memref<200x64xf32, #tpu.memory_space<vmem>>, vector<1x16xf32>,
        %get3A_680 = vector.shape_cast %get3A_679 : vector<1x16xf32> to vector<16xf32>
        %mul3A_681 = arith.constant 8.000000e+00 : f32
        %mul3A_682 = vector.broadcast %mul3A_681 : f32 to vector<16xf32>
        %mul3A_683 = arith.mulf %get3A_680, %mul3A_682 : vector<16xf32>
        %mul3A_684 = arith.constant 4 : i32
        %mul3A_685 = arith.muli %scan3A_572, %mul3A_684 : i32
        %add3A_686 = arith.constant 1 : i32
        %add3A_687 = arith.addi %mul3A_685, %add3A_686 : i32
        %swap3A_688 = arith.index_cast %add3A_687 : i32 to index
        %swap3A_689 = arith.constant 16 : index
        %swap3A_690 = tpu.vector_load %arg6[%swap3A_688, %swap3A_689] {strides = array<i32>} : memref<200x64xf32, #tpu.memory_space<vmem>>, vector<1x16xf32>,
        %swap3A_691 = vector.shape_cast %swap3A_690 : vector<1x16xf32> to vector<16xf32>
        %swap3A_692 = vector.shape_cast %mul3A_683 : vector<16xf32> to vector<1x16xf32>
        tpu.vector_store %arg6[%swap3A_688, %swap3A_689], %swap3A_692 {strides = array<i32>} : memref<200x64xf32, #tpu.memory_space<vmem>>, vector<1x16xf32>,
        %mul3A_693 = arith.constant 4 : i32
        %mul3A_694 = arith.muli %scan3A_572, %mul3A_693 : i32
        %add3A_695 = arith.constant 1 : i32
        %add3A_696 = arith.addi %mul3A_694, %add3A_695 : i32
        %get3A_697 = arith.index_cast %add3A_696 : i32 to index
        %get3A_698 = arith.constant 32 : index
        %get3A_699 = tpu.vector_load %arg6[%get3A_697, %get3A_698] {strides = array<i32>} : memref<200x64xf32, #tpu.memory_space<vmem>>, vector<1x16xf32>,
        %get3A_700 = vector.shape_cast %get3A_699 : vector<1x16xf32> to vector<16xf32>
        %mul3A_701 = arith.constant 8.000000e+00 : f32
        %mul3A_702 = vector.broadcast %mul3A_701 : f32 to vector<16xf32>
        %mul3A_703 = arith.mulf %get3A_700, %mul3A_702 : vector<16xf32>
        %mul3A_704 = arith.constant 4 : i32
        %mul3A_705 = arith.muli %scan3A_572, %mul3A_704 : i32
        %add3A_706 = arith.constant 1 : i32
        %add3A_707 = arith.addi %mul3A_705, %add3A_706 : i32
        %swap3A_708 = arith.index_cast %add3A_707 : i32 to index
        %swap3A_709 = arith.constant 32 : index
        %swap3A_710 = tpu.vector_load %arg6[%swap3A_708, %swap3A_709] {strides = array<i32>} : memref<200x64xf32, #tpu.memory_space<vmem>>, vector<1x16xf32>,
        %swap3A_711 = vector.shape_cast %swap3A_710 : vector<1x16xf32> to vector<16xf32>
        %swap3A_712 = vector.shape_cast %mul3A_703 : vector<16xf32> to vector<1x16xf32>
        tpu.vector_store %arg6[%swap3A_708, %swap3A_709], %swap3A_712 {strides = array<i32>} : memref<200x64xf32, #tpu.memory_space<vmem>>, vector<1x16xf32>,
        %mul3A_713 = arith.constant 4 : i32
        %mul3A_714 = arith.muli %scan3A_572, %mul3A_713 : i32
        %add3A_715 = arith.constant 1 : i32
        %add3A_716 = arith.addi %mul3A_714, %add3A_715 : i32
        %get3A_717 = arith.index_cast %add3A_716 : i32 to index
        %get3A_718 = arith.constant 48 : index
        %get3A_719 = tpu.vector_load %arg6[%get3A_717, %get3A_718] {strides = array<i32>} : memref<200x64xf32, #tpu.memory_space<vmem>>, vector<1x16xf32>,
        %get3A_720 = vector.shape_cast %get3A_719 : vector<1x16xf32> to vector<16xf32>
        %mul3A_721 = arith.constant 8.000000e+00 : f32
        %mul3A_722 = vector.broadcast %mul3A_721 : f32 to vector<16xf32>
        %mul3A_723 = arith.mulf %get3A_720, %mul3A_722 : vector<16xf32>
        %mul3A_724 = arith.constant 4 : i32
        %mul3A_725 = arith.muli %scan3A_572, %mul3A_724 : i32
        %add3A_726 = arith.constant 1 : i32
        %add3A_727 = arith.addi %mul3A_725, %add3A_726 : i32
        %swap3A_728 = arith.index_cast %add3A_727 : i32 to index
        %swap3A_729 = arith.constant 48 : index
        %swap3A_730 = tpu.vector_load %arg6[%swap3A_728, %swap3A_729] {strides = array<i32>} : memref<200x64xf32, #tpu.memory_space<vmem>>, vector<1x16xf32>,
        %swap3A_731 = vector.shape_cast %swap3A_730 : vector<1x16xf32> to vector<16xf32>
        %swap3A_732 = vector.shape_cast %mul3A_723 : vector<16xf32> to vector<1x16xf32>
        tpu.vector_store %arg6[%swap3A_728, %swap3A_729], %swap3A_732 {strides = array<i32>} : memref<200x64xf32, #tpu.memory_space<vmem>>, vector<1x16xf32>,
        %mul3A_733 = arith.constant 4 : i32
        %mul3A_734 = arith.muli %scan3A_572, %mul3A_733 : i32
        %add3A_735 = arith.constant 2 : i32
        %add3A_736 = arith.addi %mul3A_734, %add3A_735 : i32
        %get3A_737 = arith.index_cast %add3A_736 : i32 to index
        %get3A_738 = arith.constant 0 : index
        %get3A_739 = tpu.vector_load %arg6[%get3A_737, %get3A_738] {strides = array<i32>} : memref<200x64xf32, #tpu.memory_space<vmem>>, vector<1x16xf32>,
        %get3A_740 = vector.shape_cast %get3A_739 : vector<1x16xf32> to vector<16xf32>
        %mul3A_741 = arith.constant 8.000000e+00 : f32
        %mul3A_742 = vector.broadcast %mul3A_741 : f32 to vector<16xf32>
        %mul3A_743 = arith.mulf %get3A_740, %mul3A_742 : vector<16xf32>
        %mul3A_744 = arith.constant 4 : i32
        %mul3A_745 = arith.muli %scan3A_572, %mul3A_744 : i32
        %add3A_746 = arith.constant 2 : i32
        %add3A_747 = arith.addi %mul3A_745, %add3A_746 : i32
        %swap3A_748 = arith.index_cast %add3A_747 : i32 to index
        %swap3A_749 = arith.constant 0 : index
        %swap3A_750 = tpu.vector_load %arg6[%swap3A_748, %swap3A_749] {strides = array<i32>} : memref<200x64xf32, #tpu.memory_space<vmem>>, vector<1x16xf32>,
        %swap3A_751 = vector.shape_cast %swap3A_750 : vector<1x16xf32> to vector<16xf32>
        %swap3A_752 = vector.shape_cast %mul3A_743 : vector<16xf32> to vector<1x16xf32>
        tpu.vector_store %arg6[%swap3A_748, %swap3A_749], %swap3A_752 {strides = array<i32>} : memref<200x64xf32, #tpu.memory_space<vmem>>, vector<1x16xf32>,
        %mul3A_753 = arith.constant 4 : i32
        %mul3A_754 = arith.muli %scan3A_572, %mul3A_753 : i32
        %add3A_755 = arith.constant 2 : i32
        %add3A_756 = arith.addi %mul3A_754, %add3A_755 : i32
        %get3A_757 = arith.index_cast %add3A_756 : i32 to index
        %get3A_758 = arith.constant 16 : index
        %get3A_759 = tpu.vector_load %arg6[%get3A_757, %get3A_758] {strides = array<i32>} : memref<200x64xf32, #tpu.memory_space<vmem>>, vector<1x16xf32>,
        %get3A_760 = vector.shape_cast %get3A_759 : vector<1x16xf32> to vector<16xf32>
        %mul3A_761 = arith.constant 8.000000e+00 : f32
        %mul3A_762 = vector.broadcast %mul3A_761 : f32 to vector<16xf32>
        %mul3A_763 = arith.mulf %get3A_760, %mul3A_762 : vector<16xf32>
        %mul3A_764 = arith.constant 4 : i32
        %mul3A_765 = arith.muli %scan3A_572, %mul3A_764 : i32
        %add3A_766 = arith.constant 2 : i32
        %add3A_767 = arith.addi %mul3A_765, %add3A_766 : i32
        %swap3A_768 = arith.index_cast %add3A_767 : i32 to index
        %swap3A_769 = arith.constant 16 : index
        %swap3A_770 = tpu.vector_load %arg6[%swap3A_768, %swap3A_769] {strides = array<i32>} : memref<200x64xf32, #tpu.memory_space<vmem>>, vector<1x16xf32>,
        %swap3A_771 = vector.shape_cast %swap3A_770 : vector<1x16xf32> to vector<16xf32>
        %swap3A_772 = vector.shape_cast %mul3A_763 : vector<16xf32> to vector<1x16xf32>
        tpu.vector_store %arg6[%swap3A_768, %swap3A_769], %swap3A_772 {strides = array<i32>} : memref<200x64xf32, #tpu.memory_space<vmem>>, vector<1x16xf32>,
        %mul3A_773 = arith.constant 4 : i32
        %mul3A_774 = arith.muli %scan3A_572, %mul3A_773 : i32
        %add3A_775 = arith.constant 2 : i32
        %add3A_776 = arith.addi %mul3A_774, %add3A_775 : i32
        %get3A_777 = arith.index_cast %add3A_776 : i32 to index
        %get3A_778 = arith.constant 32 : index
        %get3A_779 = tpu.vector_load %arg6[%get3A_777, %get3A_778] {strides = array<i32>} : memref<200x64xf32, #tpu.memory_space<vmem>>, vector<1x16xf32>,
        %get3A_780 = vector.shape_cast %get3A_779 : vector<1x16xf32> to vector<16xf32>
        %mul3A_781 = arith.constant 8.000000e+00 : f32
        %mul3A_782 = vector.broadcast %mul3A_781 : f32 to vector<16xf32>
        %mul3A_783 = arith.mulf %get3A_780, %mul3A_782 : vector<16xf32>
        %mul3A_784 = arith.constant 4 : i32
        %mul3A_785 = arith.muli %scan3A_572, %mul3A_784 : i32
        %add3A_786 = arith.constant 2 : i32
        %add3A_787 = arith.addi %mul3A_785, %add3A_786 : i32
        %swap3A_788 = arith.index_cast %add3A_787 : i32 to index
        %swap3A_789 = arith.constant 32 : index
        %swap3A_790 = tpu.vector_load %arg6[%swap3A_788, %swap3A_789] {strides = array<i32>} : memref<200x64xf32, #tpu.memory_space<vmem>>, vector<1x16xf32>,
        %swap3A_791 = vector.shape_cast %swap3A_790 : vector<1x16xf32> to vector<16xf32>
        %swap3A_792 = vector.shape_cast %mul3A_783 : vector<16xf32> to vector<1x16xf32>
        tpu.vector_store %arg6[%swap3A_788, %swap3A_789], %swap3A_792 {strides = array<i32>} : memref<200x64xf32, #tpu.memory_space<vmem>>, vector<1x16xf32>,
        %mul3A_793 = arith.constant 4 : i32
        %mul3A_794 = arith.muli %scan3A_572, %mul3A_793 : i32
        %add3A_795 = arith.constant 2 : i32
        %add3A_796 = arith.addi %mul3A_794, %add3A_795 : i32
        %get3A_797 = arith.index_cast %add3A_796 : i32 to index
        %get3A_798 = arith.constant 48 : index
        %get3A_799 = tpu.vector_load %arg6[%get3A_797, %get3A_798] {strides = array<i32>} : memref<200x64xf32, #tpu.memory_space<vmem>>, vector<1x16xf32>,
        %get3A_800 = vector.shape_cast %get3A_799 : vector<1x16xf32> to vector<16xf32>
        %mul3A_801 = arith.constant 8.000000e+00 : f32
        %mul3A_802 = vector.broadcast %mul3A_801 : f32 to vector<16xf32>
        %mul3A_803 = arith.mulf %get3A_800, %mul3A_802 : vector<16xf32>
        %mul3A_804 = arith.constant 4 : i32
        %mul3A_805 = arith.muli %scan3A_572, %mul3A_804 : i32
        %add3A_806 = arith.constant 2 : i32
        %add3A_807 = arith.addi %mul3A_805, %add3A_806 : i32
        %swap3A_808 = arith.index_cast %add3A_807 : i32 to index
        %swap3A_809 = arith.constant 48 : index
        %swap3A_810 = tpu.vector_load %arg6[%swap3A_808, %swap3A_809] {strides = array<i32>} : memref<200x64xf32, #tpu.memory_space<vmem>>, vector<1x16xf32>,
        %swap3A_811 = vector.shape_cast %swap3A_810 : vector<1x16xf32> to vector<16xf32>
        %swap3A_812 = vector.shape_cast %mul3A_803 : vector<16xf32> to vector<1x16xf32>
        tpu.vector_store %arg6[%swap3A_808, %swap3A_809], %swap3A_812 {strides = array<i32>} : memref<200x64xf32, #tpu.memory_space<vmem>>, vector<1x16xf32>,
        %mul3A_813 = arith.constant 4 : i32
        %mul3A_814 = arith.muli %scan3A_572, %mul3A_813 : i32
        %add3A_815 = arith.constant 3 : i32
        %add3A_816 = arith.addi %mul3A_814, %add3A_815 : i32
        %get3A_817 = arith.index_cast %add3A_816 : i32 to index
        %get3A_818 = arith.constant 0 : index
        %get3A_819 = tpu.vector_load %arg6[%get3A_817, %get3A_818] {strides = array<i32>} : memref<200x64xf32, #tpu.memory_space<vmem>>, vector<1x16xf32>,
        %get3A_820 = vector.shape_cast %get3A_819 : vector<1x16xf32> to vector<16xf32>
        %mul3A_821 = arith.constant 8.000000e+00 : f32
        %mul3A_822 = vector.broadcast %mul3A_821 : f32 to vector<16xf32>
        %mul3A_823 = arith.mulf %get3A_820, %mul3A_822 : vector<16xf32>
        %mul3A_824 = arith.constant 4 : i32
        %mul3A_825 = arith.muli %scan3A_572, %mul3A_824 : i32
        %add3A_826 = arith.constant 3 : i32
        %add3A_827 = arith.addi %mul3A_825, %add3A_826 : i32
        %swap3A_828 = arith.index_cast %add3A_827 : i32 to index
        %swap3A_829 = arith.constant 0 : index
        %swap3A_830 = tpu.vector_load %arg6[%swap3A_828, %swap3A_829] {strides = array<i32>} : memref<200x64xf32, #tpu.memory_space<vmem>>, vector<1x16xf32>,
        %swap3A_831 = vector.shape_cast %swap3A_830 : vector<1x16xf32> to vector<16xf32>
        %swap3A_832 = vector.shape_cast %mul3A_823 : vector<16xf32> to vector<1x16xf32>
        tpu.vector_store %arg6[%swap3A_828, %swap3A_829], %swap3A_832 {strides = array<i32>} : memref<200x64xf32, #tpu.memory_space<vmem>>, vector<1x16xf32>,
        %mul3A_833 = arith.constant 4 : i32
        %mul3A_834 = arith.muli %scan3A_572, %mul3A_833 : i32
        %add3A_835 = arith.constant 3 : i32
        %add3A_836 = arith.addi %mul3A_834, %add3A_835 : i32
        %get3A_837 = arith.index_cast %add3A_836 : i32 to index
        %get3A_838 = arith.constant 16 : index
        %get3A_839 = tpu.vector_load %arg6[%get3A_837, %get3A_838] {strides = array<i32>} : memref<200x64xf32, #tpu.memory_space<vmem>>, vector<1x16xf32>,
        %get3A_840 = vector.shape_cast %get3A_839 : vector<1x16xf32> to vector<16xf32>
        %mul3A_841 = arith.constant 8.000000e+00 : f32
        %mul3A_842 = vector.broadcast %mul3A_841 : f32 to vector<16xf32>
        %mul3A_843 = arith.mulf %get3A_840, %mul3A_842 : vector<16xf32>
        %mul3A_844 = arith.constant 4 : i32
        %mul3A_845 = arith.muli %scan3A_572, %mul3A_844 : i32
        %add3A_846 = arith.constant 3 : i32
        %add3A_847 = arith.addi %mul3A_845, %add3A_846 : i32
        %swap3A_848 = arith.index_cast %add3A_847 : i32 to index
        %swap3A_849 = arith.constant 16 : index
        %swap3A_850 = tpu.vector_load %arg6[%swap3A_848, %swap3A_849] {strides = array<i32>} : memref<200x64xf32, #tpu.memory_space<vmem>>, vector<1x16xf32>,
        %swap3A_851 = vector.shape_cast %swap3A_850 : vector<1x16xf32> to vector<16xf32>
        %swap3A_852 = vector.shape_cast %mul3A_843 : vector<16xf32> to vector<1x16xf32>
        tpu.vector_store %arg6[%swap3A_848, %swap3A_849], %swap3A_852 {strides = array<i32>} : memref<200x64xf32, #tpu.memory_space<vmem>>, vector<1x16xf32>,
        %mul3A_853 = arith.constant 4 : i32
        %mul3A_854 = arith.muli %scan3A_572, %mul3A_853 : i32
        %add3A_855 = arith.constant 3 : i32
        %add3A_856 = arith.addi %mul3A_854, %add3A_855 : i32
        %get3A_857 = arith.index_cast %add3A_856 : i32 to index
        %get3A_858 = arith.constant 32 : index
        %get3A_859 = tpu.vector_load %arg6[%get3A_857, %get3A_858] {strides = array<i32>} : memref<200x64xf32, #tpu.memory_space<vmem>>, vector<1x16xf32>,
        %get3A_860 = vector.shape_cast %get3A_859 : vector<1x16xf32> to vector<16xf32>
        %mul3A_861 = arith.constant 8.000000e+00 : f32
        %mul3A_862 = vector.broadcast %mul3A_861 : f32 to vector<16xf32>
        %mul3A_863 = arith.mulf %get3A_860, %mul3A_862 : vector<16xf32>
        %mul3A_864 = arith.constant 4 : i32
        %mul3A_865 = arith.muli %scan3A_572, %mul3A_864 : i32
        %add3A_866 = arith.constant 3 : i32
        %add3A_867 = arith.addi %mul3A_865, %add3A_866 : i32
        %swap3A_868 = arith.index_cast %add3A_867 : i32 to index
        %swap3A_869 = arith.constant 32 : index
        %swap3A_870 = tpu.vector_load %arg6[%swap3A_868, %swap3A_869] {strides = array<i32>} : memref<200x64xf32, #tpu.memory_space<vmem>>, vector<1x16xf32>,
        %swap3A_871 = vector.shape_cast %swap3A_870 : vector<1x16xf32> to vector<16xf32>
        %swap3A_872 = vector.shape_cast %mul3A_863 : vector<16xf32> to vector<1x16xf32>
        tpu.vector_store %arg6[%swap3A_868, %swap3A_869], %swap3A_872 {strides = array<i32>} : memref<200x64xf32, #tpu.memory_space<vmem>>, vector<1x16xf32>,
        %mul3A_873 = arith.constant 4 : i32
        %mul3A_874 = arith.muli %scan3A_572, %mul3A_873 : i32
        %add3A_875 = arith.constant 3 : i32
        %add3A_876 = arith.addi %mul3A_874, %add3A_875 : i32
        %get3A_877 = arith.index_cast %add3A_876 : i32 to index
        %get3A_878 = arith.constant 48 : index
        %get3A_879 = tpu.vector_load %arg6[%get3A_877, %get3A_878] {strides = array<i32>} : memref<200x64xf32, #tpu.memory_space<vmem>>, vector<1x16xf32>,
        %get3A_880 = vector.shape_cast %get3A_879 : vector<1x16xf32> to vector<16xf32>
        %mul3A_881 = arith.constant 8.000000e+00 : f32
        %mul3A_882 = vector.broadcast %mul3A_881 : f32 to vector<16xf32>
        %mul3A_883 = arith.mulf %get3A_880, %mul3A_882 : vector<16xf32>
        %mul3A_884 = arith.constant 4 : i32
        %mul3A_885 = arith.muli %scan3A_572, %mul3A_884 : i32
        %add3A_886 = arith.constant 3 : i32
        %add3A_887 = arith.addi %mul3A_885, %add3A_886 : i32
        %swap3A_888 = arith.index_cast %add3A_887 : i32 to index
        %swap3A_889 = arith.constant 48 : index
        %swap3A_890 = tpu.vector_load %arg6[%swap3A_888, %swap3A_889] {strides = array<i32>} : memref<200x64xf32, #tpu.memory_space<vmem>>, vector<1x16xf32>,
        %swap3A_891 = vector.shape_cast %swap3A_890 : vector<1x16xf32> to vector<16xf32>
        %swap3A_892 = vector.shape_cast %mul3A_883 : vector<16xf32> to vector<1x16xf32>
        tpu.vector_store %arg6[%swap3A_888, %swap3A_889], %swap3A_892 {strides = array<i32>} : memref<200x64xf32, #tpu.memory_space<vmem>>, vector<1x16xf32>,
      }
      %scan3A_110 = arith.constant 50 : i32
      %add3A_111 = arith.addi %mul3A_2, %add3A_82 : i32
      %dma_start3A_112 = arith.constant 0 : i32
      %dma_start3A_113 = arith.constant 0 : i32
      %dma_start3A_114 = tpu.memref_slice %arg4[%add3A_111, %dma_start3A_112, %dma_start3A_113] : memref<4096x200x64xf32, #tpu.memory_space<hbm>> -> memref<1x200x64xf32, #tpu.memory_space<hbm>>
      %dma_start3A_115 = tpu.memref_squeeze %dma_start3A_114 : memref<1x200x64xf32, #tpu.memory_space<hbm>> -> memref<200x64xf32, #tpu.memory_space<hbm>>
      %dma_start3A_116 = arith.constant 0 : i32
      %dma_start3A_117 = arith.constant 0 : i32
      %dma_start3A_118 = tpu.memref_slice %arg4[%add3A_111, %dma_start3A_116, %dma_start3A_117] : memref<4096x200x64xf32, #tpu.memory_space<hbm>> -> memref<1x200x64xf32, #tpu.memory_space<hbm>>
      %dma_start3A_119 = tpu.memref_squeeze %dma_start3A_118 : memref<1x200x64xf32, #tpu.memory_space<hbm>> -> memref<200x64xf32, #tpu.memory_space<hbm>>
      tpu.enqueue_dma source(%arg6 : memref<200x64xf32, #tpu.memory_space<vmem>>) target(%dma_start3A_119 : memref<200x64xf32, #tpu.memory_space<hbm>>) target_semaphore(%arg14 : memref<!tpu.dma_semaphore, #tpu.memory_space<semaphore_mem>>)
      %mul3A_120 = arith.constant 4 : i32
      %mul3A_121 = arith.muli %scan3A_78, %mul3A_120 : i32
      %add3A_122 = arith.constant 1 : i32
      %add3A_123 = arith.addi %mul3A_121, %add3A_122 : i32
      %add3A_124 = arith.constant 2 : i32
      %add3A_125 = arith.addi %add3A_123, %add3A_124 : i32
      %le3A_126 = arith.constant 127 : i32
      %le3A_127 = arith.cmpi sle, %add3A_125, %le3A_126 : i32
      %convert_element_type3A_128 = arith.extui %le3A_127 : i1 to i32
      %cond3A_129 = arith.constant 0 : i32
      %cond3A_130 = arith.cmpi ne, %convert_element_type3A_128, %cond3A_129 : i32
      scf.if %cond3A_130 {
        %ge3A = arith.constant 2 : i32
        %ge3A_252 = arith.cmpi sge, %add3A_123, %ge3A : i32
        %convert_element_type3A_253 = arith.extui %ge3A_252 : i1 to i32
        %cond3A_254 = arith.constant 0 : i32
        %cond3A_255 = arith.cmpi ne, %convert_element_type3A_253, %cond3A_254 : i32
        scf.if %cond3A_255 {
          %dma_wait3A_276 = arith.constant 0 : i32
          %dma_wait3A_277 = arith.constant 0 : i32
          %dma_wait3A_278 = tpu.memref_slice %arg4[%mul3A_2, %dma_wait3A_276, %dma_wait3A_277] : memref<4096x200x64xf32, #tpu.memory_space<hbm>> -> memref<1x200x64xf32, #tpu.memory_space<hbm>>
          %dma_wait3A_279 = tpu.memref_squeeze %dma_wait3A_278 : memref<1x200x64xf32, #tpu.memory_space<hbm>> -> memref<200x64xf32, #tpu.memory_space<hbm>>
          %dma_wait3A_280 = arith.constant 0 : i32
          %dma_wait3A_281 = arith.constant 0 : i32
          %dma_wait3A_282 = tpu.memref_slice %arg4[%mul3A_2, %dma_wait3A_280, %dma_wait3A_281] : memref<4096x200x64xf32, #tpu.memory_space<hbm>> -> memref<1x200x64xf32, #tpu.memory_space<hbm>>
          %dma_wait3A_283 = tpu.memref_squeeze %dma_wait3A_282 : memref<1x200x64xf32, #tpu.memory_space<hbm>> -> memref<200x64xf32, #tpu.memory_space<hbm>>
          tpu.wait_dma2 semaphore(%arg17 : memref<!tpu.dma_semaphore, #tpu.memory_space<semaphore_mem>>) src(%arg9 : memref<200x64xf32, #tpu.memory_space<vmem>>) dst(%dma_wait3A_283 : memref<200x64xf32, #tpu.memory_space<hbm>>)
        } else {
        }
        %add3A_256 = arith.constant 2 : i32
        %add3A_257 = arith.addi %add3A_123, %add3A_256 : i32
        %dma_start3A_258 = arith.constant 0 : i32
        %dma_start3A_259 = arith.constant 0 : i32
        %dma_start3A_260 = tpu.memref_slice %arg9[%dma_start3A_258, %dma_start3A_259] : memref<200x64xf32, #tpu.memory_space<vmem>> -> memref<96x64xf32, #tpu.memory_space<vmem>>
        %dma_start3A_261 = arith.constant 0 : i32
        %dma_start3A_262 = tpu.memref_slice %arg5[%add3A_257, %dma_start3A_261] : memref<128x200xi32, #tpu.memory_space<vmem>> -> memref<1x96xi32, #tpu.memory_space<vmem>>
        %dma_start3A_263 = tpu.memref_squeeze %dma_start3A_262 : memref<1x96xi32, #tpu.memory_space<vmem>> -> memref<96xi32, #tpu.memory_space<vmem>>
        %dma_start3A_264 = arith.constant 0 : i32
        %dma_start3A_265 = arith.constant 0 : i32
        %dma_start3A_266 = tpu.memref_slice %arg2[%dma_start3A_264, %dma_start3A_265] : memref<1000000x64xf32, #tpu.memory_space<hbm>> -> memref<1000000x64xf32, #tpu.memory_space<hbm>>
        tpu.enqueue_indirect_dma source(%dma_start3A_266 : memref<1000000x64xf32, #tpu.memory_space<hbm>>) target(%dma_start3A_260 : memref<96x64xf32, #tpu.memory_space<vmem>>) offsets(%dma_start3A_263 : memref<96xi32, #tpu.memory_space<vmem>>) semaphore(%arg13 : memref<!tpu.dma_semaphore, #tpu.memory_space<semaphore_mem>>)
        %dma_start3A_267 = arith.constant 96 : i32
        %dma_start3A_268 = arith.constant 0 : i32
        %dma_start3A_269 = tpu.memref_slice %arg9[%dma_start3A_267, %dma_start3A_268] : memref<200x64xf32, #tpu.memory_space<vmem>> -> memref<104x64xf32, #tpu.memory_space<vmem>>
        %dma_start3A_270 = arith.constant 96 : i32
        %dma_start3A_271 = tpu.memref_slice %arg5[%add3A_257, %dma_start3A_270] : memref<128x200xi32, #tpu.memory_space<vmem>> -> memref<1x104xi32, #tpu.memory_space<vmem>>
        %dma_start3A_272 = tpu.memref_squeeze %dma_start3A_271 : memref<1x104xi32, #tpu.memory_space<vmem>> -> memref<104xi32, #tpu.memory_space<vmem>>
        %dma_start3A_273 = arith.constant 0 : i32
        %dma_start3A_274 = arith.constant 0 : i32
        %dma_start3A_275 = tpu.memref_slice %arg2[%dma_start3A_273, %dma_start3A_274] : memref<1000000x64xf32, #tpu.memory_space<hbm>> -> memref<1000000x64xf32, #tpu.memory_space<hbm>>
        tpu.enqueue_indirect_dma source(%dma_start3A_275 : memref<1000000x64xf32, #tpu.memory_space<hbm>>) target(%dma_start3A_269 : memref<104x64xf32, #tpu.memory_space<vmem>>) offsets(%dma_start3A_272 : memref<104xi32, #tpu.memory_space<vmem>>) semaphore(%arg13 : memref<!tpu.dma_semaphore, #tpu.memory_space<semaphore_mem>>)
      } else {
      }
      %dma_wait3A_131 = arith.constant 0 : i32
      %dma_wait3A_132 = arith.constant 0 : i32
      %dma_wait3A_133 = tpu.memref_slice %arg7[%dma_wait3A_131, %dma_wait3A_132] : memref<200x64xf32, #tpu.memory_space<vmem>> -> memref<96x64xf32, #tpu.memory_space<vmem>>
      %dma_wait3A_134 = arith.constant 0 : i32
      %dma_wait3A_135 = tpu.memref_slice %arg5[%add3A_123, %dma_wait3A_134] : memref<128x200xi32, #tpu.memory_space<vmem>> -> memref<1x96xi32, #tpu.memory_space<vmem>>
      %dma_wait3A_136 = tpu.memref_squeeze %dma_wait3A_135 : memref<1x96xi32, #tpu.memory_space<vmem>> -> memref<96xi32, #tpu.memory_space<vmem>>
      %dma_wait3A_137 = arith.constant 0 : i32
      %dma_wait3A_138 = arith.constant 0 : i32
      %dma_wait3A_139 = tpu.memref_slice %arg2[%dma_wait3A_137, %dma_wait3A_138] : memref<1000000x64xf32, #tpu.memory_space<hbm>> -> memref<1000000x64xf32, #tpu.memory_space<hbm>>
      tpu.wait_indirect_dma semaphore(%arg11 : memref<!tpu.dma_semaphore, #tpu.memory_space<semaphore_mem>>) src(%dma_wait3A_139 : memref<1000000x64xf32, #tpu.memory_space<hbm>>) dst(%dma_wait3A_133 : memref<96x64xf32, #tpu.memory_space<vmem>>)
      %dma_wait3A_140 = arith.constant 96 : i32
      %dma_wait3A_141 = arith.constant 0 : i32
      %dma_wait3A_142 = tpu.memref_slice %arg7[%dma_wait3A_140, %dma_wait3A_141] : memref<200x64xf32, #tpu.memory_space<vmem>> -> memref<104x64xf32, #tpu.memory_space<vmem>>
      %dma_wait3A_143 = arith.constant 96 : i32
      %dma_wait3A_144 = tpu.memref_slice %arg5[%add3A_123, %dma_wait3A_143] : memref<128x200xi32, #tpu.memory_space<vmem>> -> memref<1x104xi32, #tpu.memory_space<vmem>>
      %dma_wait3A_145 = tpu.memref_squeeze %dma_wait3A_144 : memref<1x104xi32, #tpu.memory_space<vmem>> -> memref<104xi32, #tpu.memory_space<vmem>>
      %dma_wait3A_146 = arith.constant 0 : i32
      %dma_wait3A_147 = arith.constant 0 : i32
      %dma_wait3A_148 = tpu.memref_slice %arg2[%dma_wait3A_146, %dma_wait3A_147] : memref<1000000x64xf32, #tpu.memory_space<hbm>> -> memref<1000000x64xf32, #tpu.memory_space<hbm>>
      tpu.wait_indirect_dma semaphore(%arg11 : memref<!tpu.dma_semaphore, #tpu.memory_space<semaphore_mem>>) src(%dma_wait3A_148 : memref<1000000x64xf32, #tpu.memory_space<hbm>>) dst(%dma_wait3A_142 : memref<104x64xf32, #tpu.memory_space<vmem>>)
      %scan3A_149 = arith.constant 0 : i32
      %scan3A_150 = arith.constant 0 : i32
      %scan3A_151 = arith.constant 50 : i32
      %scan3A_152 = arith.addi %scan3A_150, %scan3A_151 : i32
      %scan3A_153 = arith.constant 2 : i32
      scf.for %scan3A_252 = %scan3A_150 to %scan3A_152 step %scan3A_153  : i32 {
        %mul3A_253 = arith.constant 4 : i32
        %mul3A_254 = arith.muli %scan3A_252, %mul3A_253 : i32
        %add3A_255 = arith.constant 0 : i32
        %add3A_256 = arith.addi %mul3A_254, %add3A_255 : i32
        %get3A = arith.index_cast %add3A_256 : i32 to index
        %get3A_257 = arith.constant 0 : index
        %get3A_258 = tpu.vector_load %arg7[%get3A, %get3A_257] {strides = array<i32>} : memref<200x64xf32, #tpu.memory_space<vmem>>, vector<1x16xf32>,
        %get3A_259 = vector.shape_cast %get3A_258 : vector<1x16xf32> to vector<16xf32>
        %mul3A_260 = arith.constant 8.000000e+00 : f32
        %mul3A_261 = vector.broadcast %mul3A_260 : f32 to vector<16xf32>
        %mul3A_262 = arith.mulf %get3A_259, %mul3A_261 : vector<16xf32>
        %mul3A_263 = arith.constant 4 : i32
        %mul3A_264 = arith.muli %scan3A_252, %mul3A_263 : i32
        %add3A_265 = arith.constant 0 : i32
        %add3A_266 = arith.addi %mul3A_264, %add3A_265 : i32
        %swap3A = arith.index_cast %add3A_266 : i32 to index
        %swap3A_267 = arith.constant 0 : index
        %swap3A_268 = tpu.vector_load %arg7[%swap3A, %swap3A_267] {strides = array<i32>} : memref<200x64xf32, #tpu.memory_space<vmem>>, vector<1x16xf32>,
        %swap3A_269 = vector.shape_cast %swap3A_268 : vector<1x16xf32> to vector<16xf32>
        %swap3A_270 = vector.shape_cast %mul3A_262 : vector<16xf32> to vector<1x16xf32>
        tpu.vector_store %arg7[%swap3A, %swap3A_267], %swap3A_270 {strides = array<i32>} : memref<200x64xf32, #tpu.memory_space<vmem>>, vector<1x16xf32>,
        %mul3A_271 = arith.constant 4 : i32
        %mul3A_272 = arith.muli %scan3A_252, %mul3A_271 : i32
        %add3A_273 = arith.constant 0 : i32
        %add3A_274 = arith.addi %mul3A_272, %add3A_273 : i32
        %get3A_275 = arith.index_cast %add3A_274 : i32 to index
        %get3A_276 = arith.constant 16 : index
        %get3A_277 = tpu.vector_load %arg7[%get3A_275, %get3A_276] {strides = array<i32>} : memref<200x64xf32, #tpu.memory_space<vmem>>, vector<1x16xf32>,
        %get3A_278 = vector.shape_cast %get3A_277 : vector<1x16xf32> to vector<16xf32>
        %mul3A_279 = arith.constant 8.000000e+00 : f32
        %mul3A_280 = vector.broadcast %mul3A_279 : f32 to vector<16xf32>
        %mul3A_281 = arith.mulf %get3A_278, %mul3A_280 : vector<16xf32>
        %mul3A_282 = arith.constant 4 : i32
        %mul3A_283 = arith.muli %scan3A_252, %mul3A_282 : i32
        %add3A_284 = arith.constant 0 : i32
        %add3A_285 = arith.addi %mul3A_283, %add3A_284 : i32
        %swap3A_286 = arith.index_cast %add3A_285 : i32 to index
        %swap3A_287 = arith.constant 16 : index
        %swap3A_288 = tpu.vector_load %arg7[%swap3A_286, %swap3A_287] {strides = array<i32>} : memref<200x64xf32, #tpu.memory_space<vmem>>, vector<1x16xf32>,
        %swap3A_289 = vector.shape_cast %swap3A_288 : vector<1x16xf32> to vector<16xf32>
        %swap3A_290 = vector.shape_cast %mul3A_281 : vector<16xf32> to vector<1x16xf32>
        tpu.vector_store %arg7[%swap3A_286, %swap3A_287], %swap3A_290 {strides = array<i32>} : memref<200x64xf32, #tpu.memory_space<vmem>>, vector<1x16xf32>,
        %mul3A_291 = arith.constant 4 : i32
        %mul3A_292 = arith.muli %scan3A_252, %mul3A_291 : i32
        %add3A_293 = arith.constant 0 : i32
        %add3A_294 = arith.addi %mul3A_292, %add3A_293 : i32
        %get3A_295 = arith.index_cast %add3A_294 : i32 to index
        %get3A_296 = arith.constant 32 : index
        %get3A_297 = tpu.vector_load %arg7[%get3A_295, %get3A_296] {strides = array<i32>} : memref<200x64xf32, #tpu.memory_space<vmem>>, vector<1x16xf32>,
        %get3A_298 = vector.shape_cast %get3A_297 : vector<1x16xf32> to vector<16xf32>
        %mul3A_299 = arith.constant 8.000000e+00 : f32
        %mul3A_300 = vector.broadcast %mul3A_299 : f32 to vector<16xf32>
        %mul3A_301 = arith.mulf %get3A_298, %mul3A_300 : vector<16xf32>
        %mul3A_302 = arith.constant 4 : i32
        %mul3A_303 = arith.muli %scan3A_252, %mul3A_302 : i32
        %add3A_304 = arith.constant 0 : i32
        %add3A_305 = arith.addi %mul3A_303, %add3A_304 : i32
        %swap3A_306 = arith.index_cast %add3A_305 : i32 to index
        %swap3A_307 = arith.constant 32 : index
        %swap3A_308 = tpu.vector_load %arg7[%swap3A_306, %swap3A_307] {strides = array<i32>} : memref<200x64xf32, #tpu.memory_space<vmem>>, vector<1x16xf32>,
        %swap3A_309 = vector.shape_cast %swap3A_308 : vector<1x16xf32> to vector<16xf32>
        %swap3A_310 = vector.shape_cast %mul3A_301 : vector<16xf32> to vector<1x16xf32>
        tpu.vector_store %arg7[%swap3A_306, %swap3A_307], %swap3A_310 {strides = array<i32>} : memref<200x64xf32, #tpu.memory_space<vmem>>, vector<1x16xf32>,
        %mul3A_311 = arith.constant 4 : i32
        %mul3A_312 = arith.muli %scan3A_252, %mul3A_311 : i32
        %add3A_313 = arith.constant 0 : i32
        %add3A_314 = arith.addi %mul3A_312, %add3A_313 : i32
        %get3A_315 = arith.index_cast %add3A_314 : i32 to index
        %get3A_316 = arith.constant 48 : index
        %get3A_317 = tpu.vector_load %arg7[%get3A_315, %get3A_316] {strides = array<i32>} : memref<200x64xf32, #tpu.memory_space<vmem>>, vector<1x16xf32>,
        %get3A_318 = vector.shape_cast %get3A_317 : vector<1x16xf32> to vector<16xf32>
        %mul3A_319 = arith.constant 8.000000e+00 : f32
        %mul3A_320 = vector.broadcast %mul3A_319 : f32 to vector<16xf32>
        %mul3A_321 = arith.mulf %get3A_318, %mul3A_320 : vector<16xf32>
        %mul3A_322 = arith.constant 4 : i32
        %mul3A_323 = arith.muli %scan3A_252, %mul3A_322 : i32
        %add3A_324 = arith.constant 0 : i32
        %add3A_325 = arith.addi %mul3A_323, %add3A_324 : i32
        %swap3A_326 = arith.index_cast %add3A_325 : i32 to index
        %swap3A_327 = arith.constant 48 : index
        %swap3A_328 = tpu.vector_load %arg7[%swap3A_326, %swap3A_327] {strides = array<i32>} : memref<200x64xf32, #tpu.memory_space<vmem>>, vector<1x16xf32>,
        %swap3A_329 = vector.shape_cast %swap3A_328 : vector<1x16xf32> to vector<16xf32>
        %swap3A_330 = vector.shape_cast %mul3A_321 : vector<16xf32> to vector<1x16xf32>
        tpu.vector_store %arg7[%swap3A_326, %swap3A_327], %swap3A_330 {strides = array<i32>} : memref<200x64xf32, #tpu.memory_space<vmem>>, vector<1x16xf32>,
        %mul3A_331 = arith.constant 4 : i32
        %mul3A_332 = arith.muli %scan3A_252, %mul3A_331 : i32
        %add3A_333 = arith.constant 1 : i32
        %add3A_334 = arith.addi %mul3A_332, %add3A_333 : i32
        %get3A_335 = arith.index_cast %add3A_334 : i32 to index
        %get3A_336 = arith.constant 0 : index
        %get3A_337 = tpu.vector_load %arg7[%get3A_335, %get3A_336] {strides = array<i32>} : memref<200x64xf32, #tpu.memory_space<vmem>>, vector<1x16xf32>,
        %get3A_338 = vector.shape_cast %get3A_337 : vector<1x16xf32> to vector<16xf32>
        %mul3A_339 = arith.constant 8.000000e+00 : f32
        %mul3A_340 = vector.broadcast %mul3A_339 : f32 to vector<16xf32>
        %mul3A_341 = arith.mulf %get3A_338, %mul3A_340 : vector<16xf32>
        %mul3A_342 = arith.constant 4 : i32
        %mul3A_343 = arith.muli %scan3A_252, %mul3A_342 : i32
        %add3A_344 = arith.constant 1 : i32
        %add3A_345 = arith.addi %mul3A_343, %add3A_344 : i32
        %swap3A_346 = arith.index_cast %add3A_345 : i32 to index
        %swap3A_347 = arith.constant 0 : index
        %swap3A_348 = tpu.vector_load %arg7[%swap3A_346, %swap3A_347] {strides = array<i32>} : memref<200x64xf32, #tpu.memory_space<vmem>>, vector<1x16xf32>,
        %swap3A_349 = vector.shape_cast %swap3A_348 : vector<1x16xf32> to vector<16xf32>
        %swap3A_350 = vector.shape_cast %mul3A_341 : vector<16xf32> to vector<1x16xf32>
        tpu.vector_store %arg7[%swap3A_346, %swap3A_347], %swap3A_350 {strides = array<i32>} : memref<200x64xf32, #tpu.memory_space<vmem>>, vector<1x16xf32>,
        %mul3A_351 = arith.constant 4 : i32
        %mul3A_352 = arith.muli %scan3A_252, %mul3A_351 : i32
        %add3A_353 = arith.constant 1 : i32
        %add3A_354 = arith.addi %mul3A_352, %add3A_353 : i32
        %get3A_355 = arith.index_cast %add3A_354 : i32 to index
        %get3A_356 = arith.constant 16 : index
        %get3A_357 = tpu.vector_load %arg7[%get3A_355, %get3A_356] {strides = array<i32>} : memref<200x64xf32, #tpu.memory_space<vmem>>, vector<1x16xf32>,
        %get3A_358 = vector.shape_cast %get3A_357 : vector<1x16xf32> to vector<16xf32>
        %mul3A_359 = arith.constant 8.000000e+00 : f32
        %mul3A_360 = vector.broadcast %mul3A_359 : f32 to vector<16xf32>
        %mul3A_361 = arith.mulf %get3A_358, %mul3A_360 : vector<16xf32>
        %mul3A_362 = arith.constant 4 : i32
        %mul3A_363 = arith.muli %scan3A_252, %mul3A_362 : i32
        %add3A_364 = arith.constant 1 : i32
        %add3A_365 = arith.addi %mul3A_363, %add3A_364 : i32
        %swap3A_366 = arith.index_cast %add3A_365 : i32 to index
        %swap3A_367 = arith.constant 16 : index
        %swap3A_368 = tpu.vector_load %arg7[%swap3A_366, %swap3A_367] {strides = array<i32>} : memref<200x64xf32, #tpu.memory_space<vmem>>, vector<1x16xf32>,
        %swap3A_369 = vector.shape_cast %swap3A_368 : vector<1x16xf32> to vector<16xf32>
        %swap3A_370 = vector.shape_cast %mul3A_361 : vector<16xf32> to vector<1x16xf32>
        tpu.vector_store %arg7[%swap3A_366, %swap3A_367], %swap3A_370 {strides = array<i32>} : memref<200x64xf32, #tpu.memory_space<vmem>>, vector<1x16xf32>,
        %mul3A_371 = arith.constant 4 : i32
        %mul3A_372 = arith.muli %scan3A_252, %mul3A_371 : i32
        %add3A_373 = arith.constant 1 : i32
        %add3A_374 = arith.addi %mul3A_372, %add3A_373 : i32
        %get3A_375 = arith.index_cast %add3A_374 : i32 to index
        %get3A_376 = arith.constant 32 : index
        %get3A_377 = tpu.vector_load %arg7[%get3A_375, %get3A_376] {strides = array<i32>} : memref<200x64xf32, #tpu.memory_space<vmem>>, vector<1x16xf32>,
        %get3A_378 = vector.shape_cast %get3A_377 : vector<1x16xf32> to vector<16xf32>
        %mul3A_379 = arith.constant 8.000000e+00 : f32
        %mul3A_380 = vector.broadcast %mul3A_379 : f32 to vector<16xf32>
        %mul3A_381 = arith.mulf %get3A_378, %mul3A_380 : vector<16xf32>
        %mul3A_382 = arith.constant 4 : i32
        %mul3A_383 = arith.muli %scan3A_252, %mul3A_382 : i32
        %add3A_384 = arith.constant 1 : i32
        %add3A_385 = arith.addi %mul3A_383, %add3A_384 : i32
        %swap3A_386 = arith.index_cast %add3A_385 : i32 to index
        %swap3A_387 = arith.constant 32 : index
        %swap3A_388 = tpu.vector_load %arg7[%swap3A_386, %swap3A_387] {strides = array<i32>} : memref<200x64xf32, #tpu.memory_space<vmem>>, vector<1x16xf32>,
        %swap3A_389 = vector.shape_cast %swap3A_388 : vector<1x16xf32> to vector<16xf32>
        %swap3A_390 = vector.shape_cast %mul3A_381 : vector<16xf32> to vector<1x16xf32>
        tpu.vector_store %arg7[%swap3A_386, %swap3A_387], %swap3A_390 {strides = array<i32>} : memref<200x64xf32, #tpu.memory_space<vmem>>, vector<1x16xf32>,
        %mul3A_391 = arith.constant 4 : i32
        %mul3A_392 = arith.muli %scan3A_252, %mul3A_391 : i32
        %add3A_393 = arith.constant 1 : i32
        %add3A_394 = arith.addi %mul3A_392, %add3A_393 : i32
        %get3A_395 = arith.index_cast %add3A_394 : i32 to index
        %get3A_396 = arith.constant 48 : index
        %get3A_397 = tpu.vector_load %arg7[%get3A_395, %get3A_396] {strides = array<i32>} : memref<200x64xf32, #tpu.memory_space<vmem>>, vector<1x16xf32>,
        %get3A_398 = vector.shape_cast %get3A_397 : vector<1x16xf32> to vector<16xf32>
        %mul3A_399 = arith.constant 8.000000e+00 : f32
        %mul3A_400 = vector.broadcast %mul3A_399 : f32 to vector<16xf32>
        %mul3A_401 = arith.mulf %get3A_398, %mul3A_400 : vector<16xf32>
        %mul3A_402 = arith.constant 4 : i32
        %mul3A_403 = arith.muli %scan3A_252, %mul3A_402 : i32
        %add3A_404 = arith.constant 1 : i32
        %add3A_405 = arith.addi %mul3A_403, %add3A_404 : i32
        %swap3A_406 = arith.index_cast %add3A_405 : i32 to index
        %swap3A_407 = arith.constant 48 : index
        %swap3A_408 = tpu.vector_load %arg7[%swap3A_406, %swap3A_407] {strides = array<i32>} : memref<200x64xf32, #tpu.memory_space<vmem>>, vector<1x16xf32>,
        %swap3A_409 = vector.shape_cast %swap3A_408 : vector<1x16xf32> to vector<16xf32>
        %swap3A_410 = vector.shape_cast %mul3A_401 : vector<16xf32> to vector<1x16xf32>
        tpu.vector_store %arg7[%swap3A_406, %swap3A_407], %swap3A_410 {strides = array<i32>} : memref<200x64xf32, #tpu.memory_space<vmem>>, vector<1x16xf32>,
        %mul3A_411 = arith.constant 4 : i32
        %mul3A_412 = arith.muli %scan3A_252, %mul3A_411 : i32
        %add3A_413 = arith.constant 2 : i32
        %add3A_414 = arith.addi %mul3A_412, %add3A_413 : i32
        %get3A_415 = arith.index_cast %add3A_414 : i32 to index
        %get3A_416 = arith.constant 0 : index
        %get3A_417 = tpu.vector_load %arg7[%get3A_415, %get3A_416] {strides = array<i32>} : memref<200x64xf32, #tpu.memory_space<vmem>>, vector<1x16xf32>,
        %get3A_418 = vector.shape_cast %get3A_417 : vector<1x16xf32> to vector<16xf32>
        %mul3A_419 = arith.constant 8.000000e+00 : f32
        %mul3A_420 = vector.broadcast %mul3A_419 : f32 to vector<16xf32>
        %mul3A_421 = arith.mulf %get3A_418, %mul3A_420 : vector<16xf32>
        %mul3A_422 = arith.constant 4 : i32
        %mul3A_423 = arith.muli %scan3A_252, %mul3A_422 : i32
        %add3A_424 = arith.constant 2 : i32
        %add3A_425 = arith.addi %mul3A_423, %add3A_424 : i32
        %swap3A_426 = arith.index_cast %add3A_425 : i32 to index
        %swap3A_427 = arith.constant 0 : index
        %swap3A_428 = tpu.vector_load %arg7[%swap3A_426, %swap3A_427] {strides = array<i32>} : memref<200x64xf32, #tpu.memory_space<vmem>>, vector<1x16xf32>,
        %swap3A_429 = vector.shape_cast %swap3A_428 : vector<1x16xf32> to vector<16xf32>
        %swap3A_430 = vector.shape_cast %mul3A_421 : vector<16xf32> to vector<1x16xf32>
        tpu.vector_store %arg7[%swap3A_426, %swap3A_427], %swap3A_430 {strides = array<i32>} : memref<200x64xf32, #tpu.memory_space<vmem>>, vector<1x16xf32>,
        %mul3A_431 = arith.constant 4 : i32
        %mul3A_432 = arith.muli %scan3A_252, %mul3A_431 : i32
        %add3A_433 = arith.constant 2 : i32
        %add3A_434 = arith.addi %mul3A_432, %add3A_433 : i32
        %get3A_435 = arith.index_cast %add3A_434 : i32 to index
        %get3A_436 = arith.constant 16 : index
        %get3A_437 = tpu.vector_load %arg7[%get3A_435, %get3A_436] {strides = array<i32>} : memref<200x64xf32, #tpu.memory_space<vmem>>, vector<1x16xf32>,
        %get3A_438 = vector.shape_cast %get3A_437 : vector<1x16xf32> to vector<16xf32>
        %mul3A_439 = arith.constant 8.000000e+00 : f32
        %mul3A_440 = vector.broadcast %mul3A_439 : f32 to vector<16xf32>
        %mul3A_441 = arith.mulf %get3A_438, %mul3A_440 : vector<16xf32>
        %mul3A_442 = arith.constant 4 : i32
        %mul3A_443 = arith.muli %scan3A_252, %mul3A_442 : i32
        %add3A_444 = arith.constant 2 : i32
        %add3A_445 = arith.addi %mul3A_443, %add3A_444 : i32
        %swap3A_446 = arith.index_cast %add3A_445 : i32 to index
        %swap3A_447 = arith.constant 16 : index
        %swap3A_448 = tpu.vector_load %arg7[%swap3A_446, %swap3A_447] {strides = array<i32>} : memref<200x64xf32, #tpu.memory_space<vmem>>, vector<1x16xf32>,
        %swap3A_449 = vector.shape_cast %swap3A_448 : vector<1x16xf32> to vector<16xf32>
        %swap3A_450 = vector.shape_cast %mul3A_441 : vector<16xf32> to vector<1x16xf32>
        tpu.vector_store %arg7[%swap3A_446, %swap3A_447], %swap3A_450 {strides = array<i32>} : memref<200x64xf32, #tpu.memory_space<vmem>>, vector<1x16xf32>,
        %mul3A_451 = arith.constant 4 : i32
        %mul3A_452 = arith.muli %scan3A_252, %mul3A_451 : i32
        %add3A_453 = arith.constant 2 : i32
        %add3A_454 = arith.addi %mul3A_452, %add3A_453 : i32
        %get3A_455 = arith.index_cast %add3A_454 : i32 to index
        %get3A_456 = arith.constant 32 : index
        %get3A_457 = tpu.vector_load %arg7[%get3A_455, %get3A_456] {strides = array<i32>} : memref<200x64xf32, #tpu.memory_space<vmem>>, vector<1x16xf32>,
        %get3A_458 = vector.shape_cast %get3A_457 : vector<1x16xf32> to vector<16xf32>
        %mul3A_459 = arith.constant 8.000000e+00 : f32
        %mul3A_460 = vector.broadcast %mul3A_459 : f32 to vector<16xf32>
        %mul3A_461 = arith.mulf %get3A_458, %mul3A_460 : vector<16xf32>
        %mul3A_462 = arith.constant 4 : i32
        %mul3A_463 = arith.muli %scan3A_252, %mul3A_462 : i32
        %add3A_464 = arith.constant 2 : i32
        %add3A_465 = arith.addi %mul3A_463, %add3A_464 : i32
        %swap3A_466 = arith.index_cast %add3A_465 : i32 to index
        %swap3A_467 = arith.constant 32 : index
        %swap3A_468 = tpu.vector_load %arg7[%swap3A_466, %swap3A_467] {strides = array<i32>} : memref<200x64xf32, #tpu.memory_space<vmem>>, vector<1x16xf32>,
        %swap3A_469 = vector.shape_cast %swap3A_468 : vector<1x16xf32> to vector<16xf32>
        %swap3A_470 = vector.shape_cast %mul3A_461 : vector<16xf32> to vector<1x16xf32>
        tpu.vector_store %arg7[%swap3A_466, %swap3A_467], %swap3A_470 {strides = array<i32>} : memref<200x64xf32, #tpu.memory_space<vmem>>, vector<1x16xf32>,
        %mul3A_471 = arith.constant 4 : i32
        %mul3A_472 = arith.muli %scan3A_252, %mul3A_471 : i32
        %add3A_473 = arith.constant 2 : i32
        %add3A_474 = arith.addi %mul3A_472, %add3A_473 : i32
        %get3A_475 = arith.index_cast %add3A_474 : i32 to index
        %get3A_476 = arith.constant 48 : index
        %get3A_477 = tpu.vector_load %arg7[%get3A_475, %get3A_476] {strides = array<i32>} : memref<200x64xf32, #tpu.memory_space<vmem>>, vector<1x16xf32>,
        %get3A_478 = vector.shape_cast %get3A_477 : vector<1x16xf32> to vector<16xf32>
        %mul3A_479 = arith.constant 8.000000e+00 : f32
        %mul3A_480 = vector.broadcast %mul3A_479 : f32 to vector<16xf32>
        %mul3A_481 = arith.mulf %get3A_478, %mul3A_480 : vector<16xf32>
        %mul3A_482 = arith.constant 4 : i32
        %mul3A_483 = arith.muli %scan3A_252, %mul3A_482 : i32
        %add3A_484 = arith.constant 2 : i32
        %add3A_485 = arith.addi %mul3A_483, %add3A_484 : i32
        %swap3A_486 = arith.index_cast %add3A_485 : i32 to index
        %swap3A_487 = arith.constant 48 : index
        %swap3A_488 = tpu.vector_load %arg7[%swap3A_486, %swap3A_487] {strides = array<i32>} : memref<200x64xf32, #tpu.memory_space<vmem>>, vector<1x16xf32>,
        %swap3A_489 = vector.shape_cast %swap3A_488 : vector<1x16xf32> to vector<16xf32>
        %swap3A_490 = vector.shape_cast %mul3A_481 : vector<16xf32> to vector<1x16xf32>
        tpu.vector_store %arg7[%swap3A_486, %swap3A_487], %swap3A_490 {strides = array<i32>} : memref<200x64xf32, #tpu.memory_space<vmem>>, vector<1x16xf32>,
        %mul3A_491 = arith.constant 4 : i32
        %mul3A_492 = arith.muli %scan3A_252, %mul3A_491 : i32
        %add3A_493 = arith.constant 3 : i32
        %add3A_494 = arith.addi %mul3A_492, %add3A_493 : i32
        %get3A_495 = arith.index_cast %add3A_494 : i32 to index
        %get3A_496 = arith.constant 0 : index
        %get3A_497 = tpu.vector_load %arg7[%get3A_495, %get3A_496] {strides = array<i32>} : memref<200x64xf32, #tpu.memory_space<vmem>>, vector<1x16xf32>,
        %get3A_498 = vector.shape_cast %get3A_497 : vector<1x16xf32> to vector<16xf32>
        %mul3A_499 = arith.constant 8.000000e+00 : f32
        %mul3A_500 = vector.broadcast %mul3A_499 : f32 to vector<16xf32>
        %mul3A_501 = arith.mulf %get3A_498, %mul3A_500 : vector<16xf32>
        %mul3A_502 = arith.constant 4 : i32
        %mul3A_503 = arith.muli %scan3A_252, %mul3A_502 : i32
        %add3A_504 = arith.constant 3 : i32
        %add3A_505 = arith.addi %mul3A_503, %add3A_504 : i32
        %swap3A_506 = arith.index_cast %add3A_505 : i32 to index
        %swap3A_507 = arith.constant 0 : index
        %swap3A_508 = tpu.vector_load %arg7[%swap3A_506, %swap3A_507] {strides = array<i32>} : memref<200x64xf32, #tpu.memory_space<vmem>>, vector<1x16xf32>,
        %swap3A_509 = vector.shape_cast %swap3A_508 : vector<1x16xf32> to vector<16xf32>
        %swap3A_510 = vector.shape_cast %mul3A_501 : vector<16xf32> to vector<1x16xf32>
        tpu.vector_store %arg7[%swap3A_506, %swap3A_507], %swap3A_510 {strides = array<i32>} : memref<200x64xf32, #tpu.memory_space<vmem>>, vector<1x16xf32>,
        %mul3A_511 = arith.constant 4 : i32
        %mul3A_512 = arith.muli %scan3A_252, %mul3A_511 : i32
        %add3A_513 = arith.constant 3 : i32
        %add3A_514 = arith.addi %mul3A_512, %add3A_513 : i32
        %get3A_515 = arith.index_cast %add3A_514 : i32 to index
        %get3A_516 = arith.constant 16 : index
        %get3A_517 = tpu.vector_load %arg7[%get3A_515, %get3A_516] {strides = array<i32>} : memref<200x64xf32, #tpu.memory_space<vmem>>, vector<1x16xf32>,
        %get3A_518 = vector.shape_cast %get3A_517 : vector<1x16xf32> to vector<16xf32>
        %mul3A_519 = arith.constant 8.000000e+00 : f32
        %mul3A_520 = vector.broadcast %mul3A_519 : f32 to vector<16xf32>
        %mul3A_521 = arith.mulf %get3A_518, %mul3A_520 : vector<16xf32>
        %mul3A_522 = arith.constant 4 : i32
        %mul3A_523 = arith.muli %scan3A_252, %mul3A_522 : i32
        %add3A_524 = arith.constant 3 : i32
        %add3A_525 = arith.addi %mul3A_523, %add3A_524 : i32
        %swap3A_526 = arith.index_cast %add3A_525 : i32 to index
        %swap3A_527 = arith.constant 16 : index
        %swap3A_528 = tpu.vector_load %arg7[%swap3A_526, %swap3A_527] {strides = array<i32>} : memref<200x64xf32, #tpu.memory_space<vmem>>, vector<1x16xf32>,
        %swap3A_529 = vector.shape_cast %swap3A_528 : vector<1x16xf32> to vector<16xf32>
        %swap3A_530 = vector.shape_cast %mul3A_521 : vector<16xf32> to vector<1x16xf32>
        tpu.vector_store %arg7[%swap3A_526, %swap3A_527], %swap3A_530 {strides = array<i32>} : memref<200x64xf32, #tpu.memory_space<vmem>>, vector<1x16xf32>,
        %mul3A_531 = arith.constant 4 : i32
        %mul3A_532 = arith.muli %scan3A_252, %mul3A_531 : i32
        %add3A_533 = arith.constant 3 : i32
        %add3A_534 = arith.addi %mul3A_532, %add3A_533 : i32
        %get3A_535 = arith.index_cast %add3A_534 : i32 to index
        %get3A_536 = arith.constant 32 : index
        %get3A_537 = tpu.vector_load %arg7[%get3A_535, %get3A_536] {strides = array<i32>} : memref<200x64xf32, #tpu.memory_space<vmem>>, vector<1x16xf32>,
        %get3A_538 = vector.shape_cast %get3A_537 : vector<1x16xf32> to vector<16xf32>
        %mul3A_539 = arith.constant 8.000000e+00 : f32
        %mul3A_540 = vector.broadcast %mul3A_539 : f32 to vector<16xf32>
        %mul3A_541 = arith.mulf %get3A_538, %mul3A_540 : vector<16xf32>
        %mul3A_542 = arith.constant 4 : i32
        %mul3A_543 = arith.muli %scan3A_252, %mul3A_542 : i32
        %add3A_544 = arith.constant 3 : i32
        %add3A_545 = arith.addi %mul3A_543, %add3A_544 : i32
        %swap3A_546 = arith.index_cast %add3A_545 : i32 to index
        %swap3A_547 = arith.constant 32 : index
        %swap3A_548 = tpu.vector_load %arg7[%swap3A_546, %swap3A_547] {strides = array<i32>} : memref<200x64xf32, #tpu.memory_space<vmem>>, vector<1x16xf32>,
        %swap3A_549 = vector.shape_cast %swap3A_548 : vector<1x16xf32> to vector<16xf32>
        %swap3A_550 = vector.shape_cast %mul3A_541 : vector<16xf32> to vector<1x16xf32>
        tpu.vector_store %arg7[%swap3A_546, %swap3A_547], %swap3A_550 {strides = array<i32>} : memref<200x64xf32, #tpu.memory_space<vmem>>, vector<1x16xf32>,
        %mul3A_551 = arith.constant 4 : i32
        %mul3A_552 = arith.muli %scan3A_252, %mul3A_551 : i32
        %add3A_553 = arith.constant 3 : i32
        %add3A_554 = arith.addi %mul3A_552, %add3A_553 : i32
        %get3A_555 = arith.index_cast %add3A_554 : i32 to index
        %get3A_556 = arith.constant 48 : index
        %get3A_557 = tpu.vector_load %arg7[%get3A_555, %get3A_556] {strides = array<i32>} : memref<200x64xf32, #tpu.memory_space<vmem>>, vector<1x16xf32>,
        %get3A_558 = vector.shape_cast %get3A_557 : vector<1x16xf32> to vector<16xf32>
        %mul3A_559 = arith.constant 8.000000e+00 : f32
        %mul3A_560 = vector.broadcast %mul3A_559 : f32 to vector<16xf32>
        %mul3A_561 = arith.mulf %get3A_558, %mul3A_560 : vector<16xf32>
        %mul3A_562 = arith.constant 4 : i32
        %mul3A_563 = arith.muli %scan3A_252, %mul3A_562 : i32
        %add3A_564 = arith.constant 3 : i32
        %add3A_565 = arith.addi %mul3A_563, %add3A_564 : i32
        %swap3A_566 = arith.index_cast %add3A_565 : i32 to index
        %swap3A_567 = arith.constant 48 : index
        %swap3A_568 = tpu.vector_load %arg7[%swap3A_566, %swap3A_567] {strides = array<i32>} : memref<200x64xf32, #tpu.memory_space<vmem>>, vector<1x16xf32>,
        %swap3A_569 = vector.shape_cast %swap3A_568 : vector<1x16xf32> to vector<16xf32>
        %swap3A_570 = vector.shape_cast %mul3A_561 : vector<16xf32> to vector<1x16xf32>
        tpu.vector_store %arg7[%swap3A_566, %swap3A_567], %swap3A_570 {strides = array<i32>} : memref<200x64xf32, #tpu.memory_space<vmem>>, vector<1x16xf32>,
        %scan3A_571 = arith.constant 1 : i32
        %scan3A_572 = arith.addi %scan3A_252, %scan3A_571 : i32
        %mul3A_573 = arith.constant 4 : i32
        %mul3A_574 = arith.muli %scan3A_572, %mul3A_573 : i32
        %add3A_575 = arith.constant 0 : i32
        %add3A_576 = arith.addi %mul3A_574, %add3A_575 : i32
        %get3A_577 = arith.index_cast %add3A_576 : i32 to index
        %get3A_578 = arith.constant 0 : index
        %get3A_579 = tpu.vector_load %arg7[%get3A_577, %get3A_578] {strides = array<i32>} : memref<200x64xf32, #tpu.memory_space<vmem>>, vector<1x16xf32>,
        %get3A_580 = vector.shape_cast %get3A_579 : vector<1x16xf32> to vector<16xf32>
        %mul3A_581 = arith.constant 8.000000e+00 : f32
        %mul3A_582 = vector.broadcast %mul3A_581 : f32 to vector<16xf32>
        %mul3A_583 = arith.mulf %get3A_580, %mul3A_582 : vector<16xf32>
        %mul3A_584 = arith.constant 4 : i32
        %mul3A_585 = arith.muli %scan3A_572, %mul3A_584 : i32
        %add3A_586 = arith.constant 0 : i32
        %add3A_587 = arith.addi %mul3A_585, %add3A_586 : i32
        %swap3A_588 = arith.index_cast %add3A_587 : i32 to index
        %swap3A_589 = arith.constant 0 : index
        %swap3A_590 = tpu.vector_load %arg7[%swap3A_588, %swap3A_589] {strides = array<i32>} : memref<200x64xf32, #tpu.memory_space<vmem>>, vector<1x16xf32>,
        %swap3A_591 = vector.shape_cast %swap3A_590 : vector<1x16xf32> to vector<16xf32>
        %swap3A_592 = vector.shape_cast %mul3A_583 : vector<16xf32> to vector<1x16xf32>
        tpu.vector_store %arg7[%swap3A_588, %swap3A_589], %swap3A_592 {strides = array<i32>} : memref<200x64xf32, #tpu.memory_space<vmem>>, vector<1x16xf32>,
        %mul3A_593 = arith.constant 4 : i32
        %mul3A_594 = arith.muli %scan3A_572, %mul3A_593 : i32
        %add3A_595 = arith.constant 0 : i32
        %add3A_596 = arith.addi %mul3A_594, %add3A_595 : i32
        %get3A_597 = arith.index_cast %add3A_596 : i32 to index
        %get3A_598 = arith.constant 16 : index
        %get3A_599 = tpu.vector_load %arg7[%get3A_597, %get3A_598] {strides = array<i32>} : memref<200x64xf32, #tpu.memory_space<vmem>>, vector<1x16xf32>,
        %get3A_600 = vector.shape_cast %get3A_599 : vector<1x16xf32> to vector<16xf32>
        %mul3A_601 = arith.constant 8.000000e+00 : f32
        %mul3A_602 = vector.broadcast %mul3A_601 : f32 to vector<16xf32>
        %mul3A_603 = arith.mulf %get3A_600, %mul3A_602 : vector<16xf32>
        %mul3A_604 = arith.constant 4 : i32
        %mul3A_605 = arith.muli %scan3A_572, %mul3A_604 : i32
        %add3A_606 = arith.constant 0 : i32
        %add3A_607 = arith.addi %mul3A_605, %add3A_606 : i32
        %swap3A_608 = arith.index_cast %add3A_607 : i32 to index
        %swap3A_609 = arith.constant 16 : index
        %swap3A_610 = tpu.vector_load %arg7[%swap3A_608, %swap3A_609] {strides = array<i32>} : memref<200x64xf32, #tpu.memory_space<vmem>>, vector<1x16xf32>,
        %swap3A_611 = vector.shape_cast %swap3A_610 : vector<1x16xf32> to vector<16xf32>
        %swap3A_612 = vector.shape_cast %mul3A_603 : vector<16xf32> to vector<1x16xf32>
        tpu.vector_store %arg7[%swap3A_608, %swap3A_609], %swap3A_612 {strides = array<i32>} : memref<200x64xf32, #tpu.memory_space<vmem>>, vector<1x16xf32>,
        %mul3A_613 = arith.constant 4 : i32
        %mul3A_614 = arith.muli %scan3A_572, %mul3A_613 : i32
        %add3A_615 = arith.constant 0 : i32
        %add3A_616 = arith.addi %mul3A_614, %add3A_615 : i32
        %get3A_617 = arith.index_cast %add3A_616 : i32 to index
        %get3A_618 = arith.constant 32 : index
        %get3A_619 = tpu.vector_load %arg7[%get3A_617, %get3A_618] {strides = array<i32>} : memref<200x64xf32, #tpu.memory_space<vmem>>, vector<1x16xf32>,
        %get3A_620 = vector.shape_cast %get3A_619 : vector<1x16xf32> to vector<16xf32>
        %mul3A_621 = arith.constant 8.000000e+00 : f32
        %mul3A_622 = vector.broadcast %mul3A_621 : f32 to vector<16xf32>
        %mul3A_623 = arith.mulf %get3A_620, %mul3A_622 : vector<16xf32>
        %mul3A_624 = arith.constant 4 : i32
        %mul3A_625 = arith.muli %scan3A_572, %mul3A_624 : i32
        %add3A_626 = arith.constant 0 : i32
        %add3A_627 = arith.addi %mul3A_625, %add3A_626 : i32
        %swap3A_628 = arith.index_cast %add3A_627 : i32 to index
        %swap3A_629 = arith.constant 32 : index
        %swap3A_630 = tpu.vector_load %arg7[%swap3A_628, %swap3A_629] {strides = array<i32>} : memref<200x64xf32, #tpu.memory_space<vmem>>, vector<1x16xf32>,
        %swap3A_631 = vector.shape_cast %swap3A_630 : vector<1x16xf32> to vector<16xf32>
        %swap3A_632 = vector.shape_cast %mul3A_623 : vector<16xf32> to vector<1x16xf32>
        tpu.vector_store %arg7[%swap3A_628, %swap3A_629], %swap3A_632 {strides = array<i32>} : memref<200x64xf32, #tpu.memory_space<vmem>>, vector<1x16xf32>,
        %mul3A_633 = arith.constant 4 : i32
        %mul3A_634 = arith.muli %scan3A_572, %mul3A_633 : i32
        %add3A_635 = arith.constant 0 : i32
        %add3A_636 = arith.addi %mul3A_634, %add3A_635 : i32
        %get3A_637 = arith.index_cast %add3A_636 : i32 to index
        %get3A_638 = arith.constant 48 : index
        %get3A_639 = tpu.vector_load %arg7[%get3A_637, %get3A_638] {strides = array<i32>} : memref<200x64xf32, #tpu.memory_space<vmem>>, vector<1x16xf32>,
        %get3A_640 = vector.shape_cast %get3A_639 : vector<1x16xf32> to vector<16xf32>
        %mul3A_641 = arith.constant 8.000000e+00 : f32
        %mul3A_642 = vector.broadcast %mul3A_641 : f32 to vector<16xf32>
        %mul3A_643 = arith.mulf %get3A_640, %mul3A_642 : vector<16xf32>
        %mul3A_644 = arith.constant 4 : i32
        %mul3A_645 = arith.muli %scan3A_572, %mul3A_644 : i32
        %add3A_646 = arith.constant 0 : i32
        %add3A_647 = arith.addi %mul3A_645, %add3A_646 : i32
        %swap3A_648 = arith.index_cast %add3A_647 : i32 to index
        %swap3A_649 = arith.constant 48 : index
        %swap3A_650 = tpu.vector_load %arg7[%swap3A_648, %swap3A_649] {strides = array<i32>} : memref<200x64xf32, #tpu.memory_space<vmem>>, vector<1x16xf32>,
        %swap3A_651 = vector.shape_cast %swap3A_650 : vector<1x16xf32> to vector<16xf32>
        %swap3A_652 = vector.shape_cast %mul3A_643 : vector<16xf32> to vector<1x16xf32>
        tpu.vector_store %arg7[%swap3A_648, %swap3A_649], %swap3A_652 {strides = array<i32>} : memref<200x64xf32, #tpu.memory_space<vmem>>, vector<1x16xf32>,
        %mul3A_653 = arith.constant 4 : i32
        %mul3A_654 = arith.muli %scan3A_572, %mul3A_653 : i32
        %add3A_655 = arith.constant 1 : i32
        %add3A_656 = arith.addi %mul3A_654, %add3A_655 : i32
        %get3A_657 = arith.index_cast %add3A_656 : i32 to index
        %get3A_658 = arith.constant 0 : index
        %get3A_659 = tpu.vector_load %arg7[%get3A_657, %get3A_658] {strides = array<i32>} : memref<200x64xf32, #tpu.memory_space<vmem>>, vector<1x16xf32>,
        %get3A_660 = vector.shape_cast %get3A_659 : vector<1x16xf32> to vector<16xf32>
        %mul3A_661 = arith.constant 8.000000e+00 : f32
        %mul3A_662 = vector.broadcast %mul3A_661 : f32 to vector<16xf32>
        %mul3A_663 = arith.mulf %get3A_660, %mul3A_662 : vector<16xf32>
        %mul3A_664 = arith.constant 4 : i32
        %mul3A_665 = arith.muli %scan3A_572, %mul3A_664 : i32
        %add3A_666 = arith.constant 1 : i32
        %add3A_667 = arith.addi %mul3A_665, %add3A_666 : i32
        %swap3A_668 = arith.index_cast %add3A_667 : i32 to index
        %swap3A_669 = arith.constant 0 : index
        %swap3A_670 = tpu.vector_load %arg7[%swap3A_668, %swap3A_669] {strides = array<i32>} : memref<200x64xf32, #tpu.memory_space<vmem>>, vector<1x16xf32>,
        %swap3A_671 = vector.shape_cast %swap3A_670 : vector<1x16xf32> to vector<16xf32>
        %swap3A_672 = vector.shape_cast %mul3A_663 : vector<16xf32> to vector<1x16xf32>
        tpu.vector_store %arg7[%swap3A_668, %swap3A_669], %swap3A_672 {strides = array<i32>} : memref<200x64xf32, #tpu.memory_space<vmem>>, vector<1x16xf32>,
        %mul3A_673 = arith.constant 4 : i32
        %mul3A_674 = arith.muli %scan3A_572, %mul3A_673 : i32
        %add3A_675 = arith.constant 1 : i32
        %add3A_676 = arith.addi %mul3A_674, %add3A_675 : i32
        %get3A_677 = arith.index_cast %add3A_676 : i32 to index
        %get3A_678 = arith.constant 16 : index
        %get3A_679 = tpu.vector_load %arg7[%get3A_677, %get3A_678] {strides = array<i32>} : memref<200x64xf32, #tpu.memory_space<vmem>>, vector<1x16xf32>,
        %get3A_680 = vector.shape_cast %get3A_679 : vector<1x16xf32> to vector<16xf32>
        %mul3A_681 = arith.constant 8.000000e+00 : f32
        %mul3A_682 = vector.broadcast %mul3A_681 : f32 to vector<16xf32>
        %mul3A_683 = arith.mulf %get3A_680, %mul3A_682 : vector<16xf32>
        %mul3A_684 = arith.constant 4 : i32
        %mul3A_685 = arith.muli %scan3A_572, %mul3A_684 : i32
        %add3A_686 = arith.constant 1 : i32
        %add3A_687 = arith.addi %mul3A_685, %add3A_686 : i32
        %swap3A_688 = arith.index_cast %add3A_687 : i32 to index
        %swap3A_689 = arith.constant 16 : index
        %swap3A_690 = tpu.vector_load %arg7[%swap3A_688, %swap3A_689] {strides = array<i32>} : memref<200x64xf32, #tpu.memory_space<vmem>>, vector<1x16xf32>,
        %swap3A_691 = vector.shape_cast %swap3A_690 : vector<1x16xf32> to vector<16xf32>
        %swap3A_692 = vector.shape_cast %mul3A_683 : vector<16xf32> to vector<1x16xf32>
        tpu.vector_store %arg7[%swap3A_688, %swap3A_689], %swap3A_692 {strides = array<i32>} : memref<200x64xf32, #tpu.memory_space<vmem>>, vector<1x16xf32>,
        %mul3A_693 = arith.constant 4 : i32
        %mul3A_694 = arith.muli %scan3A_572, %mul3A_693 : i32
        %add3A_695 = arith.constant 1 : i32
        %add3A_696 = arith.addi %mul3A_694, %add3A_695 : i32
        %get3A_697 = arith.index_cast %add3A_696 : i32 to index
        %get3A_698 = arith.constant 32 : index
        %get3A_699 = tpu.vector_load %arg7[%get3A_697, %get3A_698] {strides = array<i32>} : memref<200x64xf32, #tpu.memory_space<vmem>>, vector<1x16xf32>,
        %get3A_700 = vector.shape_cast %get3A_699 : vector<1x16xf32> to vector<16xf32>
        %mul3A_701 = arith.constant 8.000000e+00 : f32
        %mul3A_702 = vector.broadcast %mul3A_701 : f32 to vector<16xf32>
        %mul3A_703 = arith.mulf %get3A_700, %mul3A_702 : vector<16xf32>
        %mul3A_704 = arith.constant 4 : i32
        %mul3A_705 = arith.muli %scan3A_572, %mul3A_704 : i32
        %add3A_706 = arith.constant 1 : i32
        %add3A_707 = arith.addi %mul3A_705, %add3A_706 : i32
        %swap3A_708 = arith.index_cast %add3A_707 : i32 to index
        %swap3A_709 = arith.constant 32 : index
        %swap3A_710 = tpu.vector_load %arg7[%swap3A_708, %swap3A_709] {strides = array<i32>} : memref<200x64xf32, #tpu.memory_space<vmem>>, vector<1x16xf32>,
        %swap3A_711 = vector.shape_cast %swap3A_710 : vector<1x16xf32> to vector<16xf32>
        %swap3A_712 = vector.shape_cast %mul3A_703 : vector<16xf32> to vector<1x16xf32>
        tpu.vector_store %arg7[%swap3A_708, %swap3A_709], %swap3A_712 {strides = array<i32>} : memref<200x64xf32, #tpu.memory_space<vmem>>, vector<1x16xf32>,
        %mul3A_713 = arith.constant 4 : i32
        %mul3A_714 = arith.muli %scan3A_572, %mul3A_713 : i32
        %add3A_715 = arith.constant 1 : i32
        %add3A_716 = arith.addi %mul3A_714, %add3A_715 : i32
        %get3A_717 = arith.index_cast %add3A_716 : i32 to index
        %get3A_718 = arith.constant 48 : index
        %get3A_719 = tpu.vector_load %arg7[%get3A_717, %get3A_718] {strides = array<i32>} : memref<200x64xf32, #tpu.memory_space<vmem>>, vector<1x16xf32>,
        %get3A_720 = vector.shape_cast %get3A_719 : vector<1x16xf32> to vector<16xf32>
        %mul3A_721 = arith.constant 8.000000e+00 : f32
        %mul3A_722 = vector.broadcast %mul3A_721 : f32 to vector<16xf32>
        %mul3A_723 = arith.mulf %get3A_720, %mul3A_722 : vector<16xf32>
        %mul3A_724 = arith.constant 4 : i32
        %mul3A_725 = arith.muli %scan3A_572, %mul3A_724 : i32
        %add3A_726 = arith.constant 1 : i32
        %add3A_727 = arith.addi %mul3A_725, %add3A_726 : i32
        %swap3A_728 = arith.index_cast %add3A_727 : i32 to index
        %swap3A_729 = arith.constant 48 : index
        %swap3A_730 = tpu.vector_load %arg7[%swap3A_728, %swap3A_729] {strides = array<i32>} : memref<200x64xf32, #tpu.memory_space<vmem>>, vector<1x16xf32>,
        %swap3A_731 = vector.shape_cast %swap3A_730 : vector<1x16xf32> to vector<16xf32>
        %swap3A_732 = vector.shape_cast %mul3A_723 : vector<16xf32> to vector<1x16xf32>
        tpu.vector_store %arg7[%swap3A_728, %swap3A_729], %swap3A_732 {strides = array<i32>} : memref<200x64xf32, #tpu.memory_space<vmem>>, vector<1x16xf32>,
        %mul3A_733 = arith.constant 4 : i32
        %mul3A_734 = arith.muli %scan3A_572, %mul3A_733 : i32
        %add3A_735 = arith.constant 2 : i32
        %add3A_736 = arith.addi %mul3A_734, %add3A_735 : i32
        %get3A_737 = arith.index_cast %add3A_736 : i32 to index
        %get3A_738 = arith.constant 0 : index
        %get3A_739 = tpu.vector_load %arg7[%get3A_737, %get3A_738] {strides = array<i32>} : memref<200x64xf32, #tpu.memory_space<vmem>>, vector<1x16xf32>,
        %get3A_740 = vector.shape_cast %get3A_739 : vector<1x16xf32> to vector<16xf32>
        %mul3A_741 = arith.constant 8.000000e+00 : f32
        %mul3A_742 = vector.broadcast %mul3A_741 : f32 to vector<16xf32>
        %mul3A_743 = arith.mulf %get3A_740, %mul3A_742 : vector<16xf32>
        %mul3A_744 = arith.constant 4 : i32
        %mul3A_745 = arith.muli %scan3A_572, %mul3A_744 : i32
        %add3A_746 = arith.constant 2 : i32
        %add3A_747 = arith.addi %mul3A_745, %add3A_746 : i32
        %swap3A_748 = arith.index_cast %add3A_747 : i32 to index
        %swap3A_749 = arith.constant 0 : index
        %swap3A_750 = tpu.vector_load %arg7[%swap3A_748, %swap3A_749] {strides = array<i32>} : memref<200x64xf32, #tpu.memory_space<vmem>>, vector<1x16xf32>,
        %swap3A_751 = vector.shape_cast %swap3A_750 : vector<1x16xf32> to vector<16xf32>
        %swap3A_752 = vector.shape_cast %mul3A_743 : vector<16xf32> to vector<1x16xf32>
        tpu.vector_store %arg7[%swap3A_748, %swap3A_749], %swap3A_752 {strides = array<i32>} : memref<200x64xf32, #tpu.memory_space<vmem>>, vector<1x16xf32>,
        %mul3A_753 = arith.constant 4 : i32
        %mul3A_754 = arith.muli %scan3A_572, %mul3A_753 : i32
        %add3A_755 = arith.constant 2 : i32
        %add3A_756 = arith.addi %mul3A_754, %add3A_755 : i32
        %get3A_757 = arith.index_cast %add3A_756 : i32 to index
        %get3A_758 = arith.constant 16 : index
        %get3A_759 = tpu.vector_load %arg7[%get3A_757, %get3A_758] {strides = array<i32>} : memref<200x64xf32, #tpu.memory_space<vmem>>, vector<1x16xf32>,
        %get3A_760 = vector.shape_cast %get3A_759 : vector<1x16xf32> to vector<16xf32>
        %mul3A_761 = arith.constant 8.000000e+00 : f32
        %mul3A_762 = vector.broadcast %mul3A_761 : f32 to vector<16xf32>
        %mul3A_763 = arith.mulf %get3A_760, %mul3A_762 : vector<16xf32>
        %mul3A_764 = arith.constant 4 : i32
        %mul3A_765 = arith.muli %scan3A_572, %mul3A_764 : i32
        %add3A_766 = arith.constant 2 : i32
        %add3A_767 = arith.addi %mul3A_765, %add3A_766 : i32
        %swap3A_768 = arith.index_cast %add3A_767 : i32 to index
        %swap3A_769 = arith.constant 16 : index
        %swap3A_770 = tpu.vector_load %arg7[%swap3A_768, %swap3A_769] {strides = array<i32>} : memref<200x64xf32, #tpu.memory_space<vmem>>, vector<1x16xf32>,
        %swap3A_771 = vector.shape_cast %swap3A_770 : vector<1x16xf32> to vector<16xf32>
        %swap3A_772 = vector.shape_cast %mul3A_763 : vector<16xf32> to vector<1x16xf32>
        tpu.vector_store %arg7[%swap3A_768, %swap3A_769], %swap3A_772 {strides = array<i32>} : memref<200x64xf32, #tpu.memory_space<vmem>>, vector<1x16xf32>,
        %mul3A_773 = arith.constant 4 : i32
        %mul3A_774 = arith.muli %scan3A_572, %mul3A_773 : i32
        %add3A_775 = arith.constant 2 : i32
        %add3A_776 = arith.addi %mul3A_774, %add3A_775 : i32
        %get3A_777 = arith.index_cast %add3A_776 : i32 to index
        %get3A_778 = arith.constant 32 : index
        %get3A_779 = tpu.vector_load %arg7[%get3A_777, %get3A_778] {strides = array<i32>} : memref<200x64xf32, #tpu.memory_space<vmem>>, vector<1x16xf32>,
        %get3A_780 = vector.shape_cast %get3A_779 : vector<1x16xf32> to vector<16xf32>
        %mul3A_781 = arith.constant 8.000000e+00 : f32
        %mul3A_782 = vector.broadcast %mul3A_781 : f32 to vector<16xf32>
        %mul3A_783 = arith.mulf %get3A_780, %mul3A_782 : vector<16xf32>
        %mul3A_784 = arith.constant 4 : i32
        %mul3A_785 = arith.muli %scan3A_572, %mul3A_784 : i32
        %add3A_786 = arith.constant 2 : i32
        %add3A_787 = arith.addi %mul3A_785, %add3A_786 : i32
        %swap3A_788 = arith.index_cast %add3A_787 : i32 to index
        %swap3A_789 = arith.constant 32 : index
        %swap3A_790 = tpu.vector_load %arg7[%swap3A_788, %swap3A_789] {strides = array<i32>} : memref<200x64xf32, #tpu.memory_space<vmem>>, vector<1x16xf32>,
        %swap3A_791 = vector.shape_cast %swap3A_790 : vector<1x16xf32> to vector<16xf32>
        %swap3A_792 = vector.shape_cast %mul3A_783 : vector<16xf32> to vector<1x16xf32>
        tpu.vector_store %arg7[%swap3A_788, %swap3A_789], %swap3A_792 {strides = array<i32>} : memref<200x64xf32, #tpu.memory_space<vmem>>, vector<1x16xf32>,
        %mul3A_793 = arith.constant 4 : i32
        %mul3A_794 = arith.muli %scan3A_572, %mul3A_793 : i32
        %add3A_795 = arith.constant 2 : i32
        %add3A_796 = arith.addi %mul3A_794, %add3A_795 : i32
        %get3A_797 = arith.index_cast %add3A_796 : i32 to index
        %get3A_798 = arith.constant 48 : index
        %get3A_799 = tpu.vector_load %arg7[%get3A_797, %get3A_798] {strides = array<i32>} : memref<200x64xf32, #tpu.memory_space<vmem>>, vector<1x16xf32>,
        %get3A_800 = vector.shape_cast %get3A_799 : vector<1x16xf32> to vector<16xf32>
        %mul3A_801 = arith.constant 8.000000e+00 : f32
        %mul3A_802 = vector.broadcast %mul3A_801 : f32 to vector<16xf32>
        %mul3A_803 = arith.mulf %get3A_800, %mul3A_802 : vector<16xf32>
        %mul3A_804 = arith.constant 4 : i32
        %mul3A_805 = arith.muli %scan3A_572, %mul3A_804 : i32
        %add3A_806 = arith.constant 2 : i32
        %add3A_807 = arith.addi %mul3A_805, %add3A_806 : i32
        %swap3A_808 = arith.index_cast %add3A_807 : i32 to index
        %swap3A_809 = arith.constant 48 : index
        %swap3A_810 = tpu.vector_load %arg7[%swap3A_808, %swap3A_809] {strides = array<i32>} : memref<200x64xf32, #tpu.memory_space<vmem>>, vector<1x16xf32>,
        %swap3A_811 = vector.shape_cast %swap3A_810 : vector<1x16xf32> to vector<16xf32>
        %swap3A_812 = vector.shape_cast %mul3A_803 : vector<16xf32> to vector<1x16xf32>
        tpu.vector_store %arg7[%swap3A_808, %swap3A_809], %swap3A_812 {strides = array<i32>} : memref<200x64xf32, #tpu.memory_space<vmem>>, vector<1x16xf32>,
        %mul3A_813 = arith.constant 4 : i32
        %mul3A_814 = arith.muli %scan3A_572, %mul3A_813 : i32
        %add3A_815 = arith.constant 3 : i32
        %add3A_816 = arith.addi %mul3A_814, %add3A_815 : i32
        %get3A_817 = arith.index_cast %add3A_816 : i32 to index
        %get3A_818 = arith.constant 0 : index
        %get3A_819 = tpu.vector_load %arg7[%get3A_817, %get3A_818] {strides = array<i32>} : memref<200x64xf32, #tpu.memory_space<vmem>>, vector<1x16xf32>,
        %get3A_820 = vector.shape_cast %get3A_819 : vector<1x16xf32> to vector<16xf32>
        %mul3A_821 = arith.constant 8.000000e+00 : f32
        %mul3A_822 = vector.broadcast %mul3A_821 : f32 to vector<16xf32>
        %mul3A_823 = arith.mulf %get3A_820, %mul3A_822 : vector<16xf32>
        %mul3A_824 = arith.constant 4 : i32
        %mul3A_825 = arith.muli %scan3A_572, %mul3A_824 : i32
        %add3A_826 = arith.constant 3 : i32
        %add3A_827 = arith.addi %mul3A_825, %add3A_826 : i32
        %swap3A_828 = arith.index_cast %add3A_827 : i32 to index
        %swap3A_829 = arith.constant 0 : index
        %swap3A_830 = tpu.vector_load %arg7[%swap3A_828, %swap3A_829] {strides = array<i32>} : memref<200x64xf32, #tpu.memory_space<vmem>>, vector<1x16xf32>,
        %swap3A_831 = vector.shape_cast %swap3A_830 : vector<1x16xf32> to vector<16xf32>
        %swap3A_832 = vector.shape_cast %mul3A_823 : vector<16xf32> to vector<1x16xf32>
        tpu.vector_store %arg7[%swap3A_828, %swap3A_829], %swap3A_832 {strides = array<i32>} : memref<200x64xf32, #tpu.memory_space<vmem>>, vector<1x16xf32>,
        %mul3A_833 = arith.constant 4 : i32
        %mul3A_834 = arith.muli %scan3A_572, %mul3A_833 : i32
        %add3A_835 = arith.constant 3 : i32
        %add3A_836 = arith.addi %mul3A_834, %add3A_835 : i32
        %get3A_837 = arith.index_cast %add3A_836 : i32 to index
        %get3A_838 = arith.constant 16 : index
        %get3A_839 = tpu.vector_load %arg7[%get3A_837, %get3A_838] {strides = array<i32>} : memref<200x64xf32, #tpu.memory_space<vmem>>, vector<1x16xf32>,
        %get3A_840 = vector.shape_cast %get3A_839 : vector<1x16xf32> to vector<16xf32>
        %mul3A_841 = arith.constant 8.000000e+00 : f32
        %mul3A_842 = vector.broadcast %mul3A_841 : f32 to vector<16xf32>
        %mul3A_843 = arith.mulf %get3A_840, %mul3A_842 : vector<16xf32>
        %mul3A_844 = arith.constant 4 : i32
        %mul3A_845 = arith.muli %scan3A_572, %mul3A_844 : i32
        %add3A_846 = arith.constant 3 : i32
        %add3A_847 = arith.addi %mul3A_845, %add3A_846 : i32
        %swap3A_848 = arith.index_cast %add3A_847 : i32 to index
        %swap3A_849 = arith.constant 16 : index
        %swap3A_850 = tpu.vector_load %arg7[%swap3A_848, %swap3A_849] {strides = array<i32>} : memref<200x64xf32, #tpu.memory_space<vmem>>, vector<1x16xf32>,
        %swap3A_851 = vector.shape_cast %swap3A_850 : vector<1x16xf32> to vector<16xf32>
        %swap3A_852 = vector.shape_cast %mul3A_843 : vector<16xf32> to vector<1x16xf32>
        tpu.vector_store %arg7[%swap3A_848, %swap3A_849], %swap3A_852 {strides = array<i32>} : memref<200x64xf32, #tpu.memory_space<vmem>>, vector<1x16xf32>,
        %mul3A_853 = arith.constant 4 : i32
        %mul3A_854 = arith.muli %scan3A_572, %mul3A_853 : i32
        %add3A_855 = arith.constant 3 : i32
        %add3A_856 = arith.addi %mul3A_854, %add3A_855 : i32
        %get3A_857 = arith.index_cast %add3A_856 : i32 to index
        %get3A_858 = arith.constant 32 : index
        %get3A_859 = tpu.vector_load %arg7[%get3A_857, %get3A_858] {strides = array<i32>} : memref<200x64xf32, #tpu.memory_space<vmem>>, vector<1x16xf32>,
        %get3A_860 = vector.shape_cast %get3A_859 : vector<1x16xf32> to vector<16xf32>
        %mul3A_861 = arith.constant 8.000000e+00 : f32
        %mul3A_862 = vector.broadcast %mul3A_861 : f32 to vector<16xf32>
        %mul3A_863 = arith.mulf %get3A_860, %mul3A_862 : vector<16xf32>
        %mul3A_864 = arith.constant 4 : i32
        %mul3A_865 = arith.muli %scan3A_572, %mul3A_864 : i32
        %add3A_866 = arith.constant 3 : i32
        %add3A_867 = arith.addi %mul3A_865, %add3A_866 : i32
        %swap3A_868 = arith.index_cast %add3A_867 : i32 to index
        %swap3A_869 = arith.constant 32 : index
        %swap3A_870 = tpu.vector_load %arg7[%swap3A_868, %swap3A_869] {strides = array<i32>} : memref<200x64xf32, #tpu.memory_space<vmem>>, vector<1x16xf32>,
        %swap3A_871 = vector.shape_cast %swap3A_870 : vector<1x16xf32> to vector<16xf32>
        %swap3A_872 = vector.shape_cast %mul3A_863 : vector<16xf32> to vector<1x16xf32>
        tpu.vector_store %arg7[%swap3A_868, %swap3A_869], %swap3A_872 {strides = array<i32>} : memref<200x64xf32, #tpu.memory_space<vmem>>, vector<1x16xf32>,
        %mul3A_873 = arith.constant 4 : i32
        %mul3A_874 = arith.muli %scan3A_572, %mul3A_873 : i32
        %add3A_875 = arith.constant 3 : i32
        %add3A_876 = arith.addi %mul3A_874, %add3A_875 : i32
        %get3A_877 = arith.index_cast %add3A_876 : i32 to index
        %get3A_878 = arith.constant 48 : index
        %get3A_879 = tpu.vector_load %arg7[%get3A_877, %get3A_878] {strides = array<i32>} : memref<200x64xf32, #tpu.memory_space<vmem>>, vector<1x16xf32>,
        %get3A_880 = vector.shape_cast %get3A_879 : vector<1x16xf32> to vector<16xf32>
        %mul3A_881 = arith.constant 8.000000e+00 : f32
        %mul3A_882 = vector.broadcast %mul3A_881 : f32 to vector<16xf32>
        %mul3A_883 = arith.mulf %get3A_880, %mul3A_882 : vector<16xf32>
        %mul3A_884 = arith.constant 4 : i32
        %mul3A_885 = arith.muli %scan3A_572, %mul3A_884 : i32
        %add3A_886 = arith.constant 3 : i32
        %add3A_887 = arith.addi %mul3A_885, %add3A_886 : i32
        %swap3A_888 = arith.index_cast %add3A_887 : i32 to index
        %swap3A_889 = arith.constant 48 : index
        %swap3A_890 = tpu.vector_load %arg7[%swap3A_888, %swap3A_889] {strides = array<i32>} : memref<200x64xf32, #tpu.memory_space<vmem>>, vector<1x16xf32>,
        %swap3A_891 = vector.shape_cast %swap3A_890 : vector<1x16xf32> to vector<16xf32>
        %swap3A_892 = vector.shape_cast %mul3A_883 : vector<16xf32> to vector<1x16xf32>
        tpu.vector_store %arg7[%swap3A_888, %swap3A_889], %swap3A_892 {strides = array<i32>} : memref<200x64xf32, #tpu.memory_space<vmem>>, vector<1x16xf32>,
      }
      %scan3A_154 = arith.constant 50 : i32
      %add3A_155 = arith.addi %mul3A_2, %add3A_123 : i32
      %dma_start3A_156 = arith.constant 0 : i32
      %dma_start3A_157 = arith.constant 0 : i32
      %dma_start3A_158 = tpu.memref_slice %arg4[%add3A_155, %dma_start3A_156, %dma_start3A_157] : memref<4096x200x64xf32, #tpu.memory_space<hbm>> -> memref<1x200x64xf32, #tpu.memory_space<hbm>>
      %dma_start3A_159 = tpu.memref_squeeze %dma_start3A_158 : memref<1x200x64xf32, #tpu.memory_space<hbm>> -> memref<200x64xf32, #tpu.memory_space<hbm>>
      %dma_start3A_160 = arith.constant 0 : i32
      %dma_start3A_161 = arith.constant 0 : i32
      %dma_start3A_162 = tpu.memref_slice %arg4[%add3A_155, %dma_start3A_160, %dma_start3A_161] : memref<4096x200x64xf32, #tpu.memory_space<hbm>> -> memref<1x200x64xf32, #tpu.memory_space<hbm>>
      %dma_start3A_163 = tpu.memref_squeeze %dma_start3A_162 : memref<1x200x64xf32, #tpu.memory_space<hbm>> -> memref<200x64xf32, #tpu.memory_space<hbm>>
      tpu.enqueue_dma source(%arg7 : memref<200x64xf32, #tpu.memory_space<vmem>>) target(%dma_start3A_163 : memref<200x64xf32, #tpu.memory_space<hbm>>) target_semaphore(%arg15 : memref<!tpu.dma_semaphore, #tpu.memory_space<semaphore_mem>>)
      %mul3A_164 = arith.constant 4 : i32
      %mul3A_165 = arith.muli %scan3A_78, %mul3A_164 : i32
      %add3A_166 = arith.constant 2 : i32
      %add3A_167 = arith.addi %mul3A_165, %add3A_166 : i32
      %add3A_168 = arith.constant 2 : i32
      %add3A_169 = arith.addi %add3A_167, %add3A_168 : i32
      %le3A_170 = arith.constant 127 : i32
      %le3A_171 = arith.cmpi sle, %add3A_169, %le3A_170 : i32
      %convert_element_type3A_172 = arith.extui %le3A_171 : i1 to i32
      %cond3A_173 = arith.constant 0 : i32
      %cond3A_174 = arith.cmpi ne, %convert_element_type3A_172, %cond3A_173 : i32
      scf.if %cond3A_174 {
        %ge3A = arith.constant 2 : i32
        %ge3A_252 = arith.cmpi sge, %add3A_167, %ge3A : i32
        %convert_element_type3A_253 = arith.extui %ge3A_252 : i1 to i32
        %cond3A_254 = arith.constant 0 : i32
        %cond3A_255 = arith.cmpi ne, %convert_element_type3A_253, %cond3A_254 : i32
        scf.if %cond3A_255 {
          %dma_wait3A_276 = arith.constant 0 : i32
          %dma_wait3A_277 = arith.constant 0 : i32
          %dma_wait3A_278 = tpu.memref_slice %arg4[%mul3A_2, %dma_wait3A_276, %dma_wait3A_277] : memref<4096x200x64xf32, #tpu.memory_space<hbm>> -> memref<1x200x64xf32, #tpu.memory_space<hbm>>
          %dma_wait3A_279 = tpu.memref_squeeze %dma_wait3A_278 : memref<1x200x64xf32, #tpu.memory_space<hbm>> -> memref<200x64xf32, #tpu.memory_space<hbm>>
          %dma_wait3A_280 = arith.constant 0 : i32
          %dma_wait3A_281 = arith.constant 0 : i32
          %dma_wait3A_282 = tpu.memref_slice %arg4[%mul3A_2, %dma_wait3A_280, %dma_wait3A_281] : memref<4096x200x64xf32, #tpu.memory_space<hbm>> -> memref<1x200x64xf32, #tpu.memory_space<hbm>>
          %dma_wait3A_283 = tpu.memref_squeeze %dma_wait3A_282 : memref<1x200x64xf32, #tpu.memory_space<hbm>> -> memref<200x64xf32, #tpu.memory_space<hbm>>
          tpu.wait_dma2 semaphore(%arg14 : memref<!tpu.dma_semaphore, #tpu.memory_space<semaphore_mem>>) src(%arg6 : memref<200x64xf32, #tpu.memory_space<vmem>>) dst(%dma_wait3A_283 : memref<200x64xf32, #tpu.memory_space<hbm>>)
        } else {
        }
        %add3A_256 = arith.constant 2 : i32
        %add3A_257 = arith.addi %add3A_167, %add3A_256 : i32
        %dma_start3A_258 = arith.constant 0 : i32
        %dma_start3A_259 = arith.constant 0 : i32
        %dma_start3A_260 = tpu.memref_slice %arg6[%dma_start3A_258, %dma_start3A_259] : memref<200x64xf32, #tpu.memory_space<vmem>> -> memref<96x64xf32, #tpu.memory_space<vmem>>
        %dma_start3A_261 = arith.constant 0 : i32
        %dma_start3A_262 = tpu.memref_slice %arg5[%add3A_257, %dma_start3A_261] : memref<128x200xi32, #tpu.memory_space<vmem>> -> memref<1x96xi32, #tpu.memory_space<vmem>>
        %dma_start3A_263 = tpu.memref_squeeze %dma_start3A_262 : memref<1x96xi32, #tpu.memory_space<vmem>> -> memref<96xi32, #tpu.memory_space<vmem>>
        %dma_start3A_264 = arith.constant 0 : i32
        %dma_start3A_265 = arith.constant 0 : i32
        %dma_start3A_266 = tpu.memref_slice %arg2[%dma_start3A_264, %dma_start3A_265] : memref<1000000x64xf32, #tpu.memory_space<hbm>> -> memref<1000000x64xf32, #tpu.memory_space<hbm>>
        tpu.enqueue_indirect_dma source(%dma_start3A_266 : memref<1000000x64xf32, #tpu.memory_space<hbm>>) target(%dma_start3A_260 : memref<96x64xf32, #tpu.memory_space<vmem>>) offsets(%dma_start3A_263 : memref<96xi32, #tpu.memory_space<vmem>>) semaphore(%arg10 : memref<!tpu.dma_semaphore, #tpu.memory_space<semaphore_mem>>)
        %dma_start3A_267 = arith.constant 96 : i32
        %dma_start3A_268 = arith.constant 0 : i32
        %dma_start3A_269 = tpu.memref_slice %arg6[%dma_start3A_267, %dma_start3A_268] : memref<200x64xf32, #tpu.memory_space<vmem>> -> memref<104x64xf32, #tpu.memory_space<vmem>>
        %dma_start3A_270 = arith.constant 96 : i32
        %dma_start3A_271 = tpu.memref_slice %arg5[%add3A_257, %dma_start3A_270] : memref<128x200xi32, #tpu.memory_space<vmem>> -> memref<1x104xi32, #tpu.memory_space<vmem>>
        %dma_start3A_272 = tpu.memref_squeeze %dma_start3A_271 : memref<1x104xi32, #tpu.memory_space<vmem>> -> memref<104xi32, #tpu.memory_space<vmem>>
        %dma_start3A_273 = arith.constant 0 : i32
        %dma_start3A_274 = arith.constant 0 : i32
        %dma_start3A_275 = tpu.memref_slice %arg2[%dma_start3A_273, %dma_start3A_274] : memref<1000000x64xf32, #tpu.memory_space<hbm>> -> memref<1000000x64xf32, #tpu.memory_space<hbm>>
        tpu.enqueue_indirect_dma source(%dma_start3A_275 : memref<1000000x64xf32, #tpu.memory_space<hbm>>) target(%dma_start3A_269 : memref<104x64xf32, #tpu.memory_space<vmem>>) offsets(%dma_start3A_272 : memref<104xi32, #tpu.memory_space<vmem>>) semaphore(%arg10 : memref<!tpu.dma_semaphore, #tpu.memory_space<semaphore_mem>>)
      } else {
      }
      %dma_wait3A_175 = arith.constant 0 : i32
      %dma_wait3A_176 = arith.constant 0 : i32
      %dma_wait3A_177 = tpu.memref_slice %arg8[%dma_wait3A_175, %dma_wait3A_176] : memref<200x64xf32, #tpu.memory_space<vmem>> -> memref<96x64xf32, #tpu.memory_space<vmem>>
      %dma_wait3A_178 = arith.constant 0 : i32
      %dma_wait3A_179 = tpu.memref_slice %arg5[%add3A_167, %dma_wait3A_178] : memref<128x200xi32, #tpu.memory_space<vmem>> -> memref<1x96xi32, #tpu.memory_space<vmem>>
      %dma_wait3A_180 = tpu.memref_squeeze %dma_wait3A_179 : memref<1x96xi32, #tpu.memory_space<vmem>> -> memref<96xi32, #tpu.memory_space<vmem>>
      %dma_wait3A_181 = arith.constant 0 : i32
      %dma_wait3A_182 = arith.constant 0 : i32
      %dma_wait3A_183 = tpu.memref_slice %arg2[%dma_wait3A_181, %dma_wait3A_182] : memref<1000000x64xf32, #tpu.memory_space<hbm>> -> memref<1000000x64xf32, #tpu.memory_space<hbm>>
      tpu.wait_indirect_dma semaphore(%arg12 : memref<!tpu.dma_semaphore, #tpu.memory_space<semaphore_mem>>) src(%dma_wait3A_183 : memref<1000000x64xf32, #tpu.memory_space<hbm>>) dst(%dma_wait3A_177 : memref<96x64xf32, #tpu.memory_space<vmem>>)
      %dma_wait3A_184 = arith.constant 96 : i32
      %dma_wait3A_185 = arith.constant 0 : i32
      %dma_wait3A_186 = tpu.memref_slice %arg8[%dma_wait3A_184, %dma_wait3A_185] : memref<200x64xf32, #tpu.memory_space<vmem>> -> memref<104x64xf32, #tpu.memory_space<vmem>>
      %dma_wait3A_187 = arith.constant 96 : i32
      %dma_wait3A_188 = tpu.memref_slice %arg5[%add3A_167, %dma_wait3A_187] : memref<128x200xi32, #tpu.memory_space<vmem>> -> memref<1x104xi32, #tpu.memory_space<vmem>>
      %dma_wait3A_189 = tpu.memref_squeeze %dma_wait3A_188 : memref<1x104xi32, #tpu.memory_space<vmem>> -> memref<104xi32, #tpu.memory_space<vmem>>
      %dma_wait3A_190 = arith.constant 0 : i32
      %dma_wait3A_191 = arith.constant 0 : i32
      %dma_wait3A_192 = tpu.memref_slice %arg2[%dma_wait3A_190, %dma_wait3A_191] : memref<1000000x64xf32, #tpu.memory_space<hbm>> -> memref<1000000x64xf32, #tpu.memory_space<hbm>>
      tpu.wait_indirect_dma semaphore(%arg12 : memref<!tpu.dma_semaphore, #tpu.memory_space<semaphore_mem>>) src(%dma_wait3A_192 : memref<1000000x64xf32, #tpu.memory_space<hbm>>) dst(%dma_wait3A_186 : memref<104x64xf32, #tpu.memory_space<vmem>>)
      %scan3A_193 = arith.constant 0 : i32
      %scan3A_194 = arith.constant 0 : i32
      %scan3A_195 = arith.constant 50 : i32
      %scan3A_196 = arith.addi %scan3A_194, %scan3A_195 : i32
      %scan3A_197 = arith.constant 2 : i32
      scf.for %scan3A_252 = %scan3A_194 to %scan3A_196 step %scan3A_197  : i32 {
        %mul3A_253 = arith.constant 4 : i32
        %mul3A_254 = arith.muli %scan3A_252, %mul3A_253 : i32
        %add3A_255 = arith.constant 0 : i32
        %add3A_256 = arith.addi %mul3A_254, %add3A_255 : i32
        %get3A = arith.index_cast %add3A_256 : i32 to index
        %get3A_257 = arith.constant 0 : index
        %get3A_258 = tpu.vector_load %arg8[%get3A, %get3A_257] {strides = array<i32>} : memref<200x64xf32, #tpu.memory_space<vmem>>, vector<1x16xf32>,
        %get3A_259 = vector.shape_cast %get3A_258 : vector<1x16xf32> to vector<16xf32>
        %mul3A_260 = arith.constant 8.000000e+00 : f32
        %mul3A_261 = vector.broadcast %mul3A_260 : f32 to vector<16xf32>
        %mul3A_262 = arith.mulf %get3A_259, %mul3A_261 : vector<16xf32>
        %mul3A_263 = arith.constant 4 : i32
        %mul3A_264 = arith.muli %scan3A_252, %mul3A_263 : i32
        %add3A_265 = arith.constant 0 : i32
        %add3A_266 = arith.addi %mul3A_264, %add3A_265 : i32
        %swap3A = arith.index_cast %add3A_266 : i32 to index
        %swap3A_267 = arith.constant 0 : index
        %swap3A_268 = tpu.vector_load %arg8[%swap3A, %swap3A_267] {strides = array<i32>} : memref<200x64xf32, #tpu.memory_space<vmem>>, vector<1x16xf32>,
        %swap3A_269 = vector.shape_cast %swap3A_268 : vector<1x16xf32> to vector<16xf32>
        %swap3A_270 = vector.shape_cast %mul3A_262 : vector<16xf32> to vector<1x16xf32>
        tpu.vector_store %arg8[%swap3A, %swap3A_267], %swap3A_270 {strides = array<i32>} : memref<200x64xf32, #tpu.memory_space<vmem>>, vector<1x16xf32>,
        %mul3A_271 = arith.constant 4 : i32
        %mul3A_272 = arith.muli %scan3A_252, %mul3A_271 : i32
        %add3A_273 = arith.constant 0 : i32
        %add3A_274 = arith.addi %mul3A_272, %add3A_273 : i32
        %get3A_275 = arith.index_cast %add3A_274 : i32 to index
        %get3A_276 = arith.constant 16 : index
        %get3A_277 = tpu.vector_load %arg8[%get3A_275, %get3A_276] {strides = array<i32>} : memref<200x64xf32, #tpu.memory_space<vmem>>, vector<1x16xf32>,
        %get3A_278 = vector.shape_cast %get3A_277 : vector<1x16xf32> to vector<16xf32>
        %mul3A_279 = arith.constant 8.000000e+00 : f32
        %mul3A_280 = vector.broadcast %mul3A_279 : f32 to vector<16xf32>
        %mul3A_281 = arith.mulf %get3A_278, %mul3A_280 : vector<16xf32>
        %mul3A_282 = arith.constant 4 : i32
        %mul3A_283 = arith.muli %scan3A_252, %mul3A_282 : i32
        %add3A_284 = arith.constant 0 : i32
        %add3A_285 = arith.addi %mul3A_283, %add3A_284 : i32
        %swap3A_286 = arith.index_cast %add3A_285 : i32 to index
        %swap3A_287 = arith.constant 16 : index
        %swap3A_288 = tpu.vector_load %arg8[%swap3A_286, %swap3A_287] {strides = array<i32>} : memref<200x64xf32, #tpu.memory_space<vmem>>, vector<1x16xf32>,
        %swap3A_289 = vector.shape_cast %swap3A_288 : vector<1x16xf32> to vector<16xf32>
        %swap3A_290 = vector.shape_cast %mul3A_281 : vector<16xf32> to vector<1x16xf32>
        tpu.vector_store %arg8[%swap3A_286, %swap3A_287], %swap3A_290 {strides = array<i32>} : memref<200x64xf32, #tpu.memory_space<vmem>>, vector<1x16xf32>,
        %mul3A_291 = arith.constant 4 : i32
        %mul3A_292 = arith.muli %scan3A_252, %mul3A_291 : i32
        %add3A_293 = arith.constant 0 : i32
        %add3A_294 = arith.addi %mul3A_292, %add3A_293 : i32
        %get3A_295 = arith.index_cast %add3A_294 : i32 to index
        %get3A_296 = arith.constant 32 : index
        %get3A_297 = tpu.vector_load %arg8[%get3A_295, %get3A_296] {strides = array<i32>} : memref<200x64xf32, #tpu.memory_space<vmem>>, vector<1x16xf32>,
        %get3A_298 = vector.shape_cast %get3A_297 : vector<1x16xf32> to vector<16xf32>
        %mul3A_299 = arith.constant 8.000000e+00 : f32
        %mul3A_300 = vector.broadcast %mul3A_299 : f32 to vector<16xf32>
        %mul3A_301 = arith.mulf %get3A_298, %mul3A_300 : vector<16xf32>
        %mul3A_302 = arith.constant 4 : i32
        %mul3A_303 = arith.muli %scan3A_252, %mul3A_302 : i32
        %add3A_304 = arith.constant 0 : i32
        %add3A_305 = arith.addi %mul3A_303, %add3A_304 : i32
        %swap3A_306 = arith.index_cast %add3A_305 : i32 to index
        %swap3A_307 = arith.constant 32 : index
        %swap3A_308 = tpu.vector_load %arg8[%swap3A_306, %swap3A_307] {strides = array<i32>} : memref<200x64xf32, #tpu.memory_space<vmem>>, vector<1x16xf32>,
        %swap3A_309 = vector.shape_cast %swap3A_308 : vector<1x16xf32> to vector<16xf32>
        %swap3A_310 = vector.shape_cast %mul3A_301 : vector<16xf32> to vector<1x16xf32>
        tpu.vector_store %arg8[%swap3A_306, %swap3A_307], %swap3A_310 {strides = array<i32>} : memref<200x64xf32, #tpu.memory_space<vmem>>, vector<1x16xf32>,
        %mul3A_311 = arith.constant 4 : i32
        %mul3A_312 = arith.muli %scan3A_252, %mul3A_311 : i32
        %add3A_313 = arith.constant 0 : i32
        %add3A_314 = arith.addi %mul3A_312, %add3A_313 : i32
        %get3A_315 = arith.index_cast %add3A_314 : i32 to index
        %get3A_316 = arith.constant 48 : index
        %get3A_317 = tpu.vector_load %arg8[%get3A_315, %get3A_316] {strides = array<i32>} : memref<200x64xf32, #tpu.memory_space<vmem>>, vector<1x16xf32>,
        %get3A_318 = vector.shape_cast %get3A_317 : vector<1x16xf32> to vector<16xf32>
        %mul3A_319 = arith.constant 8.000000e+00 : f32
        %mul3A_320 = vector.broadcast %mul3A_319 : f32 to vector<16xf32>
        %mul3A_321 = arith.mulf %get3A_318, %mul3A_320 : vector<16xf32>
        %mul3A_322 = arith.constant 4 : i32
        %mul3A_323 = arith.muli %scan3A_252, %mul3A_322 : i32
        %add3A_324 = arith.constant 0 : i32
        %add3A_325 = arith.addi %mul3A_323, %add3A_324 : i32
        %swap3A_326 = arith.index_cast %add3A_325 : i32 to index
        %swap3A_327 = arith.constant 48 : index
        %swap3A_328 = tpu.vector_load %arg8[%swap3A_326, %swap3A_327] {strides = array<i32>} : memref<200x64xf32, #tpu.memory_space<vmem>>, vector<1x16xf32>,
        %swap3A_329 = vector.shape_cast %swap3A_328 : vector<1x16xf32> to vector<16xf32>
        %swap3A_330 = vector.shape_cast %mul3A_321 : vector<16xf32> to vector<1x16xf32>
        tpu.vector_store %arg8[%swap3A_326, %swap3A_327], %swap3A_330 {strides = array<i32>} : memref<200x64xf32, #tpu.memory_space<vmem>>, vector<1x16xf32>,
        %mul3A_331 = arith.constant 4 : i32
        %mul3A_332 = arith.muli %scan3A_252, %mul3A_331 : i32
        %add3A_333 = arith.constant 1 : i32
        %add3A_334 = arith.addi %mul3A_332, %add3A_333 : i32
        %get3A_335 = arith.index_cast %add3A_334 : i32 to index
        %get3A_336 = arith.constant 0 : index
        %get3A_337 = tpu.vector_load %arg8[%get3A_335, %get3A_336] {strides = array<i32>} : memref<200x64xf32, #tpu.memory_space<vmem>>, vector<1x16xf32>,
        %get3A_338 = vector.shape_cast %get3A_337 : vector<1x16xf32> to vector<16xf32>
        %mul3A_339 = arith.constant 8.000000e+00 : f32
        %mul3A_340 = vector.broadcast %mul3A_339 : f32 to vector<16xf32>
        %mul3A_341 = arith.mulf %get3A_338, %mul3A_340 : vector<16xf32>
        %mul3A_342 = arith.constant 4 : i32
        %mul3A_343 = arith.muli %scan3A_252, %mul3A_342 : i32
        %add3A_344 = arith.constant 1 : i32
        %add3A_345 = arith.addi %mul3A_343, %add3A_344 : i32
        %swap3A_346 = arith.index_cast %add3A_345 : i32 to index
        %swap3A_347 = arith.constant 0 : index
        %swap3A_348 = tpu.vector_load %arg8[%swap3A_346, %swap3A_347] {strides = array<i32>} : memref<200x64xf32, #tpu.memory_space<vmem>>, vector<1x16xf32>,
        %swap3A_349 = vector.shape_cast %swap3A_348 : vector<1x16xf32> to vector<16xf32>
        %swap3A_350 = vector.shape_cast %mul3A_341 : vector<16xf32> to vector<1x16xf32>
        tpu.vector_store %arg8[%swap3A_346, %swap3A_347], %swap3A_350 {strides = array<i32>} : memref<200x64xf32, #tpu.memory_space<vmem>>, vector<1x16xf32>,
        %mul3A_351 = arith.constant 4 : i32
        %mul3A_352 = arith.muli %scan3A_252, %mul3A_351 : i32
        %add3A_353 = arith.constant 1 : i32
        %add3A_354 = arith.addi %mul3A_352, %add3A_353 : i32
        %get3A_355 = arith.index_cast %add3A_354 : i32 to index
        %get3A_356 = arith.constant 16 : index
        %get3A_357 = tpu.vector_load %arg8[%get3A_355, %get3A_356] {strides = array<i32>} : memref<200x64xf32, #tpu.memory_space<vmem>>, vector<1x16xf32>,
        %get3A_358 = vector.shape_cast %get3A_357 : vector<1x16xf32> to vector<16xf32>
        %mul3A_359 = arith.constant 8.000000e+00 : f32
        %mul3A_360 = vector.broadcast %mul3A_359 : f32 to vector<16xf32>
        %mul3A_361 = arith.mulf %get3A_358, %mul3A_360 : vector<16xf32>
        %mul3A_362 = arith.constant 4 : i32
        %mul3A_363 = arith.muli %scan3A_252, %mul3A_362 : i32
        %add3A_364 = arith.constant 1 : i32
        %add3A_365 = arith.addi %mul3A_363, %add3A_364 : i32
        %swap3A_366 = arith.index_cast %add3A_365 : i32 to index
        %swap3A_367 = arith.constant 16 : index
        %swap3A_368 = tpu.vector_load %arg8[%swap3A_366, %swap3A_367] {strides = array<i32>} : memref<200x64xf32, #tpu.memory_space<vmem>>, vector<1x16xf32>,
        %swap3A_369 = vector.shape_cast %swap3A_368 : vector<1x16xf32> to vector<16xf32>
        %swap3A_370 = vector.shape_cast %mul3A_361 : vector<16xf32> to vector<1x16xf32>
        tpu.vector_store %arg8[%swap3A_366, %swap3A_367], %swap3A_370 {strides = array<i32>} : memref<200x64xf32, #tpu.memory_space<vmem>>, vector<1x16xf32>,
        %mul3A_371 = arith.constant 4 : i32
        %mul3A_372 = arith.muli %scan3A_252, %mul3A_371 : i32
        %add3A_373 = arith.constant 1 : i32
        %add3A_374 = arith.addi %mul3A_372, %add3A_373 : i32
        %get3A_375 = arith.index_cast %add3A_374 : i32 to index
        %get3A_376 = arith.constant 32 : index
        %get3A_377 = tpu.vector_load %arg8[%get3A_375, %get3A_376] {strides = array<i32>} : memref<200x64xf32, #tpu.memory_space<vmem>>, vector<1x16xf32>,
        %get3A_378 = vector.shape_cast %get3A_377 : vector<1x16xf32> to vector<16xf32>
        %mul3A_379 = arith.constant 8.000000e+00 : f32
        %mul3A_380 = vector.broadcast %mul3A_379 : f32 to vector<16xf32>
        %mul3A_381 = arith.mulf %get3A_378, %mul3A_380 : vector<16xf32>
        %mul3A_382 = arith.constant 4 : i32
        %mul3A_383 = arith.muli %scan3A_252, %mul3A_382 : i32
        %add3A_384 = arith.constant 1 : i32
        %add3A_385 = arith.addi %mul3A_383, %add3A_384 : i32
        %swap3A_386 = arith.index_cast %add3A_385 : i32 to index
        %swap3A_387 = arith.constant 32 : index
        %swap3A_388 = tpu.vector_load %arg8[%swap3A_386, %swap3A_387] {strides = array<i32>} : memref<200x64xf32, #tpu.memory_space<vmem>>, vector<1x16xf32>,
        %swap3A_389 = vector.shape_cast %swap3A_388 : vector<1x16xf32> to vector<16xf32>
        %swap3A_390 = vector.shape_cast %mul3A_381 : vector<16xf32> to vector<1x16xf32>
        tpu.vector_store %arg8[%swap3A_386, %swap3A_387], %swap3A_390 {strides = array<i32>} : memref<200x64xf32, #tpu.memory_space<vmem>>, vector<1x16xf32>,
        %mul3A_391 = arith.constant 4 : i32
        %mul3A_392 = arith.muli %scan3A_252, %mul3A_391 : i32
        %add3A_393 = arith.constant 1 : i32
        %add3A_394 = arith.addi %mul3A_392, %add3A_393 : i32
        %get3A_395 = arith.index_cast %add3A_394 : i32 to index
        %get3A_396 = arith.constant 48 : index
        %get3A_397 = tpu.vector_load %arg8[%get3A_395, %get3A_396] {strides = array<i32>} : memref<200x64xf32, #tpu.memory_space<vmem>>, vector<1x16xf32>,
        %get3A_398 = vector.shape_cast %get3A_397 : vector<1x16xf32> to vector<16xf32>
        %mul3A_399 = arith.constant 8.000000e+00 : f32
        %mul3A_400 = vector.broadcast %mul3A_399 : f32 to vector<16xf32>
        %mul3A_401 = arith.mulf %get3A_398, %mul3A_400 : vector<16xf32>
        %mul3A_402 = arith.constant 4 : i32
        %mul3A_403 = arith.muli %scan3A_252, %mul3A_402 : i32
        %add3A_404 = arith.constant 1 : i32
        %add3A_405 = arith.addi %mul3A_403, %add3A_404 : i32
        %swap3A_406 = arith.index_cast %add3A_405 : i32 to index
        %swap3A_407 = arith.constant 48 : index
        %swap3A_408 = tpu.vector_load %arg8[%swap3A_406, %swap3A_407] {strides = array<i32>} : memref<200x64xf32, #tpu.memory_space<vmem>>, vector<1x16xf32>,
        %swap3A_409 = vector.shape_cast %swap3A_408 : vector<1x16xf32> to vector<16xf32>
        %swap3A_410 = vector.shape_cast %mul3A_401 : vector<16xf32> to vector<1x16xf32>
        tpu.vector_store %arg8[%swap3A_406, %swap3A_407], %swap3A_410 {strides = array<i32>} : memref<200x64xf32, #tpu.memory_space<vmem>>, vector<1x16xf32>,
        %mul3A_411 = arith.constant 4 : i32
        %mul3A_412 = arith.muli %scan3A_252, %mul3A_411 : i32
        %add3A_413 = arith.constant 2 : i32
        %add3A_414 = arith.addi %mul3A_412, %add3A_413 : i32
        %get3A_415 = arith.index_cast %add3A_414 : i32 to index
        %get3A_416 = arith.constant 0 : index
        %get3A_417 = tpu.vector_load %arg8[%get3A_415, %get3A_416] {strides = array<i32>} : memref<200x64xf32, #tpu.memory_space<vmem>>, vector<1x16xf32>,
        %get3A_418 = vector.shape_cast %get3A_417 : vector<1x16xf32> to vector<16xf32>
        %mul3A_419 = arith.constant 8.000000e+00 : f32
        %mul3A_420 = vector.broadcast %mul3A_419 : f32 to vector<16xf32>
        %mul3A_421 = arith.mulf %get3A_418, %mul3A_420 : vector<16xf32>
        %mul3A_422 = arith.constant 4 : i32
        %mul3A_423 = arith.muli %scan3A_252, %mul3A_422 : i32
        %add3A_424 = arith.constant 2 : i32
        %add3A_425 = arith.addi %mul3A_423, %add3A_424 : i32
        %swap3A_426 = arith.index_cast %add3A_425 : i32 to index
        %swap3A_427 = arith.constant 0 : index
        %swap3A_428 = tpu.vector_load %arg8[%swap3A_426, %swap3A_427] {strides = array<i32>} : memref<200x64xf32, #tpu.memory_space<vmem>>, vector<1x16xf32>,
        %swap3A_429 = vector.shape_cast %swap3A_428 : vector<1x16xf32> to vector<16xf32>
        %swap3A_430 = vector.shape_cast %mul3A_421 : vector<16xf32> to vector<1x16xf32>
        tpu.vector_store %arg8[%swap3A_426, %swap3A_427], %swap3A_430 {strides = array<i32>} : memref<200x64xf32, #tpu.memory_space<vmem>>, vector<1x16xf32>,
        %mul3A_431 = arith.constant 4 : i32
        %mul3A_432 = arith.muli %scan3A_252, %mul3A_431 : i32
        %add3A_433 = arith.constant 2 : i32
        %add3A_434 = arith.addi %mul3A_432, %add3A_433 : i32
        %get3A_435 = arith.index_cast %add3A_434 : i32 to index
        %get3A_436 = arith.constant 16 : index
        %get3A_437 = tpu.vector_load %arg8[%get3A_435, %get3A_436] {strides = array<i32>} : memref<200x64xf32, #tpu.memory_space<vmem>>, vector<1x16xf32>,
        %get3A_438 = vector.shape_cast %get3A_437 : vector<1x16xf32> to vector<16xf32>
        %mul3A_439 = arith.constant 8.000000e+00 : f32
        %mul3A_440 = vector.broadcast %mul3A_439 : f32 to vector<16xf32>
        %mul3A_441 = arith.mulf %get3A_438, %mul3A_440 : vector<16xf32>
        %mul3A_442 = arith.constant 4 : i32
        %mul3A_443 = arith.muli %scan3A_252, %mul3A_442 : i32
        %add3A_444 = arith.constant 2 : i32
        %add3A_445 = arith.addi %mul3A_443, %add3A_444 : i32
        %swap3A_446 = arith.index_cast %add3A_445 : i32 to index
        %swap3A_447 = arith.constant 16 : index
        %swap3A_448 = tpu.vector_load %arg8[%swap3A_446, %swap3A_447] {strides = array<i32>} : memref<200x64xf32, #tpu.memory_space<vmem>>, vector<1x16xf32>,
        %swap3A_449 = vector.shape_cast %swap3A_448 : vector<1x16xf32> to vector<16xf32>
        %swap3A_450 = vector.shape_cast %mul3A_441 : vector<16xf32> to vector<1x16xf32>
        tpu.vector_store %arg8[%swap3A_446, %swap3A_447], %swap3A_450 {strides = array<i32>} : memref<200x64xf32, #tpu.memory_space<vmem>>, vector<1x16xf32>,
        %mul3A_451 = arith.constant 4 : i32
        %mul3A_452 = arith.muli %scan3A_252, %mul3A_451 : i32
        %add3A_453 = arith.constant 2 : i32
        %add3A_454 = arith.addi %mul3A_452, %add3A_453 : i32
        %get3A_455 = arith.index_cast %add3A_454 : i32 to index
        %get3A_456 = arith.constant 32 : index
        %get3A_457 = tpu.vector_load %arg8[%get3A_455, %get3A_456] {strides = array<i32>} : memref<200x64xf32, #tpu.memory_space<vmem>>, vector<1x16xf32>,
        %get3A_458 = vector.shape_cast %get3A_457 : vector<1x16xf32> to vector<16xf32>
        %mul3A_459 = arith.constant 8.000000e+00 : f32
        %mul3A_460 = vector.broadcast %mul3A_459 : f32 to vector<16xf32>
        %mul3A_461 = arith.mulf %get3A_458, %mul3A_460 : vector<16xf32>
        %mul3A_462 = arith.constant 4 : i32
        %mul3A_463 = arith.muli %scan3A_252, %mul3A_462 : i32
        %add3A_464 = arith.constant 2 : i32
        %add3A_465 = arith.addi %mul3A_463, %add3A_464 : i32
        %swap3A_466 = arith.index_cast %add3A_465 : i32 to index
        %swap3A_467 = arith.constant 32 : index
        %swap3A_468 = tpu.vector_load %arg8[%swap3A_466, %swap3A_467] {strides = array<i32>} : memref<200x64xf32, #tpu.memory_space<vmem>>, vector<1x16xf32>,
        %swap3A_469 = vector.shape_cast %swap3A_468 : vector<1x16xf32> to vector<16xf32>
        %swap3A_470 = vector.shape_cast %mul3A_461 : vector<16xf32> to vector<1x16xf32>
        tpu.vector_store %arg8[%swap3A_466, %swap3A_467], %swap3A_470 {strides = array<i32>} : memref<200x64xf32, #tpu.memory_space<vmem>>, vector<1x16xf32>,
        %mul3A_471 = arith.constant 4 : i32
        %mul3A_472 = arith.muli %scan3A_252, %mul3A_471 : i32
        %add3A_473 = arith.constant 2 : i32
        %add3A_474 = arith.addi %mul3A_472, %add3A_473 : i32
        %get3A_475 = arith.index_cast %add3A_474 : i32 to index
        %get3A_476 = arith.constant 48 : index
        %get3A_477 = tpu.vector_load %arg8[%get3A_475, %get3A_476] {strides = array<i32>} : memref<200x64xf32, #tpu.memory_space<vmem>>, vector<1x16xf32>,
        %get3A_478 = vector.shape_cast %get3A_477 : vector<1x16xf32> to vector<16xf32>
        %mul3A_479 = arith.constant 8.000000e+00 : f32
        %mul3A_480 = vector.broadcast %mul3A_479 : f32 to vector<16xf32>
        %mul3A_481 = arith.mulf %get3A_478, %mul3A_480 : vector<16xf32>
        %mul3A_482 = arith.constant 4 : i32
        %mul3A_483 = arith.muli %scan3A_252, %mul3A_482 : i32
        %add3A_484 = arith.constant 2 : i32
        %add3A_485 = arith.addi %mul3A_483, %add3A_484 : i32
        %swap3A_486 = arith.index_cast %add3A_485 : i32 to index
        %swap3A_487 = arith.constant 48 : index
        %swap3A_488 = tpu.vector_load %arg8[%swap3A_486, %swap3A_487] {strides = array<i32>} : memref<200x64xf32, #tpu.memory_space<vmem>>, vector<1x16xf32>,
        %swap3A_489 = vector.shape_cast %swap3A_488 : vector<1x16xf32> to vector<16xf32>
        %swap3A_490 = vector.shape_cast %mul3A_481 : vector<16xf32> to vector<1x16xf32>
        tpu.vector_store %arg8[%swap3A_486, %swap3A_487], %swap3A_490 {strides = array<i32>} : memref<200x64xf32, #tpu.memory_space<vmem>>, vector<1x16xf32>,
        %mul3A_491 = arith.constant 4 : i32
        %mul3A_492 = arith.muli %scan3A_252, %mul3A_491 : i32
        %add3A_493 = arith.constant 3 : i32
        %add3A_494 = arith.addi %mul3A_492, %add3A_493 : i32
        %get3A_495 = arith.index_cast %add3A_494 : i32 to index
        %get3A_496 = arith.constant 0 : index
        %get3A_497 = tpu.vector_load %arg8[%get3A_495, %get3A_496] {strides = array<i32>} : memref<200x64xf32, #tpu.memory_space<vmem>>, vector<1x16xf32>,
        %get3A_498 = vector.shape_cast %get3A_497 : vector<1x16xf32> to vector<16xf32>
        %mul3A_499 = arith.constant 8.000000e+00 : f32
        %mul3A_500 = vector.broadcast %mul3A_499 : f32 to vector<16xf32>
        %mul3A_501 = arith.mulf %get3A_498, %mul3A_500 : vector<16xf32>
        %mul3A_502 = arith.constant 4 : i32
        %mul3A_503 = arith.muli %scan3A_252, %mul3A_502 : i32
        %add3A_504 = arith.constant 3 : i32
        %add3A_505 = arith.addi %mul3A_503, %add3A_504 : i32
        %swap3A_506 = arith.index_cast %add3A_505 : i32 to index
        %swap3A_507 = arith.constant 0 : index
        %swap3A_508 = tpu.vector_load %arg8[%swap3A_506, %swap3A_507] {strides = array<i32>} : memref<200x64xf32, #tpu.memory_space<vmem>>, vector<1x16xf32>,
        %swap3A_509 = vector.shape_cast %swap3A_508 : vector<1x16xf32> to vector<16xf32>
        %swap3A_510 = vector.shape_cast %mul3A_501 : vector<16xf32> to vector<1x16xf32>
        tpu.vector_store %arg8[%swap3A_506, %swap3A_507], %swap3A_510 {strides = array<i32>} : memref<200x64xf32, #tpu.memory_space<vmem>>, vector<1x16xf32>,
        %mul3A_511 = arith.constant 4 : i32
        %mul3A_512 = arith.muli %scan3A_252, %mul3A_511 : i32
        %add3A_513 = arith.constant 3 : i32
        %add3A_514 = arith.addi %mul3A_512, %add3A_513 : i32
        %get3A_515 = arith.index_cast %add3A_514 : i32 to index
        %get3A_516 = arith.constant 16 : index
        %get3A_517 = tpu.vector_load %arg8[%get3A_515, %get3A_516] {strides = array<i32>} : memref<200x64xf32, #tpu.memory_space<vmem>>, vector<1x16xf32>,
        %get3A_518 = vector.shape_cast %get3A_517 : vector<1x16xf32> to vector<16xf32>
        %mul3A_519 = arith.constant 8.000000e+00 : f32
        %mul3A_520 = vector.broadcast %mul3A_519 : f32 to vector<16xf32>
        %mul3A_521 = arith.mulf %get3A_518, %mul3A_520 : vector<16xf32>
        %mul3A_522 = arith.constant 4 : i32
        %mul3A_523 = arith.muli %scan3A_252, %mul3A_522 : i32
        %add3A_524 = arith.constant 3 : i32
        %add3A_525 = arith.addi %mul3A_523, %add3A_524 : i32
        %swap3A_526 = arith.index_cast %add3A_525 : i32 to index
        %swap3A_527 = arith.constant 16 : index
        %swap3A_528 = tpu.vector_load %arg8[%swap3A_526, %swap3A_527] {strides = array<i32>} : memref<200x64xf32, #tpu.memory_space<vmem>>, vector<1x16xf32>,
        %swap3A_529 = vector.shape_cast %swap3A_528 : vector<1x16xf32> to vector<16xf32>
        %swap3A_530 = vector.shape_cast %mul3A_521 : vector<16xf32> to vector<1x16xf32>
        tpu.vector_store %arg8[%swap3A_526, %swap3A_527], %swap3A_530 {strides = array<i32>} : memref<200x64xf32, #tpu.memory_space<vmem>>, vector<1x16xf32>,
        %mul3A_531 = arith.constant 4 : i32
        %mul3A_532 = arith.muli %scan3A_252, %mul3A_531 : i32
        %add3A_533 = arith.constant 3 : i32
        %add3A_534 = arith.addi %mul3A_532, %add3A_533 : i32
        %get3A_535 = arith.index_cast %add3A_534 : i32 to index
        %get3A_536 = arith.constant 32 : index
        %get3A_537 = tpu.vector_load %arg8[%get3A_535, %get3A_536] {strides = array<i32>} : memref<200x64xf32, #tpu.memory_space<vmem>>, vector<1x16xf32>,
        %get3A_538 = vector.shape_cast %get3A_537 : vector<1x16xf32> to vector<16xf32>
        %mul3A_539 = arith.constant 8.000000e+00 : f32
        %mul3A_540 = vector.broadcast %mul3A_539 : f32 to vector<16xf32>
        %mul3A_541 = arith.mulf %get3A_538, %mul3A_540 : vector<16xf32>
        %mul3A_542 = arith.constant 4 : i32
        %mul3A_543 = arith.muli %scan3A_252, %mul3A_542 : i32
        %add3A_544 = arith.constant 3 : i32
        %add3A_545 = arith.addi %mul3A_543, %add3A_544 : i32
        %swap3A_546 = arith.index_cast %add3A_545 : i32 to index
        %swap3A_547 = arith.constant 32 : index
        %swap3A_548 = tpu.vector_load %arg8[%swap3A_546, %swap3A_547] {strides = array<i32>} : memref<200x64xf32, #tpu.memory_space<vmem>>, vector<1x16xf32>,
        %swap3A_549 = vector.shape_cast %swap3A_548 : vector<1x16xf32> to vector<16xf32>
        %swap3A_550 = vector.shape_cast %mul3A_541 : vector<16xf32> to vector<1x16xf32>
        tpu.vector_store %arg8[%swap3A_546, %swap3A_547], %swap3A_550 {strides = array<i32>} : memref<200x64xf32, #tpu.memory_space<vmem>>, vector<1x16xf32>,
        %mul3A_551 = arith.constant 4 : i32
        %mul3A_552 = arith.muli %scan3A_252, %mul3A_551 : i32
        %add3A_553 = arith.constant 3 : i32
        %add3A_554 = arith.addi %mul3A_552, %add3A_553 : i32
        %get3A_555 = arith.index_cast %add3A_554 : i32 to index
        %get3A_556 = arith.constant 48 : index
        %get3A_557 = tpu.vector_load %arg8[%get3A_555, %get3A_556] {strides = array<i32>} : memref<200x64xf32, #tpu.memory_space<vmem>>, vector<1x16xf32>,
        %get3A_558 = vector.shape_cast %get3A_557 : vector<1x16xf32> to vector<16xf32>
        %mul3A_559 = arith.constant 8.000000e+00 : f32
        %mul3A_560 = vector.broadcast %mul3A_559 : f32 to vector<16xf32>
        %mul3A_561 = arith.mulf %get3A_558, %mul3A_560 : vector<16xf32>
        %mul3A_562 = arith.constant 4 : i32
        %mul3A_563 = arith.muli %scan3A_252, %mul3A_562 : i32
        %add3A_564 = arith.constant 3 : i32
        %add3A_565 = arith.addi %mul3A_563, %add3A_564 : i32
        %swap3A_566 = arith.index_cast %add3A_565 : i32 to index
        %swap3A_567 = arith.constant 48 : index
        %swap3A_568 = tpu.vector_load %arg8[%swap3A_566, %swap3A_567] {strides = array<i32>} : memref<200x64xf32, #tpu.memory_space<vmem>>, vector<1x16xf32>,
        %swap3A_569 = vector.shape_cast %swap3A_568 : vector<1x16xf32> to vector<16xf32>
        %swap3A_570 = vector.shape_cast %mul3A_561 : vector<16xf32> to vector<1x16xf32>
        tpu.vector_store %arg8[%swap3A_566, %swap3A_567], %swap3A_570 {strides = array<i32>} : memref<200x64xf32, #tpu.memory_space<vmem>>, vector<1x16xf32>,
        %scan3A_571 = arith.constant 1 : i32
        %scan3A_572 = arith.addi %scan3A_252, %scan3A_571 : i32
        %mul3A_573 = arith.constant 4 : i32
        %mul3A_574 = arith.muli %scan3A_572, %mul3A_573 : i32
        %add3A_575 = arith.constant 0 : i32
        %add3A_576 = arith.addi %mul3A_574, %add3A_575 : i32
        %get3A_577 = arith.index_cast %add3A_576 : i32 to index
        %get3A_578 = arith.constant 0 : index
        %get3A_579 = tpu.vector_load %arg8[%get3A_577, %get3A_578] {strides = array<i32>} : memref<200x64xf32, #tpu.memory_space<vmem>>, vector<1x16xf32>,
        %get3A_580 = vector.shape_cast %get3A_579 : vector<1x16xf32> to vector<16xf32>
        %mul3A_581 = arith.constant 8.000000e+00 : f32
        %mul3A_582 = vector.broadcast %mul3A_581 : f32 to vector<16xf32>
        %mul3A_583 = arith.mulf %get3A_580, %mul3A_582 : vector<16xf32>
        %mul3A_584 = arith.constant 4 : i32
        %mul3A_585 = arith.muli %scan3A_572, %mul3A_584 : i32
        %add3A_586 = arith.constant 0 : i32
        %add3A_587 = arith.addi %mul3A_585, %add3A_586 : i32
        %swap3A_588 = arith.index_cast %add3A_587 : i32 to index
        %swap3A_589 = arith.constant 0 : index
        %swap3A_590 = tpu.vector_load %arg8[%swap3A_588, %swap3A_589] {strides = array<i32>} : memref<200x64xf32, #tpu.memory_space<vmem>>, vector<1x16xf32>,
        %swap3A_591 = vector.shape_cast %swap3A_590 : vector<1x16xf32> to vector<16xf32>
        %swap3A_592 = vector.shape_cast %mul3A_583 : vector<16xf32> to vector<1x16xf32>
        tpu.vector_store %arg8[%swap3A_588, %swap3A_589], %swap3A_592 {strides = array<i32>} : memref<200x64xf32, #tpu.memory_space<vmem>>, vector<1x16xf32>,
        %mul3A_593 = arith.constant 4 : i32
        %mul3A_594 = arith.muli %scan3A_572, %mul3A_593 : i32
        %add3A_595 = arith.constant 0 : i32
        %add3A_596 = arith.addi %mul3A_594, %add3A_595 : i32
        %get3A_597 = arith.index_cast %add3A_596 : i32 to index
        %get3A_598 = arith.constant 16 : index
        %get3A_599 = tpu.vector_load %arg8[%get3A_597, %get3A_598] {strides = array<i32>} : memref<200x64xf32, #tpu.memory_space<vmem>>, vector<1x16xf32>,
        %get3A_600 = vector.shape_cast %get3A_599 : vector<1x16xf32> to vector<16xf32>
        %mul3A_601 = arith.constant 8.000000e+00 : f32
        %mul3A_602 = vector.broadcast %mul3A_601 : f32 to vector<16xf32>
        %mul3A_603 = arith.mulf %get3A_600, %mul3A_602 : vector<16xf32>
        %mul3A_604 = arith.constant 4 : i32
        %mul3A_605 = arith.muli %scan3A_572, %mul3A_604 : i32
        %add3A_606 = arith.constant 0 : i32
        %add3A_607 = arith.addi %mul3A_605, %add3A_606 : i32
        %swap3A_608 = arith.index_cast %add3A_607 : i32 to index
        %swap3A_609 = arith.constant 16 : index
        %swap3A_610 = tpu.vector_load %arg8[%swap3A_608, %swap3A_609] {strides = array<i32>} : memref<200x64xf32, #tpu.memory_space<vmem>>, vector<1x16xf32>,
        %swap3A_611 = vector.shape_cast %swap3A_610 : vector<1x16xf32> to vector<16xf32>
        %swap3A_612 = vector.shape_cast %mul3A_603 : vector<16xf32> to vector<1x16xf32>
        tpu.vector_store %arg8[%swap3A_608, %swap3A_609], %swap3A_612 {strides = array<i32>} : memref<200x64xf32, #tpu.memory_space<vmem>>, vector<1x16xf32>,
        %mul3A_613 = arith.constant 4 : i32
        %mul3A_614 = arith.muli %scan3A_572, %mul3A_613 : i32
        %add3A_615 = arith.constant 0 : i32
        %add3A_616 = arith.addi %mul3A_614, %add3A_615 : i32
        %get3A_617 = arith.index_cast %add3A_616 : i32 to index
        %get3A_618 = arith.constant 32 : index
        %get3A_619 = tpu.vector_load %arg8[%get3A_617, %get3A_618] {strides = array<i32>} : memref<200x64xf32, #tpu.memory_space<vmem>>, vector<1x16xf32>,
        %get3A_620 = vector.shape_cast %get3A_619 : vector<1x16xf32> to vector<16xf32>
        %mul3A_621 = arith.constant 8.000000e+00 : f32
        %mul3A_622 = vector.broadcast %mul3A_621 : f32 to vector<16xf32>
        %mul3A_623 = arith.mulf %get3A_620, %mul3A_622 : vector<16xf32>
        %mul3A_624 = arith.constant 4 : i32
        %mul3A_625 = arith.muli %scan3A_572, %mul3A_624 : i32
        %add3A_626 = arith.constant 0 : i32
        %add3A_627 = arith.addi %mul3A_625, %add3A_626 : i32
        %swap3A_628 = arith.index_cast %add3A_627 : i32 to index
        %swap3A_629 = arith.constant 32 : index
        %swap3A_630 = tpu.vector_load %arg8[%swap3A_628, %swap3A_629] {strides = array<i32>} : memref<200x64xf32, #tpu.memory_space<vmem>>, vector<1x16xf32>,
        %swap3A_631 = vector.shape_cast %swap3A_630 : vector<1x16xf32> to vector<16xf32>
        %swap3A_632 = vector.shape_cast %mul3A_623 : vector<16xf32> to vector<1x16xf32>
        tpu.vector_store %arg8[%swap3A_628, %swap3A_629], %swap3A_632 {strides = array<i32>} : memref<200x64xf32, #tpu.memory_space<vmem>>, vector<1x16xf32>,
        %mul3A_633 = arith.constant 4 : i32
        %mul3A_634 = arith.muli %scan3A_572, %mul3A_633 : i32
        %add3A_635 = arith.constant 0 : i32
        %add3A_636 = arith.addi %mul3A_634, %add3A_635 : i32
        %get3A_637 = arith.index_cast %add3A_636 : i32 to index
        %get3A_638 = arith.constant 48 : index
        %get3A_639 = tpu.vector_load %arg8[%get3A_637, %get3A_638] {strides = array<i32>} : memref<200x64xf32, #tpu.memory_space<vmem>>, vector<1x16xf32>,
        %get3A_640 = vector.shape_cast %get3A_639 : vector<1x16xf32> to vector<16xf32>
        %mul3A_641 = arith.constant 8.000000e+00 : f32
        %mul3A_642 = vector.broadcast %mul3A_641 : f32 to vector<16xf32>
        %mul3A_643 = arith.mulf %get3A_640, %mul3A_642 : vector<16xf32>
        %mul3A_644 = arith.constant 4 : i32
        %mul3A_645 = arith.muli %scan3A_572, %mul3A_644 : i32
        %add3A_646 = arith.constant 0 : i32
        %add3A_647 = arith.addi %mul3A_645, %add3A_646 : i32
        %swap3A_648 = arith.index_cast %add3A_647 : i32 to index
        %swap3A_649 = arith.constant 48 : index
        %swap3A_650 = tpu.vector_load %arg8[%swap3A_648, %swap3A_649] {strides = array<i32>} : memref<200x64xf32, #tpu.memory_space<vmem>>, vector<1x16xf32>,
        %swap3A_651 = vector.shape_cast %swap3A_650 : vector<1x16xf32> to vector<16xf32>
        %swap3A_652 = vector.shape_cast %mul3A_643 : vector<16xf32> to vector<1x16xf32>
        tpu.vector_store %arg8[%swap3A_648, %swap3A_649], %swap3A_652 {strides = array<i32>} : memref<200x64xf32, #tpu.memory_space<vmem>>, vector<1x16xf32>,
        %mul3A_653 = arith.constant 4 : i32
        %mul3A_654 = arith.muli %scan3A_572, %mul3A_653 : i32
        %add3A_655 = arith.constant 1 : i32
        %add3A_656 = arith.addi %mul3A_654, %add3A_655 : i32
        %get3A_657 = arith.index_cast %add3A_656 : i32 to index
        %get3A_658 = arith.constant 0 : index
        %get3A_659 = tpu.vector_load %arg8[%get3A_657, %get3A_658] {strides = array<i32>} : memref<200x64xf32, #tpu.memory_space<vmem>>, vector<1x16xf32>,
        %get3A_660 = vector.shape_cast %get3A_659 : vector<1x16xf32> to vector<16xf32>
        %mul3A_661 = arith.constant 8.000000e+00 : f32
        %mul3A_662 = vector.broadcast %mul3A_661 : f32 to vector<16xf32>
        %mul3A_663 = arith.mulf %get3A_660, %mul3A_662 : vector<16xf32>
        %mul3A_664 = arith.constant 4 : i32
        %mul3A_665 = arith.muli %scan3A_572, %mul3A_664 : i32
        %add3A_666 = arith.constant 1 : i32
        %add3A_667 = arith.addi %mul3A_665, %add3A_666 : i32
        %swap3A_668 = arith.index_cast %add3A_667 : i32 to index
        %swap3A_669 = arith.constant 0 : index
        %swap3A_670 = tpu.vector_load %arg8[%swap3A_668, %swap3A_669] {strides = array<i32>} : memref<200x64xf32, #tpu.memory_space<vmem>>, vector<1x16xf32>,
        %swap3A_671 = vector.shape_cast %swap3A_670 : vector<1x16xf32> to vector<16xf32>
        %swap3A_672 = vector.shape_cast %mul3A_663 : vector<16xf32> to vector<1x16xf32>
        tpu.vector_store %arg8[%swap3A_668, %swap3A_669], %swap3A_672 {strides = array<i32>} : memref<200x64xf32, #tpu.memory_space<vmem>>, vector<1x16xf32>,
        %mul3A_673 = arith.constant 4 : i32
        %mul3A_674 = arith.muli %scan3A_572, %mul3A_673 : i32
        %add3A_675 = arith.constant 1 : i32
        %add3A_676 = arith.addi %mul3A_674, %add3A_675 : i32
        %get3A_677 = arith.index_cast %add3A_676 : i32 to index
        %get3A_678 = arith.constant 16 : index
        %get3A_679 = tpu.vector_load %arg8[%get3A_677, %get3A_678] {strides = array<i32>} : memref<200x64xf32, #tpu.memory_space<vmem>>, vector<1x16xf32>,
        %get3A_680 = vector.shape_cast %get3A_679 : vector<1x16xf32> to vector<16xf32>
        %mul3A_681 = arith.constant 8.000000e+00 : f32
        %mul3A_682 = vector.broadcast %mul3A_681 : f32 to vector<16xf32>
        %mul3A_683 = arith.mulf %get3A_680, %mul3A_682 : vector<16xf32>
        %mul3A_684 = arith.constant 4 : i32
        %mul3A_685 = arith.muli %scan3A_572, %mul3A_684 : i32
        %add3A_686 = arith.constant 1 : i32
        %add3A_687 = arith.addi %mul3A_685, %add3A_686 : i32
        %swap3A_688 = arith.index_cast %add3A_687 : i32 to index
        %swap3A_689 = arith.constant 16 : index
        %swap3A_690 = tpu.vector_load %arg8[%swap3A_688, %swap3A_689] {strides = array<i32>} : memref<200x64xf32, #tpu.memory_space<vmem>>, vector<1x16xf32>,
        %swap3A_691 = vector.shape_cast %swap3A_690 : vector<1x16xf32> to vector<16xf32>
        %swap3A_692 = vector.shape_cast %mul3A_683 : vector<16xf32> to vector<1x16xf32>
        tpu.vector_store %arg8[%swap3A_688, %swap3A_689], %swap3A_692 {strides = array<i32>} : memref<200x64xf32, #tpu.memory_space<vmem>>, vector<1x16xf32>,
        %mul3A_693 = arith.constant 4 : i32
        %mul3A_694 = arith.muli %scan3A_572, %mul3A_693 : i32
        %add3A_695 = arith.constant 1 : i32
        %add3A_696 = arith.addi %mul3A_694, %add3A_695 : i32
        %get3A_697 = arith.index_cast %add3A_696 : i32 to index
        %get3A_698 = arith.constant 32 : index
        %get3A_699 = tpu.vector_load %arg8[%get3A_697, %get3A_698] {strides = array<i32>} : memref<200x64xf32, #tpu.memory_space<vmem>>, vector<1x16xf32>,
        %get3A_700 = vector.shape_cast %get3A_699 : vector<1x16xf32> to vector<16xf32>
        %mul3A_701 = arith.constant 8.000000e+00 : f32
        %mul3A_702 = vector.broadcast %mul3A_701 : f32 to vector<16xf32>
        %mul3A_703 = arith.mulf %get3A_700, %mul3A_702 : vector<16xf32>
        %mul3A_704 = arith.constant 4 : i32
        %mul3A_705 = arith.muli %scan3A_572, %mul3A_704 : i32
        %add3A_706 = arith.constant 1 : i32
        %add3A_707 = arith.addi %mul3A_705, %add3A_706 : i32
        %swap3A_708 = arith.index_cast %add3A_707 : i32 to index
        %swap3A_709 = arith.constant 32 : index
        %swap3A_710 = tpu.vector_load %arg8[%swap3A_708, %swap3A_709] {strides = array<i32>} : memref<200x64xf32, #tpu.memory_space<vmem>>, vector<1x16xf32>,
        %swap3A_711 = vector.shape_cast %swap3A_710 : vector<1x16xf32> to vector<16xf32>
        %swap3A_712 = vector.shape_cast %mul3A_703 : vector<16xf32> to vector<1x16xf32>
        tpu.vector_store %arg8[%swap3A_708, %swap3A_709], %swap3A_712 {strides = array<i32>} : memref<200x64xf32, #tpu.memory_space<vmem>>, vector<1x16xf32>,
        %mul3A_713 = arith.constant 4 : i32
        %mul3A_714 = arith.muli %scan3A_572, %mul3A_713 : i32
        %add3A_715 = arith.constant 1 : i32
        %add3A_716 = arith.addi %mul3A_714, %add3A_715 : i32
        %get3A_717 = arith.index_cast %add3A_716 : i32 to index
        %get3A_718 = arith.constant 48 : index
        %get3A_719 = tpu.vector_load %arg8[%get3A_717, %get3A_718] {strides = array<i32>} : memref<200x64xf32, #tpu.memory_space<vmem>>, vector<1x16xf32>,
        %get3A_720 = vector.shape_cast %get3A_719 : vector<1x16xf32> to vector<16xf32>
        %mul3A_721 = arith.constant 8.000000e+00 : f32
        %mul3A_722 = vector.broadcast %mul3A_721 : f32 to vector<16xf32>
        %mul3A_723 = arith.mulf %get3A_720, %mul3A_722 : vector<16xf32>
        %mul3A_724 = arith.constant 4 : i32
        %mul3A_725 = arith.muli %scan3A_572, %mul3A_724 : i32
        %add3A_726 = arith.constant 1 : i32
        %add3A_727 = arith.addi %mul3A_725, %add3A_726 : i32
        %swap3A_728 = arith.index_cast %add3A_727 : i32 to index
        %swap3A_729 = arith.constant 48 : index
        %swap3A_730 = tpu.vector_load %arg8[%swap3A_728, %swap3A_729] {strides = array<i32>} : memref<200x64xf32, #tpu.memory_space<vmem>>, vector<1x16xf32>,
        %swap3A_731 = vector.shape_cast %swap3A_730 : vector<1x16xf32> to vector<16xf32>
        %swap3A_732 = vector.shape_cast %mul3A_723 : vector<16xf32> to vector<1x16xf32>
        tpu.vector_store %arg8[%swap3A_728, %swap3A_729], %swap3A_732 {strides = array<i32>} : memref<200x64xf32, #tpu.memory_space<vmem>>, vector<1x16xf32>,
        %mul3A_733 = arith.constant 4 : i32
        %mul3A_734 = arith.muli %scan3A_572, %mul3A_733 : i32
        %add3A_735 = arith.constant 2 : i32
        %add3A_736 = arith.addi %mul3A_734, %add3A_735 : i32
        %get3A_737 = arith.index_cast %add3A_736 : i32 to index
        %get3A_738 = arith.constant 0 : index
        %get3A_739 = tpu.vector_load %arg8[%get3A_737, %get3A_738] {strides = array<i32>} : memref<200x64xf32, #tpu.memory_space<vmem>>, vector<1x16xf32>,
        %get3A_740 = vector.shape_cast %get3A_739 : vector<1x16xf32> to vector<16xf32>
        %mul3A_741 = arith.constant 8.000000e+00 : f32
        %mul3A_742 = vector.broadcast %mul3A_741 : f32 to vector<16xf32>
        %mul3A_743 = arith.mulf %get3A_740, %mul3A_742 : vector<16xf32>
        %mul3A_744 = arith.constant 4 : i32
        %mul3A_745 = arith.muli %scan3A_572, %mul3A_744 : i32
        %add3A_746 = arith.constant 2 : i32
        %add3A_747 = arith.addi %mul3A_745, %add3A_746 : i32
        %swap3A_748 = arith.index_cast %add3A_747 : i32 to index
        %swap3A_749 = arith.constant 0 : index
        %swap3A_750 = tpu.vector_load %arg8[%swap3A_748, %swap3A_749] {strides = array<i32>} : memref<200x64xf32, #tpu.memory_space<vmem>>, vector<1x16xf32>,
        %swap3A_751 = vector.shape_cast %swap3A_750 : vector<1x16xf32> to vector<16xf32>
        %swap3A_752 = vector.shape_cast %mul3A_743 : vector<16xf32> to vector<1x16xf32>
        tpu.vector_store %arg8[%swap3A_748, %swap3A_749], %swap3A_752 {strides = array<i32>} : memref<200x64xf32, #tpu.memory_space<vmem>>, vector<1x16xf32>,
        %mul3A_753 = arith.constant 4 : i32
        %mul3A_754 = arith.muli %scan3A_572, %mul3A_753 : i32
        %add3A_755 = arith.constant 2 : i32
        %add3A_756 = arith.addi %mul3A_754, %add3A_755 : i32
        %get3A_757 = arith.index_cast %add3A_756 : i32 to index
        %get3A_758 = arith.constant 16 : index
        %get3A_759 = tpu.vector_load %arg8[%get3A_757, %get3A_758] {strides = array<i32>} : memref<200x64xf32, #tpu.memory_space<vmem>>, vector<1x16xf32>,
        %get3A_760 = vector.shape_cast %get3A_759 : vector<1x16xf32> to vector<16xf32>
        %mul3A_761 = arith.constant 8.000000e+00 : f32
        %mul3A_762 = vector.broadcast %mul3A_761 : f32 to vector<16xf32>
        %mul3A_763 = arith.mulf %get3A_760, %mul3A_762 : vector<16xf32>
        %mul3A_764 = arith.constant 4 : i32
        %mul3A_765 = arith.muli %scan3A_572, %mul3A_764 : i32
        %add3A_766 = arith.constant 2 : i32
        %add3A_767 = arith.addi %mul3A_765, %add3A_766 : i32
        %swap3A_768 = arith.index_cast %add3A_767 : i32 to index
        %swap3A_769 = arith.constant 16 : index
        %swap3A_770 = tpu.vector_load %arg8[%swap3A_768, %swap3A_769] {strides = array<i32>} : memref<200x64xf32, #tpu.memory_space<vmem>>, vector<1x16xf32>,
        %swap3A_771 = vector.shape_cast %swap3A_770 : vector<1x16xf32> to vector<16xf32>
        %swap3A_772 = vector.shape_cast %mul3A_763 : vector<16xf32> to vector<1x16xf32>
        tpu.vector_store %arg8[%swap3A_768, %swap3A_769], %swap3A_772 {strides = array<i32>} : memref<200x64xf32, #tpu.memory_space<vmem>>, vector<1x16xf32>,
        %mul3A_773 = arith.constant 4 : i32
        %mul3A_774 = arith.muli %scan3A_572, %mul3A_773 : i32
        %add3A_775 = arith.constant 2 : i32
        %add3A_776 = arith.addi %mul3A_774, %add3A_775 : i32
        %get3A_777 = arith.index_cast %add3A_776 : i32 to index
        %get3A_778 = arith.constant 32 : index
        %get3A_779 = tpu.vector_load %arg8[%get3A_777, %get3A_778] {strides = array<i32>} : memref<200x64xf32, #tpu.memory_space<vmem>>, vector<1x16xf32>,
        %get3A_780 = vector.shape_cast %get3A_779 : vector<1x16xf32> to vector<16xf32>
        %mul3A_781 = arith.constant 8.000000e+00 : f32
        %mul3A_782 = vector.broadcast %mul3A_781 : f32 to vector<16xf32>
        %mul3A_783 = arith.mulf %get3A_780, %mul3A_782 : vector<16xf32>
        %mul3A_784 = arith.constant 4 : i32
        %mul3A_785 = arith.muli %scan3A_572, %mul3A_784 : i32
        %add3A_786 = arith.constant 2 : i32
        %add3A_787 = arith.addi %mul3A_785, %add3A_786 : i32
        %swap3A_788 = arith.index_cast %add3A_787 : i32 to index
        %swap3A_789 = arith.constant 32 : index
        %swap3A_790 = tpu.vector_load %arg8[%swap3A_788, %swap3A_789] {strides = array<i32>} : memref<200x64xf32, #tpu.memory_space<vmem>>, vector<1x16xf32>,
        %swap3A_791 = vector.shape_cast %swap3A_790 : vector<1x16xf32> to vector<16xf32>
        %swap3A_792 = vector.shape_cast %mul3A_783 : vector<16xf32> to vector<1x16xf32>
        tpu.vector_store %arg8[%swap3A_788, %swap3A_789], %swap3A_792 {strides = array<i32>} : memref<200x64xf32, #tpu.memory_space<vmem>>, vector<1x16xf32>,
        %mul3A_793 = arith.constant 4 : i32
        %mul3A_794 = arith.muli %scan3A_572, %mul3A_793 : i32
        %add3A_795 = arith.constant 2 : i32
        %add3A_796 = arith.addi %mul3A_794, %add3A_795 : i32
        %get3A_797 = arith.index_cast %add3A_796 : i32 to index
        %get3A_798 = arith.constant 48 : index
        %get3A_799 = tpu.vector_load %arg8[%get3A_797, %get3A_798] {strides = array<i32>} : memref<200x64xf32, #tpu.memory_space<vmem>>, vector<1x16xf32>,
        %get3A_800 = vector.shape_cast %get3A_799 : vector<1x16xf32> to vector<16xf32>
        %mul3A_801 = arith.constant 8.000000e+00 : f32
        %mul3A_802 = vector.broadcast %mul3A_801 : f32 to vector<16xf32>
        %mul3A_803 = arith.mulf %get3A_800, %mul3A_802 : vector<16xf32>
        %mul3A_804 = arith.constant 4 : i32
        %mul3A_805 = arith.muli %scan3A_572, %mul3A_804 : i32
        %add3A_806 = arith.constant 2 : i32
        %add3A_807 = arith.addi %mul3A_805, %add3A_806 : i32
        %swap3A_808 = arith.index_cast %add3A_807 : i32 to index
        %swap3A_809 = arith.constant 48 : index
        %swap3A_810 = tpu.vector_load %arg8[%swap3A_808, %swap3A_809] {strides = array<i32>} : memref<200x64xf32, #tpu.memory_space<vmem>>, vector<1x16xf32>,
        %swap3A_811 = vector.shape_cast %swap3A_810 : vector<1x16xf32> to vector<16xf32>
        %swap3A_812 = vector.shape_cast %mul3A_803 : vector<16xf32> to vector<1x16xf32>
        tpu.vector_store %arg8[%swap3A_808, %swap3A_809], %swap3A_812 {strides = array<i32>} : memref<200x64xf32, #tpu.memory_space<vmem>>, vector<1x16xf32>,
        %mul3A_813 = arith.constant 4 : i32
        %mul3A_814 = arith.muli %scan3A_572, %mul3A_813 : i32
        %add3A_815 = arith.constant 3 : i32
        %add3A_816 = arith.addi %mul3A_814, %add3A_815 : i32
        %get3A_817 = arith.index_cast %add3A_816 : i32 to index
        %get3A_818 = arith.constant 0 : index
        %get3A_819 = tpu.vector_load %arg8[%get3A_817, %get3A_818] {strides = array<i32>} : memref<200x64xf32, #tpu.memory_space<vmem>>, vector<1x16xf32>,
        %get3A_820 = vector.shape_cast %get3A_819 : vector<1x16xf32> to vector<16xf32>
        %mul3A_821 = arith.constant 8.000000e+00 : f32
        %mul3A_822 = vector.broadcast %mul3A_821 : f32 to vector<16xf32>
        %mul3A_823 = arith.mulf %get3A_820, %mul3A_822 : vector<16xf32>
        %mul3A_824 = arith.constant 4 : i32
        %mul3A_825 = arith.muli %scan3A_572, %mul3A_824 : i32
        %add3A_826 = arith.constant 3 : i32
        %add3A_827 = arith.addi %mul3A_825, %add3A_826 : i32
        %swap3A_828 = arith.index_cast %add3A_827 : i32 to index
        %swap3A_829 = arith.constant 0 : index
        %swap3A_830 = tpu.vector_load %arg8[%swap3A_828, %swap3A_829] {strides = array<i32>} : memref<200x64xf32, #tpu.memory_space<vmem>>, vector<1x16xf32>,
        %swap3A_831 = vector.shape_cast %swap3A_830 : vector<1x16xf32> to vector<16xf32>
        %swap3A_832 = vector.shape_cast %mul3A_823 : vector<16xf32> to vector<1x16xf32>
        tpu.vector_store %arg8[%swap3A_828, %swap3A_829], %swap3A_832 {strides = array<i32>} : memref<200x64xf32, #tpu.memory_space<vmem>>, vector<1x16xf32>,
        %mul3A_833 = arith.constant 4 : i32
        %mul3A_834 = arith.muli %scan3A_572, %mul3A_833 : i32
        %add3A_835 = arith.constant 3 : i32
        %add3A_836 = arith.addi %mul3A_834, %add3A_835 : i32
        %get3A_837 = arith.index_cast %add3A_836 : i32 to index
        %get3A_838 = arith.constant 16 : index
        %get3A_839 = tpu.vector_load %arg8[%get3A_837, %get3A_838] {strides = array<i32>} : memref<200x64xf32, #tpu.memory_space<vmem>>, vector<1x16xf32>,
        %get3A_840 = vector.shape_cast %get3A_839 : vector<1x16xf32> to vector<16xf32>
        %mul3A_841 = arith.constant 8.000000e+00 : f32
        %mul3A_842 = vector.broadcast %mul3A_841 : f32 to vector<16xf32>
        %mul3A_843 = arith.mulf %get3A_840, %mul3A_842 : vector<16xf32>
        %mul3A_844 = arith.constant 4 : i32
        %mul3A_845 = arith.muli %scan3A_572, %mul3A_844 : i32
        %add3A_846 = arith.constant 3 : i32
        %add3A_847 = arith.addi %mul3A_845, %add3A_846 : i32
        %swap3A_848 = arith.index_cast %add3A_847 : i32 to index
        %swap3A_849 = arith.constant 16 : index
        %swap3A_850 = tpu.vector_load %arg8[%swap3A_848, %swap3A_849] {strides = array<i32>} : memref<200x64xf32, #tpu.memory_space<vmem>>, vector<1x16xf32>,
        %swap3A_851 = vector.shape_cast %swap3A_850 : vector<1x16xf32> to vector<16xf32>
        %swap3A_852 = vector.shape_cast %mul3A_843 : vector<16xf32> to vector<1x16xf32>
        tpu.vector_store %arg8[%swap3A_848, %swap3A_849], %swap3A_852 {strides = array<i32>} : memref<200x64xf32, #tpu.memory_space<vmem>>, vector<1x16xf32>,
        %mul3A_853 = arith.constant 4 : i32
        %mul3A_854 = arith.muli %scan3A_572, %mul3A_853 : i32
        %add3A_855 = arith.constant 3 : i32
        %add3A_856 = arith.addi %mul3A_854, %add3A_855 : i32
        %get3A_857 = arith.index_cast %add3A_856 : i32 to index
        %get3A_858 = arith.constant 32 : index
        %get3A_859 = tpu.vector_load %arg8[%get3A_857, %get3A_858] {strides = array<i32>} : memref<200x64xf32, #tpu.memory_space<vmem>>, vector<1x16xf32>,
        %get3A_860 = vector.shape_cast %get3A_859 : vector<1x16xf32> to vector<16xf32>
        %mul3A_861 = arith.constant 8.000000e+00 : f32
        %mul3A_862 = vector.broadcast %mul3A_861 : f32 to vector<16xf32>
        %mul3A_863 = arith.mulf %get3A_860, %mul3A_862 : vector<16xf32>
        %mul3A_864 = arith.constant 4 : i32
        %mul3A_865 = arith.muli %scan3A_572, %mul3A_864 : i32
        %add3A_866 = arith.constant 3 : i32
        %add3A_867 = arith.addi %mul3A_865, %add3A_866 : i32
        %swap3A_868 = arith.index_cast %add3A_867 : i32 to index
        %swap3A_869 = arith.constant 32 : index
        %swap3A_870 = tpu.vector_load %arg8[%swap3A_868, %swap3A_869] {strides = array<i32>} : memref<200x64xf32, #tpu.memory_space<vmem>>, vector<1x16xf32>,
        %swap3A_871 = vector.shape_cast %swap3A_870 : vector<1x16xf32> to vector<16xf32>
        %swap3A_872 = vector.shape_cast %mul3A_863 : vector<16xf32> to vector<1x16xf32>
        tpu.vector_store %arg8[%swap3A_868, %swap3A_869], %swap3A_872 {strides = array<i32>} : memref<200x64xf32, #tpu.memory_space<vmem>>, vector<1x16xf32>,
        %mul3A_873 = arith.constant 4 : i32
        %mul3A_874 = arith.muli %scan3A_572, %mul3A_873 : i32
        %add3A_875 = arith.constant 3 : i32
        %add3A_876 = arith.addi %mul3A_874, %add3A_875 : i32
        %get3A_877 = arith.index_cast %add3A_876 : i32 to index
        %get3A_878 = arith.constant 48 : index
        %get3A_879 = tpu.vector_load %arg8[%get3A_877, %get3A_878] {strides = array<i32>} : memref<200x64xf32, #tpu.memory_space<vmem>>, vector<1x16xf32>,
        %get3A_880 = vector.shape_cast %get3A_879 : vector<1x16xf32> to vector<16xf32>
        %mul3A_881 = arith.constant 8.000000e+00 : f32
        %mul3A_882 = vector.broadcast %mul3A_881 : f32 to vector<16xf32>
        %mul3A_883 = arith.mulf %get3A_880, %mul3A_882 : vector<16xf32>
        %mul3A_884 = arith.constant 4 : i32
        %mul3A_885 = arith.muli %scan3A_572, %mul3A_884 : i32
        %add3A_886 = arith.constant 3 : i32
        %add3A_887 = arith.addi %mul3A_885, %add3A_886 : i32
        %swap3A_888 = arith.index_cast %add3A_887 : i32 to index
        %swap3A_889 = arith.constant 48 : index
        %swap3A_890 = tpu.vector_load %arg8[%swap3A_888, %swap3A_889] {strides = array<i32>} : memref<200x64xf32, #tpu.memory_space<vmem>>, vector<1x16xf32>,
        %swap3A_891 = vector.shape_cast %swap3A_890 : vector<1x16xf32> to vector<16xf32>
        %swap3A_892 = vector.shape_cast %mul3A_883 : vector<16xf32> to vector<1x16xf32>
        tpu.vector_store %arg8[%swap3A_888, %swap3A_889], %swap3A_892 {strides = array<i32>} : memref<200x64xf32, #tpu.memory_space<vmem>>, vector<1x16xf32>,
      }
      %scan3A_198 = arith.constant 50 : i32
      %add3A_199 = arith.addi %mul3A_2, %add3A_167 : i32
      %dma_start3A_200 = arith.constant 0 : i32
      %dma_start3A_201 = arith.constant 0 : i32
      %dma_start3A_202 = tpu.memref_slice %arg4[%add3A_199, %dma_start3A_200, %dma_start3A_201] : memref<4096x200x64xf32, #tpu.memory_space<hbm>> -> memref<1x200x64xf32, #tpu.memory_space<hbm>>
      %dma_start3A_203 = tpu.memref_squeeze %dma_start3A_202 : memref<1x200x64xf32, #tpu.memory_space<hbm>> -> memref<200x64xf32, #tpu.memory_space<hbm>>
      %dma_start3A_204 = arith.constant 0 : i32
      %dma_start3A_205 = arith.constant 0 : i32
      %dma_start3A_206 = tpu.memref_slice %arg4[%add3A_199, %dma_start3A_204, %dma_start3A_205] : memref<4096x200x64xf32, #tpu.memory_space<hbm>> -> memref<1x200x64xf32, #tpu.memory_space<hbm>>
      %dma_start3A_207 = tpu.memref_squeeze %dma_start3A_206 : memref<1x200x64xf32, #tpu.memory_space<hbm>> -> memref<200x64xf32, #tpu.memory_space<hbm>>
      tpu.enqueue_dma source(%arg8 : memref<200x64xf32, #tpu.memory_space<vmem>>) target(%dma_start3A_207 : memref<200x64xf32, #tpu.memory_space<hbm>>) target_semaphore(%arg16 : memref<!tpu.dma_semaphore, #tpu.memory_space<semaphore_mem>>)
      %mul3A_208 = arith.constant 4 : i32
      %mul3A_209 = arith.muli %scan3A_78, %mul3A_208 : i32
      %add3A_210 = arith.constant 3 : i32
      %add3A_211 = arith.addi %mul3A_209, %add3A_210 : i32
      %add3A_212 = arith.constant 2 : i32
      %add3A_213 = arith.addi %add3A_211, %add3A_212 : i32
      %le3A_214 = arith.constant 127 : i32
      %le3A_215 = arith.cmpi sle, %add3A_213, %le3A_214 : i32
      %convert_element_type3A_216 = arith.extui %le3A_215 : i1 to i32
      %cond3A_217 = arith.constant 0 : i32
      %cond3A_218 = arith.cmpi ne, %convert_element_type3A_216, %cond3A_217 : i32
      scf.if %cond3A_218 {
        %ge3A = arith.constant 2 : i32
        %ge3A_252 = arith.cmpi sge, %add3A_211, %ge3A : i32
        %convert_element_type3A_253 = arith.extui %ge3A_252 : i1 to i32
        %cond3A_254 = arith.constant 0 : i32
        %cond3A_255 = arith.cmpi ne, %convert_element_type3A_253, %cond3A_254 : i32
        scf.if %cond3A_255 {
          %dma_wait3A_276 = arith.constant 0 : i32
          %dma_wait3A_277 = arith.constant 0 : i32
          %dma_wait3A_278 = tpu.memref_slice %arg4[%mul3A_2, %dma_wait3A_276, %dma_wait3A_277] : memref<4096x200x64xf32, #tpu.memory_space<hbm>> -> memref<1x200x64xf32, #tpu.memory_space<hbm>>
          %dma_wait3A_279 = tpu.memref_squeeze %dma_wait3A_278 : memref<1x200x64xf32, #tpu.memory_space<hbm>> -> memref<200x64xf32, #tpu.memory_space<hbm>>
          %dma_wait3A_280 = arith.constant 0 : i32
          %dma_wait3A_281 = arith.constant 0 : i32
          %dma_wait3A_282 = tpu.memref_slice %arg4[%mul3A_2, %dma_wait3A_280, %dma_wait3A_281] : memref<4096x200x64xf32, #tpu.memory_space<hbm>> -> memref<1x200x64xf32, #tpu.memory_space<hbm>>
          %dma_wait3A_283 = tpu.memref_squeeze %dma_wait3A_282 : memref<1x200x64xf32, #tpu.memory_space<hbm>> -> memref<200x64xf32, #tpu.memory_space<hbm>>
          tpu.wait_dma2 semaphore(%arg15 : memref<!tpu.dma_semaphore, #tpu.memory_space<semaphore_mem>>) src(%arg7 : memref<200x64xf32, #tpu.memory_space<vmem>>) dst(%dma_wait3A_283 : memref<200x64xf32, #tpu.memory_space<hbm>>)
        } else {
        }
        %add3A_256 = arith.constant 2 : i32
        %add3A_257 = arith.addi %add3A_211, %add3A_256 : i32
        %dma_start3A_258 = arith.constant 0 : i32
        %dma_start3A_259 = arith.constant 0 : i32
        %dma_start3A_260 = tpu.memref_slice %arg7[%dma_start3A_258, %dma_start3A_259] : memref<200x64xf32, #tpu.memory_space<vmem>> -> memref<96x64xf32, #tpu.memory_space<vmem>>
        %dma_start3A_261 = arith.constant 0 : i32
        %dma_start3A_262 = tpu.memref_slice %arg5[%add3A_257, %dma_start3A_261] : memref<128x200xi32, #tpu.memory_space<vmem>> -> memref<1x96xi32, #tpu.memory_space<vmem>>
        %dma_start3A_263 = tpu.memref_squeeze %dma_start3A_262 : memref<1x96xi32, #tpu.memory_space<vmem>> -> memref<96xi32, #tpu.memory_space<vmem>>
        %dma_start3A_264 = arith.constant 0 : i32
        %dma_start3A_265 = arith.constant 0 : i32
        %dma_start3A_266 = tpu.memref_slice %arg2[%dma_start3A_264, %dma_start3A_265] : memref<1000000x64xf32, #tpu.memory_space<hbm>> -> memref<1000000x64xf32, #tpu.memory_space<hbm>>
        tpu.enqueue_indirect_dma source(%dma_start3A_266 : memref<1000000x64xf32, #tpu.memory_space<hbm>>) target(%dma_start3A_260 : memref<96x64xf32, #tpu.memory_space<vmem>>) offsets(%dma_start3A_263 : memref<96xi32, #tpu.memory_space<vmem>>) semaphore(%arg11 : memref<!tpu.dma_semaphore, #tpu.memory_space<semaphore_mem>>)
        %dma_start3A_267 = arith.constant 96 : i32
        %dma_start3A_268 = arith.constant 0 : i32
        %dma_start3A_269 = tpu.memref_slice %arg7[%dma_start3A_267, %dma_start3A_268] : memref<200x64xf32, #tpu.memory_space<vmem>> -> memref<104x64xf32, #tpu.memory_space<vmem>>
        %dma_start3A_270 = arith.constant 96 : i32
        %dma_start3A_271 = tpu.memref_slice %arg5[%add3A_257, %dma_start3A_270] : memref<128x200xi32, #tpu.memory_space<vmem>> -> memref<1x104xi32, #tpu.memory_space<vmem>>
        %dma_start3A_272 = tpu.memref_squeeze %dma_start3A_271 : memref<1x104xi32, #tpu.memory_space<vmem>> -> memref<104xi32, #tpu.memory_space<vmem>>
        %dma_start3A_273 = arith.constant 0 : i32
        %dma_start3A_274 = arith.constant 0 : i32
        %dma_start3A_275 = tpu.memref_slice %arg2[%dma_start3A_273, %dma_start3A_274] : memref<1000000x64xf32, #tpu.memory_space<hbm>> -> memref<1000000x64xf32, #tpu.memory_space<hbm>>
        tpu.enqueue_indirect_dma source(%dma_start3A_275 : memref<1000000x64xf32, #tpu.memory_space<hbm>>) target(%dma_start3A_269 : memref<104x64xf32, #tpu.memory_space<vmem>>) offsets(%dma_start3A_272 : memref<104xi32, #tpu.memory_space<vmem>>) semaphore(%arg11 : memref<!tpu.dma_semaphore, #tpu.memory_space<semaphore_mem>>)
      } else {
      }
      %dma_wait3A_219 = arith.constant 0 : i32
      %dma_wait3A_220 = arith.constant 0 : i32
      %dma_wait3A_221 = tpu.memref_slice %arg9[%dma_wait3A_219, %dma_wait3A_220] : memref<200x64xf32, #tpu.memory_space<vmem>> -> memref<96x64xf32, #tpu.memory_space<vmem>>
      %dma_wait3A_222 = arith.constant 0 : i32
      %dma_wait3A_223 = tpu.memref_slice %arg5[%add3A_211, %dma_wait3A_222] : memref<128x200xi32, #tpu.memory_space<vmem>> -> memref<1x96xi32, #tpu.memory_space<vmem>>
      %dma_wait3A_224 = tpu.memref_squeeze %dma_wait3A_223 : memref<1x96xi32, #tpu.memory_space<vmem>> -> memref<96xi32, #tpu.memory_space<vmem>>
      %dma_wait3A_225 = arith.constant 0 : i32
      %dma_wait3A_226 = arith.constant 0 : i32
      %dma_wait3A_227 = tpu.memref_slice %arg2[%dma_wait3A_225, %dma_wait3A_226] : memref<1000000x64xf32, #tpu.memory_space<hbm>> -> memref<1000000x64xf32, #tpu.memory_space<hbm>>
      tpu.wait_indirect_dma semaphore(%arg13 : memref<!tpu.dma_semaphore, #tpu.memory_space<semaphore_mem>>) src(%dma_wait3A_227 : memref<1000000x64xf32, #tpu.memory_space<hbm>>) dst(%dma_wait3A_221 : memref<96x64xf32, #tpu.memory_space<vmem>>)
      %dma_wait3A_228 = arith.constant 96 : i32
      %dma_wait3A_229 = arith.constant 0 : i32
      %dma_wait3A_230 = tpu.memref_slice %arg9[%dma_wait3A_228, %dma_wait3A_229] : memref<200x64xf32, #tpu.memory_space<vmem>> -> memref<104x64xf32, #tpu.memory_space<vmem>>
      %dma_wait3A_231 = arith.constant 96 : i32
      %dma_wait3A_232 = tpu.memref_slice %arg5[%add3A_211, %dma_wait3A_231] : memref<128x200xi32, #tpu.memory_space<vmem>> -> memref<1x104xi32, #tpu.memory_space<vmem>>
      %dma_wait3A_233 = tpu.memref_squeeze %dma_wait3A_232 : memref<1x104xi32, #tpu.memory_space<vmem>> -> memref<104xi32, #tpu.memory_space<vmem>>
      %dma_wait3A_234 = arith.constant 0 : i32
      %dma_wait3A_235 = arith.constant 0 : i32
      %dma_wait3A_236 = tpu.memref_slice %arg2[%dma_wait3A_234, %dma_wait3A_235] : memref<1000000x64xf32, #tpu.memory_space<hbm>> -> memref<1000000x64xf32, #tpu.memory_space<hbm>>
      tpu.wait_indirect_dma semaphore(%arg13 : memref<!tpu.dma_semaphore, #tpu.memory_space<semaphore_mem>>) src(%dma_wait3A_236 : memref<1000000x64xf32, #tpu.memory_space<hbm>>) dst(%dma_wait3A_230 : memref<104x64xf32, #tpu.memory_space<vmem>>)
      %scan3A_237 = arith.constant 0 : i32
      %scan3A_238 = arith.constant 0 : i32
      %scan3A_239 = arith.constant 50 : i32
      %scan3A_240 = arith.addi %scan3A_238, %scan3A_239 : i32
      %scan3A_241 = arith.constant 2 : i32
      scf.for %scan3A_252 = %scan3A_238 to %scan3A_240 step %scan3A_241  : i32 {
        %mul3A_253 = arith.constant 4 : i32
        %mul3A_254 = arith.muli %scan3A_252, %mul3A_253 : i32
        %add3A_255 = arith.constant 0 : i32
        %add3A_256 = arith.addi %mul3A_254, %add3A_255 : i32
        %get3A = arith.index_cast %add3A_256 : i32 to index
        %get3A_257 = arith.constant 0 : index
        %get3A_258 = tpu.vector_load %arg9[%get3A, %get3A_257] {strides = array<i32>} : memref<200x64xf32, #tpu.memory_space<vmem>>, vector<1x16xf32>,
        %get3A_259 = vector.shape_cast %get3A_258 : vector<1x16xf32> to vector<16xf32>
        %mul3A_260 = arith.constant 8.000000e+00 : f32
        %mul3A_261 = vector.broadcast %mul3A_260 : f32 to vector<16xf32>
        %mul3A_262 = arith.mulf %get3A_259, %mul3A_261 : vector<16xf32>
        %mul3A_263 = arith.constant 4 : i32
        %mul3A_264 = arith.muli %scan3A_252, %mul3A_263 : i32
        %add3A_265 = arith.constant 0 : i32
        %add3A_266 = arith.addi %mul3A_264, %add3A_265 : i32
        %swap3A = arith.index_cast %add3A_266 : i32 to index
        %swap3A_267 = arith.constant 0 : index
        %swap3A_268 = tpu.vector_load %arg9[%swap3A, %swap3A_267] {strides = array<i32>} : memref<200x64xf32, #tpu.memory_space<vmem>>, vector<1x16xf32>,
        %swap3A_269 = vector.shape_cast %swap3A_268 : vector<1x16xf32> to vector<16xf32>
        %swap3A_270 = vector.shape_cast %mul3A_262 : vector<16xf32> to vector<1x16xf32>
        tpu.vector_store %arg9[%swap3A, %swap3A_267], %swap3A_270 {strides = array<i32>} : memref<200x64xf32, #tpu.memory_space<vmem>>, vector<1x16xf32>,
        %mul3A_271 = arith.constant 4 : i32
        %mul3A_272 = arith.muli %scan3A_252, %mul3A_271 : i32
        %add3A_273 = arith.constant 0 : i32
        %add3A_274 = arith.addi %mul3A_272, %add3A_273 : i32
        %get3A_275 = arith.index_cast %add3A_274 : i32 to index
        %get3A_276 = arith.constant 16 : index
        %get3A_277 = tpu.vector_load %arg9[%get3A_275, %get3A_276] {strides = array<i32>} : memref<200x64xf32, #tpu.memory_space<vmem>>, vector<1x16xf32>,
        %get3A_278 = vector.shape_cast %get3A_277 : vector<1x16xf32> to vector<16xf32>
        %mul3A_279 = arith.constant 8.000000e+00 : f32
        %mul3A_280 = vector.broadcast %mul3A_279 : f32 to vector<16xf32>
        %mul3A_281 = arith.mulf %get3A_278, %mul3A_280 : vector<16xf32>
        %mul3A_282 = arith.constant 4 : i32
        %mul3A_283 = arith.muli %scan3A_252, %mul3A_282 : i32
        %add3A_284 = arith.constant 0 : i32
        %add3A_285 = arith.addi %mul3A_283, %add3A_284 : i32
        %swap3A_286 = arith.index_cast %add3A_285 : i32 to index
        %swap3A_287 = arith.constant 16 : index
        %swap3A_288 = tpu.vector_load %arg9[%swap3A_286, %swap3A_287] {strides = array<i32>} : memref<200x64xf32, #tpu.memory_space<vmem>>, vector<1x16xf32>,
        %swap3A_289 = vector.shape_cast %swap3A_288 : vector<1x16xf32> to vector<16xf32>
        %swap3A_290 = vector.shape_cast %mul3A_281 : vector<16xf32> to vector<1x16xf32>
        tpu.vector_store %arg9[%swap3A_286, %swap3A_287], %swap3A_290 {strides = array<i32>} : memref<200x64xf32, #tpu.memory_space<vmem>>, vector<1x16xf32>,
        %mul3A_291 = arith.constant 4 : i32
        %mul3A_292 = arith.muli %scan3A_252, %mul3A_291 : i32
        %add3A_293 = arith.constant 0 : i32
        %add3A_294 = arith.addi %mul3A_292, %add3A_293 : i32
        %get3A_295 = arith.index_cast %add3A_294 : i32 to index
        %get3A_296 = arith.constant 32 : index
        %get3A_297 = tpu.vector_load %arg9[%get3A_295, %get3A_296] {strides = array<i32>} : memref<200x64xf32, #tpu.memory_space<vmem>>, vector<1x16xf32>,
        %get3A_298 = vector.shape_cast %get3A_297 : vector<1x16xf32> to vector<16xf32>
        %mul3A_299 = arith.constant 8.000000e+00 : f32
        %mul3A_300 = vector.broadcast %mul3A_299 : f32 to vector<16xf32>
        %mul3A_301 = arith.mulf %get3A_298, %mul3A_300 : vector<16xf32>
        %mul3A_302 = arith.constant 4 : i32
        %mul3A_303 = arith.muli %scan3A_252, %mul3A_302 : i32
        %add3A_304 = arith.constant 0 : i32
        %add3A_305 = arith.addi %mul3A_303, %add3A_304 : i32
        %swap3A_306 = arith.index_cast %add3A_305 : i32 to index
        %swap3A_307 = arith.constant 32 : index
        %swap3A_308 = tpu.vector_load %arg9[%swap3A_306, %swap3A_307] {strides = array<i32>} : memref<200x64xf32, #tpu.memory_space<vmem>>, vector<1x16xf32>,
        %swap3A_309 = vector.shape_cast %swap3A_308 : vector<1x16xf32> to vector<16xf32>
        %swap3A_310 = vector.shape_cast %mul3A_301 : vector<16xf32> to vector<1x16xf32>
        tpu.vector_store %arg9[%swap3A_306, %swap3A_307], %swap3A_310 {strides = array<i32>} : memref<200x64xf32, #tpu.memory_space<vmem>>, vector<1x16xf32>,
        %mul3A_311 = arith.constant 4 : i32
        %mul3A_312 = arith.muli %scan3A_252, %mul3A_311 : i32
        %add3A_313 = arith.constant 0 : i32
        %add3A_314 = arith.addi %mul3A_312, %add3A_313 : i32
        %get3A_315 = arith.index_cast %add3A_314 : i32 to index
        %get3A_316 = arith.constant 48 : index
        %get3A_317 = tpu.vector_load %arg9[%get3A_315, %get3A_316] {strides = array<i32>} : memref<200x64xf32, #tpu.memory_space<vmem>>, vector<1x16xf32>,
        %get3A_318 = vector.shape_cast %get3A_317 : vector<1x16xf32> to vector<16xf32>
        %mul3A_319 = arith.constant 8.000000e+00 : f32
        %mul3A_320 = vector.broadcast %mul3A_319 : f32 to vector<16xf32>
        %mul3A_321 = arith.mulf %get3A_318, %mul3A_320 : vector<16xf32>
        %mul3A_322 = arith.constant 4 : i32
        %mul3A_323 = arith.muli %scan3A_252, %mul3A_322 : i32
        %add3A_324 = arith.constant 0 : i32
        %add3A_325 = arith.addi %mul3A_323, %add3A_324 : i32
        %swap3A_326 = arith.index_cast %add3A_325 : i32 to index
        %swap3A_327 = arith.constant 48 : index
        %swap3A_328 = tpu.vector_load %arg9[%swap3A_326, %swap3A_327] {strides = array<i32>} : memref<200x64xf32, #tpu.memory_space<vmem>>, vector<1x16xf32>,
        %swap3A_329 = vector.shape_cast %swap3A_328 : vector<1x16xf32> to vector<16xf32>
        %swap3A_330 = vector.shape_cast %mul3A_321 : vector<16xf32> to vector<1x16xf32>
        tpu.vector_store %arg9[%swap3A_326, %swap3A_327], %swap3A_330 {strides = array<i32>} : memref<200x64xf32, #tpu.memory_space<vmem>>, vector<1x16xf32>,
        %mul3A_331 = arith.constant 4 : i32
        %mul3A_332 = arith.muli %scan3A_252, %mul3A_331 : i32
        %add3A_333 = arith.constant 1 : i32
        %add3A_334 = arith.addi %mul3A_332, %add3A_333 : i32
        %get3A_335 = arith.index_cast %add3A_334 : i32 to index
        %get3A_336 = arith.constant 0 : index
        %get3A_337 = tpu.vector_load %arg9[%get3A_335, %get3A_336] {strides = array<i32>} : memref<200x64xf32, #tpu.memory_space<vmem>>, vector<1x16xf32>,
        %get3A_338 = vector.shape_cast %get3A_337 : vector<1x16xf32> to vector<16xf32>
        %mul3A_339 = arith.constant 8.000000e+00 : f32
        %mul3A_340 = vector.broadcast %mul3A_339 : f32 to vector<16xf32>
        %mul3A_341 = arith.mulf %get3A_338, %mul3A_340 : vector<16xf32>
        %mul3A_342 = arith.constant 4 : i32
        %mul3A_343 = arith.muli %scan3A_252, %mul3A_342 : i32
        %add3A_344 = arith.constant 1 : i32
        %add3A_345 = arith.addi %mul3A_343, %add3A_344 : i32
        %swap3A_346 = arith.index_cast %add3A_345 : i32 to index
        %swap3A_347 = arith.constant 0 : index
        %swap3A_348 = tpu.vector_load %arg9[%swap3A_346, %swap3A_347] {strides = array<i32>} : memref<200x64xf32, #tpu.memory_space<vmem>>, vector<1x16xf32>,
        %swap3A_349 = vector.shape_cast %swap3A_348 : vector<1x16xf32> to vector<16xf32>
        %swap3A_350 = vector.shape_cast %mul3A_341 : vector<16xf32> to vector<1x16xf32>
        tpu.vector_store %arg9[%swap3A_346, %swap3A_347], %swap3A_350 {strides = array<i32>} : memref<200x64xf32, #tpu.memory_space<vmem>>, vector<1x16xf32>,
        %mul3A_351 = arith.constant 4 : i32
        %mul3A_352 = arith.muli %scan3A_252, %mul3A_351 : i32
        %add3A_353 = arith.constant 1 : i32
        %add3A_354 = arith.addi %mul3A_352, %add3A_353 : i32
        %get3A_355 = arith.index_cast %add3A_354 : i32 to index
        %get3A_356 = arith.constant 16 : index
        %get3A_357 = tpu.vector_load %arg9[%get3A_355, %get3A_356] {strides = array<i32>} : memref<200x64xf32, #tpu.memory_space<vmem>>, vector<1x16xf32>,
        %get3A_358 = vector.shape_cast %get3A_357 : vector<1x16xf32> to vector<16xf32>
        %mul3A_359 = arith.constant 8.000000e+00 : f32
        %mul3A_360 = vector.broadcast %mul3A_359 : f32 to vector<16xf32>
        %mul3A_361 = arith.mulf %get3A_358, %mul3A_360 : vector<16xf32>
        %mul3A_362 = arith.constant 4 : i32
        %mul3A_363 = arith.muli %scan3A_252, %mul3A_362 : i32
        %add3A_364 = arith.constant 1 : i32
        %add3A_365 = arith.addi %mul3A_363, %add3A_364 : i32
        %swap3A_366 = arith.index_cast %add3A_365 : i32 to index
        %swap3A_367 = arith.constant 16 : index
        %swap3A_368 = tpu.vector_load %arg9[%swap3A_366, %swap3A_367] {strides = array<i32>} : memref<200x64xf32, #tpu.memory_space<vmem>>, vector<1x16xf32>,
        %swap3A_369 = vector.shape_cast %swap3A_368 : vector<1x16xf32> to vector<16xf32>
        %swap3A_370 = vector.shape_cast %mul3A_361 : vector<16xf32> to vector<1x16xf32>
        tpu.vector_store %arg9[%swap3A_366, %swap3A_367], %swap3A_370 {strides = array<i32>} : memref<200x64xf32, #tpu.memory_space<vmem>>, vector<1x16xf32>,
        %mul3A_371 = arith.constant 4 : i32
        %mul3A_372 = arith.muli %scan3A_252, %mul3A_371 : i32
        %add3A_373 = arith.constant 1 : i32
        %add3A_374 = arith.addi %mul3A_372, %add3A_373 : i32
        %get3A_375 = arith.index_cast %add3A_374 : i32 to index
        %get3A_376 = arith.constant 32 : index
        %get3A_377 = tpu.vector_load %arg9[%get3A_375, %get3A_376] {strides = array<i32>} : memref<200x64xf32, #tpu.memory_space<vmem>>, vector<1x16xf32>,
        %get3A_378 = vector.shape_cast %get3A_377 : vector<1x16xf32> to vector<16xf32>
        %mul3A_379 = arith.constant 8.000000e+00 : f32
        %mul3A_380 = vector.broadcast %mul3A_379 : f32 to vector<16xf32>
        %mul3A_381 = arith.mulf %get3A_378, %mul3A_380 : vector<16xf32>
        %mul3A_382 = arith.constant 4 : i32
        %mul3A_383 = arith.muli %scan3A_252, %mul3A_382 : i32
        %add3A_384 = arith.constant 1 : i32
        %add3A_385 = arith.addi %mul3A_383, %add3A_384 : i32
        %swap3A_386 = arith.index_cast %add3A_385 : i32 to index
        %swap3A_387 = arith.constant 32 : index
        %swap3A_388 = tpu.vector_load %arg9[%swap3A_386, %swap3A_387] {strides = array<i32>} : memref<200x64xf32, #tpu.memory_space<vmem>>, vector<1x16xf32>,
        %swap3A_389 = vector.shape_cast %swap3A_388 : vector<1x16xf32> to vector<16xf32>
        %swap3A_390 = vector.shape_cast %mul3A_381 : vector<16xf32> to vector<1x16xf32>
        tpu.vector_store %arg9[%swap3A_386, %swap3A_387], %swap3A_390 {strides = array<i32>} : memref<200x64xf32, #tpu.memory_space<vmem>>, vector<1x16xf32>,
        %mul3A_391 = arith.constant 4 : i32
        %mul3A_392 = arith.muli %scan3A_252, %mul3A_391 : i32
        %add3A_393 = arith.constant 1 : i32
        %add3A_394 = arith.addi %mul3A_392, %add3A_393 : i32
        %get3A_395 = arith.index_cast %add3A_394 : i32 to index
        %get3A_396 = arith.constant 48 : index
        %get3A_397 = tpu.vector_load %arg9[%get3A_395, %get3A_396] {strides = array<i32>} : memref<200x64xf32, #tpu.memory_space<vmem>>, vector<1x16xf32>,
        %get3A_398 = vector.shape_cast %get3A_397 : vector<1x16xf32> to vector<16xf32>
        %mul3A_399 = arith.constant 8.000000e+00 : f32
        %mul3A_400 = vector.broadcast %mul3A_399 : f32 to vector<16xf32>
        %mul3A_401 = arith.mulf %get3A_398, %mul3A_400 : vector<16xf32>
        %mul3A_402 = arith.constant 4 : i32
        %mul3A_403 = arith.muli %scan3A_252, %mul3A_402 : i32
        %add3A_404 = arith.constant 1 : i32
        %add3A_405 = arith.addi %mul3A_403, %add3A_404 : i32
        %swap3A_406 = arith.index_cast %add3A_405 : i32 to index
        %swap3A_407 = arith.constant 48 : index
        %swap3A_408 = tpu.vector_load %arg9[%swap3A_406, %swap3A_407] {strides = array<i32>} : memref<200x64xf32, #tpu.memory_space<vmem>>, vector<1x16xf32>,
        %swap3A_409 = vector.shape_cast %swap3A_408 : vector<1x16xf32> to vector<16xf32>
        %swap3A_410 = vector.shape_cast %mul3A_401 : vector<16xf32> to vector<1x16xf32>
        tpu.vector_store %arg9[%swap3A_406, %swap3A_407], %swap3A_410 {strides = array<i32>} : memref<200x64xf32, #tpu.memory_space<vmem>>, vector<1x16xf32>,
        %mul3A_411 = arith.constant 4 : i32
        %mul3A_412 = arith.muli %scan3A_252, %mul3A_411 : i32
        %add3A_413 = arith.constant 2 : i32
        %add3A_414 = arith.addi %mul3A_412, %add3A_413 : i32
        %get3A_415 = arith.index_cast %add3A_414 : i32 to index
        %get3A_416 = arith.constant 0 : index
        %get3A_417 = tpu.vector_load %arg9[%get3A_415, %get3A_416] {strides = array<i32>} : memref<200x64xf32, #tpu.memory_space<vmem>>, vector<1x16xf32>,
        %get3A_418 = vector.shape_cast %get3A_417 : vector<1x16xf32> to vector<16xf32>
        %mul3A_419 = arith.constant 8.000000e+00 : f32
        %mul3A_420 = vector.broadcast %mul3A_419 : f32 to vector<16xf32>
        %mul3A_421 = arith.mulf %get3A_418, %mul3A_420 : vector<16xf32>
        %mul3A_422 = arith.constant 4 : i32
        %mul3A_423 = arith.muli %scan3A_252, %mul3A_422 : i32
        %add3A_424 = arith.constant 2 : i32
        %add3A_425 = arith.addi %mul3A_423, %add3A_424 : i32
        %swap3A_426 = arith.index_cast %add3A_425 : i32 to index
        %swap3A_427 = arith.constant 0 : index
        %swap3A_428 = tpu.vector_load %arg9[%swap3A_426, %swap3A_427] {strides = array<i32>} : memref<200x64xf32, #tpu.memory_space<vmem>>, vector<1x16xf32>,
        %swap3A_429 = vector.shape_cast %swap3A_428 : vector<1x16xf32> to vector<16xf32>
        %swap3A_430 = vector.shape_cast %mul3A_421 : vector<16xf32> to vector<1x16xf32>
        tpu.vector_store %arg9[%swap3A_426, %swap3A_427], %swap3A_430 {strides = array<i32>} : memref<200x64xf32, #tpu.memory_space<vmem>>, vector<1x16xf32>,
        %mul3A_431 = arith.constant 4 : i32
        %mul3A_432 = arith.muli %scan3A_252, %mul3A_431 : i32
        %add3A_433 = arith.constant 2 : i32
        %add3A_434 = arith.addi %mul3A_432, %add3A_433 : i32
        %get3A_435 = arith.index_cast %add3A_434 : i32 to index
        %get3A_436 = arith.constant 16 : index
        %get3A_437 = tpu.vector_load %arg9[%get3A_435, %get3A_436] {strides = array<i32>} : memref<200x64xf32, #tpu.memory_space<vmem>>, vector<1x16xf32>,
        %get3A_438 = vector.shape_cast %get3A_437 : vector<1x16xf32> to vector<16xf32>
        %mul3A_439 = arith.constant 8.000000e+00 : f32
        %mul3A_440 = vector.broadcast %mul3A_439 : f32 to vector<16xf32>
        %mul3A_441 = arith.mulf %get3A_438, %mul3A_440 : vector<16xf32>
        %mul3A_442 = arith.constant 4 : i32
        %mul3A_443 = arith.muli %scan3A_252, %mul3A_442 : i32
        %add3A_444 = arith.constant 2 : i32
        %add3A_445 = arith.addi %mul3A_443, %add3A_444 : i32
        %swap3A_446 = arith.index_cast %add3A_445 : i32 to index
        %swap3A_447 = arith.constant 16 : index
        %swap3A_448 = tpu.vector_load %arg9[%swap3A_446, %swap3A_447] {strides = array<i32>} : memref<200x64xf32, #tpu.memory_space<vmem>>, vector<1x16xf32>,
        %swap3A_449 = vector.shape_cast %swap3A_448 : vector<1x16xf32> to vector<16xf32>
        %swap3A_450 = vector.shape_cast %mul3A_441 : vector<16xf32> to vector<1x16xf32>
        tpu.vector_store %arg9[%swap3A_446, %swap3A_447], %swap3A_450 {strides = array<i32>} : memref<200x64xf32, #tpu.memory_space<vmem>>, vector<1x16xf32>,
        %mul3A_451 = arith.constant 4 : i32
        %mul3A_452 = arith.muli %scan3A_252, %mul3A_451 : i32
        %add3A_453 = arith.constant 2 : i32
        %add3A_454 = arith.addi %mul3A_452, %add3A_453 : i32
        %get3A_455 = arith.index_cast %add3A_454 : i32 to index
        %get3A_456 = arith.constant 32 : index
        %get3A_457 = tpu.vector_load %arg9[%get3A_455, %get3A_456] {strides = array<i32>} : memref<200x64xf32, #tpu.memory_space<vmem>>, vector<1x16xf32>,
        %get3A_458 = vector.shape_cast %get3A_457 : vector<1x16xf32> to vector<16xf32>
        %mul3A_459 = arith.constant 8.000000e+00 : f32
        %mul3A_460 = vector.broadcast %mul3A_459 : f32 to vector<16xf32>
        %mul3A_461 = arith.mulf %get3A_458, %mul3A_460 : vector<16xf32>
        %mul3A_462 = arith.constant 4 : i32
        %mul3A_463 = arith.muli %scan3A_252, %mul3A_462 : i32
        %add3A_464 = arith.constant 2 : i32
        %add3A_465 = arith.addi %mul3A_463, %add3A_464 : i32
        %swap3A_466 = arith.index_cast %add3A_465 : i32 to index
        %swap3A_467 = arith.constant 32 : index
        %swap3A_468 = tpu.vector_load %arg9[%swap3A_466, %swap3A_467] {strides = array<i32>} : memref<200x64xf32, #tpu.memory_space<vmem>>, vector<1x16xf32>,
        %swap3A_469 = vector.shape_cast %swap3A_468 : vector<1x16xf32> to vector<16xf32>
        %swap3A_470 = vector.shape_cast %mul3A_461 : vector<16xf32> to vector<1x16xf32>
        tpu.vector_store %arg9[%swap3A_466, %swap3A_467], %swap3A_470 {strides = array<i32>} : memref<200x64xf32, #tpu.memory_space<vmem>>, vector<1x16xf32>,
        %mul3A_471 = arith.constant 4 : i32
        %mul3A_472 = arith.muli %scan3A_252, %mul3A_471 : i32
        %add3A_473 = arith.constant 2 : i32
        %add3A_474 = arith.addi %mul3A_472, %add3A_473 : i32
        %get3A_475 = arith.index_cast %add3A_474 : i32 to index
        %get3A_476 = arith.constant 48 : index
        %get3A_477 = tpu.vector_load %arg9[%get3A_475, %get3A_476] {strides = array<i32>} : memref<200x64xf32, #tpu.memory_space<vmem>>, vector<1x16xf32>,
        %get3A_478 = vector.shape_cast %get3A_477 : vector<1x16xf32> to vector<16xf32>
        %mul3A_479 = arith.constant 8.000000e+00 : f32
        %mul3A_480 = vector.broadcast %mul3A_479 : f32 to vector<16xf32>
        %mul3A_481 = arith.mulf %get3A_478, %mul3A_480 : vector<16xf32>
        %mul3A_482 = arith.constant 4 : i32
        %mul3A_483 = arith.muli %scan3A_252, %mul3A_482 : i32
        %add3A_484 = arith.constant 2 : i32
        %add3A_485 = arith.addi %mul3A_483, %add3A_484 : i32
        %swap3A_486 = arith.index_cast %add3A_485 : i32 to index
        %swap3A_487 = arith.constant 48 : index
        %swap3A_488 = tpu.vector_load %arg9[%swap3A_486, %swap3A_487] {strides = array<i32>} : memref<200x64xf32, #tpu.memory_space<vmem>>, vector<1x16xf32>,
        %swap3A_489 = vector.shape_cast %swap3A_488 : vector<1x16xf32> to vector<16xf32>
        %swap3A_490 = vector.shape_cast %mul3A_481 : vector<16xf32> to vector<1x16xf32>
        tpu.vector_store %arg9[%swap3A_486, %swap3A_487], %swap3A_490 {strides = array<i32>} : memref<200x64xf32, #tpu.memory_space<vmem>>, vector<1x16xf32>,
        %mul3A_491 = arith.constant 4 : i32
        %mul3A_492 = arith.muli %scan3A_252, %mul3A_491 : i32
        %add3A_493 = arith.constant 3 : i32
        %add3A_494 = arith.addi %mul3A_492, %add3A_493 : i32
        %get3A_495 = arith.index_cast %add3A_494 : i32 to index
        %get3A_496 = arith.constant 0 : index
        %get3A_497 = tpu.vector_load %arg9[%get3A_495, %get3A_496] {strides = array<i32>} : memref<200x64xf32, #tpu.memory_space<vmem>>, vector<1x16xf32>,
        %get3A_498 = vector.shape_cast %get3A_497 : vector<1x16xf32> to vector<16xf32>
        %mul3A_499 = arith.constant 8.000000e+00 : f32
        %mul3A_500 = vector.broadcast %mul3A_499 : f32 to vector<16xf32>
        %mul3A_501 = arith.mulf %get3A_498, %mul3A_500 : vector<16xf32>
        %mul3A_502 = arith.constant 4 : i32
        %mul3A_503 = arith.muli %scan3A_252, %mul3A_502 : i32
        %add3A_504 = arith.constant 3 : i32
        %add3A_505 = arith.addi %mul3A_503, %add3A_504 : i32
        %swap3A_506 = arith.index_cast %add3A_505 : i32 to index
        %swap3A_507 = arith.constant 0 : index
        %swap3A_508 = tpu.vector_load %arg9[%swap3A_506, %swap3A_507] {strides = array<i32>} : memref<200x64xf32, #tpu.memory_space<vmem>>, vector<1x16xf32>,
        %swap3A_509 = vector.shape_cast %swap3A_508 : vector<1x16xf32> to vector<16xf32>
        %swap3A_510 = vector.shape_cast %mul3A_501 : vector<16xf32> to vector<1x16xf32>
        tpu.vector_store %arg9[%swap3A_506, %swap3A_507], %swap3A_510 {strides = array<i32>} : memref<200x64xf32, #tpu.memory_space<vmem>>, vector<1x16xf32>,
        %mul3A_511 = arith.constant 4 : i32
        %mul3A_512 = arith.muli %scan3A_252, %mul3A_511 : i32
        %add3A_513 = arith.constant 3 : i32
        %add3A_514 = arith.addi %mul3A_512, %add3A_513 : i32
        %get3A_515 = arith.index_cast %add3A_514 : i32 to index
        %get3A_516 = arith.constant 16 : index
        %get3A_517 = tpu.vector_load %arg9[%get3A_515, %get3A_516] {strides = array<i32>} : memref<200x64xf32, #tpu.memory_space<vmem>>, vector<1x16xf32>,
        %get3A_518 = vector.shape_cast %get3A_517 : vector<1x16xf32> to vector<16xf32>
        %mul3A_519 = arith.constant 8.000000e+00 : f32
        %mul3A_520 = vector.broadcast %mul3A_519 : f32 to vector<16xf32>
        %mul3A_521 = arith.mulf %get3A_518, %mul3A_520 : vector<16xf32>
        %mul3A_522 = arith.constant 4 : i32
        %mul3A_523 = arith.muli %scan3A_252, %mul3A_522 : i32
        %add3A_524 = arith.constant 3 : i32
        %add3A_525 = arith.addi %mul3A_523, %add3A_524 : i32
        %swap3A_526 = arith.index_cast %add3A_525 : i32 to index
        %swap3A_527 = arith.constant 16 : index
        %swap3A_528 = tpu.vector_load %arg9[%swap3A_526, %swap3A_527] {strides = array<i32>} : memref<200x64xf32, #tpu.memory_space<vmem>>, vector<1x16xf32>,
        %swap3A_529 = vector.shape_cast %swap3A_528 : vector<1x16xf32> to vector<16xf32>
        %swap3A_530 = vector.shape_cast %mul3A_521 : vector<16xf32> to vector<1x16xf32>
        tpu.vector_store %arg9[%swap3A_526, %swap3A_527], %swap3A_530 {strides = array<i32>} : memref<200x64xf32, #tpu.memory_space<vmem>>, vector<1x16xf32>,
        %mul3A_531 = arith.constant 4 : i32
        %mul3A_532 = arith.muli %scan3A_252, %mul3A_531 : i32
        %add3A_533 = arith.constant 3 : i32
        %add3A_534 = arith.addi %mul3A_532, %add3A_533 : i32
        %get3A_535 = arith.index_cast %add3A_534 : i32 to index
        %get3A_536 = arith.constant 32 : index
        %get3A_537 = tpu.vector_load %arg9[%get3A_535, %get3A_536] {strides = array<i32>} : memref<200x64xf32, #tpu.memory_space<vmem>>, vector<1x16xf32>,
        %get3A_538 = vector.shape_cast %get3A_537 : vector<1x16xf32> to vector<16xf32>
        %mul3A_539 = arith.constant 8.000000e+00 : f32
        %mul3A_540 = vector.broadcast %mul3A_539 : f32 to vector<16xf32>
        %mul3A_541 = arith.mulf %get3A_538, %mul3A_540 : vector<16xf32>
        %mul3A_542 = arith.constant 4 : i32
        %mul3A_543 = arith.muli %scan3A_252, %mul3A_542 : i32
        %add3A_544 = arith.constant 3 : i32
        %add3A_545 = arith.addi %mul3A_543, %add3A_544 : i32
        %swap3A_546 = arith.index_cast %add3A_545 : i32 to index
        %swap3A_547 = arith.constant 32 : index
        %swap3A_548 = tpu.vector_load %arg9[%swap3A_546, %swap3A_547] {strides = array<i32>} : memref<200x64xf32, #tpu.memory_space<vmem>>, vector<1x16xf32>,
        %swap3A_549 = vector.shape_cast %swap3A_548 : vector<1x16xf32> to vector<16xf32>
        %swap3A_550 = vector.shape_cast %mul3A_541 : vector<16xf32> to vector<1x16xf32>
        tpu.vector_store %arg9[%swap3A_546, %swap3A_547], %swap3A_550 {strides = array<i32>} : memref<200x64xf32, #tpu.memory_space<vmem>>, vector<1x16xf32>,
        %mul3A_551 = arith.constant 4 : i32
        %mul3A_552 = arith.muli %scan3A_252, %mul3A_551 : i32
        %add3A_553 = arith.constant 3 : i32
        %add3A_554 = arith.addi %mul3A_552, %add3A_553 : i32
        %get3A_555 = arith.index_cast %add3A_554 : i32 to index
        %get3A_556 = arith.constant 48 : index
        %get3A_557 = tpu.vector_load %arg9[%get3A_555, %get3A_556] {strides = array<i32>} : memref<200x64xf32, #tpu.memory_space<vmem>>, vector<1x16xf32>,
        %get3A_558 = vector.shape_cast %get3A_557 : vector<1x16xf32> to vector<16xf32>
        %mul3A_559 = arith.constant 8.000000e+00 : f32
        %mul3A_560 = vector.broadcast %mul3A_559 : f32 to vector<16xf32>
        %mul3A_561 = arith.mulf %get3A_558, %mul3A_560 : vector<16xf32>
        %mul3A_562 = arith.constant 4 : i32
        %mul3A_563 = arith.muli %scan3A_252, %mul3A_562 : i32
        %add3A_564 = arith.constant 3 : i32
        %add3A_565 = arith.addi %mul3A_563, %add3A_564 : i32
        %swap3A_566 = arith.index_cast %add3A_565 : i32 to index
        %swap3A_567 = arith.constant 48 : index
        %swap3A_568 = tpu.vector_load %arg9[%swap3A_566, %swap3A_567] {strides = array<i32>} : memref<200x64xf32, #tpu.memory_space<vmem>>, vector<1x16xf32>,
        %swap3A_569 = vector.shape_cast %swap3A_568 : vector<1x16xf32> to vector<16xf32>
        %swap3A_570 = vector.shape_cast %mul3A_561 : vector<16xf32> to vector<1x16xf32>
        tpu.vector_store %arg9[%swap3A_566, %swap3A_567], %swap3A_570 {strides = array<i32>} : memref<200x64xf32, #tpu.memory_space<vmem>>, vector<1x16xf32>,
        %scan3A_571 = arith.constant 1 : i32
        %scan3A_572 = arith.addi %scan3A_252, %scan3A_571 : i32
        %mul3A_573 = arith.constant 4 : i32
        %mul3A_574 = arith.muli %scan3A_572, %mul3A_573 : i32
        %add3A_575 = arith.constant 0 : i32
        %add3A_576 = arith.addi %mul3A_574, %add3A_575 : i32
        %get3A_577 = arith.index_cast %add3A_576 : i32 to index
        %get3A_578 = arith.constant 0 : index
        %get3A_579 = tpu.vector_load %arg9[%get3A_577, %get3A_578] {strides = array<i32>} : memref<200x64xf32, #tpu.memory_space<vmem>>, vector<1x16xf32>,
        %get3A_580 = vector.shape_cast %get3A_579 : vector<1x16xf32> to vector<16xf32>
        %mul3A_581 = arith.constant 8.000000e+00 : f32
        %mul3A_582 = vector.broadcast %mul3A_581 : f32 to vector<16xf32>
        %mul3A_583 = arith.mulf %get3A_580, %mul3A_582 : vector<16xf32>
        %mul3A_584 = arith.constant 4 : i32
        %mul3A_585 = arith.muli %scan3A_572, %mul3A_584 : i32
        %add3A_586 = arith.constant 0 : i32
        %add3A_587 = arith.addi %mul3A_585, %add3A_586 : i32
        %swap3A_588 = arith.index_cast %add3A_587 : i32 to index
        %swap3A_589 = arith.constant 0 : index
        %swap3A_590 = tpu.vector_load %arg9[%swap3A_588, %swap3A_589] {strides = array<i32>} : memref<200x64xf32, #tpu.memory_space<vmem>>, vector<1x16xf32>,
        %swap3A_591 = vector.shape_cast %swap3A_590 : vector<1x16xf32> to vector<16xf32>
        %swap3A_592 = vector.shape_cast %mul3A_583 : vector<16xf32> to vector<1x16xf32>
        tpu.vector_store %arg9[%swap3A_588, %swap3A_589], %swap3A_592 {strides = array<i32>} : memref<200x64xf32, #tpu.memory_space<vmem>>, vector<1x16xf32>,
        %mul3A_593 = arith.constant 4 : i32
        %mul3A_594 = arith.muli %scan3A_572, %mul3A_593 : i32
        %add3A_595 = arith.constant 0 : i32
        %add3A_596 = arith.addi %mul3A_594, %add3A_595 : i32
        %get3A_597 = arith.index_cast %add3A_596 : i32 to index
        %get3A_598 = arith.constant 16 : index
        %get3A_599 = tpu.vector_load %arg9[%get3A_597, %get3A_598] {strides = array<i32>} : memref<200x64xf32, #tpu.memory_space<vmem>>, vector<1x16xf32>,
        %get3A_600 = vector.shape_cast %get3A_599 : vector<1x16xf32> to vector<16xf32>
        %mul3A_601 = arith.constant 8.000000e+00 : f32
        %mul3A_602 = vector.broadcast %mul3A_601 : f32 to vector<16xf32>
        %mul3A_603 = arith.mulf %get3A_600, %mul3A_602 : vector<16xf32>
        %mul3A_604 = arith.constant 4 : i32
        %mul3A_605 = arith.muli %scan3A_572, %mul3A_604 : i32
        %add3A_606 = arith.constant 0 : i32
        %add3A_607 = arith.addi %mul3A_605, %add3A_606 : i32
        %swap3A_608 = arith.index_cast %add3A_607 : i32 to index
        %swap3A_609 = arith.constant 16 : index
        %swap3A_610 = tpu.vector_load %arg9[%swap3A_608, %swap3A_609] {strides = array<i32>} : memref<200x64xf32, #tpu.memory_space<vmem>>, vector<1x16xf32>,
        %swap3A_611 = vector.shape_cast %swap3A_610 : vector<1x16xf32> to vector<16xf32>
        %swap3A_612 = vector.shape_cast %mul3A_603 : vector<16xf32> to vector<1x16xf32>
        tpu.vector_store %arg9[%swap3A_608, %swap3A_609], %swap3A_612 {strides = array<i32>} : memref<200x64xf32, #tpu.memory_space<vmem>>, vector<1x16xf32>,
        %mul3A_613 = arith.constant 4 : i32
        %mul3A_614 = arith.muli %scan3A_572, %mul3A_613 : i32
        %add3A_615 = arith.constant 0 : i32
        %add3A_616 = arith.addi %mul3A_614, %add3A_615 : i32
        %get3A_617 = arith.index_cast %add3A_616 : i32 to index
        %get3A_618 = arith.constant 32 : index
        %get3A_619 = tpu.vector_load %arg9[%get3A_617, %get3A_618] {strides = array<i32>} : memref<200x64xf32, #tpu.memory_space<vmem>>, vector<1x16xf32>,
        %get3A_620 = vector.shape_cast %get3A_619 : vector<1x16xf32> to vector<16xf32>
        %mul3A_621 = arith.constant 8.000000e+00 : f32
        %mul3A_622 = vector.broadcast %mul3A_621 : f32 to vector<16xf32>
        %mul3A_623 = arith.mulf %get3A_620, %mul3A_622 : vector<16xf32>
        %mul3A_624 = arith.constant 4 : i32
        %mul3A_625 = arith.muli %scan3A_572, %mul3A_624 : i32
        %add3A_626 = arith.constant 0 : i32
        %add3A_627 = arith.addi %mul3A_625, %add3A_626 : i32
        %swap3A_628 = arith.index_cast %add3A_627 : i32 to index
        %swap3A_629 = arith.constant 32 : index
        %swap3A_630 = tpu.vector_load %arg9[%swap3A_628, %swap3A_629] {strides = array<i32>} : memref<200x64xf32, #tpu.memory_space<vmem>>, vector<1x16xf32>,
        %swap3A_631 = vector.shape_cast %swap3A_630 : vector<1x16xf32> to vector<16xf32>
        %swap3A_632 = vector.shape_cast %mul3A_623 : vector<16xf32> to vector<1x16xf32>
        tpu.vector_store %arg9[%swap3A_628, %swap3A_629], %swap3A_632 {strides = array<i32>} : memref<200x64xf32, #tpu.memory_space<vmem>>, vector<1x16xf32>,
        %mul3A_633 = arith.constant 4 : i32
        %mul3A_634 = arith.muli %scan3A_572, %mul3A_633 : i32
        %add3A_635 = arith.constant 0 : i32
        %add3A_636 = arith.addi %mul3A_634, %add3A_635 : i32
        %get3A_637 = arith.index_cast %add3A_636 : i32 to index
        %get3A_638 = arith.constant 48 : index
        %get3A_639 = tpu.vector_load %arg9[%get3A_637, %get3A_638] {strides = array<i32>} : memref<200x64xf32, #tpu.memory_space<vmem>>, vector<1x16xf32>,
        %get3A_640 = vector.shape_cast %get3A_639 : vector<1x16xf32> to vector<16xf32>
        %mul3A_641 = arith.constant 8.000000e+00 : f32
        %mul3A_642 = vector.broadcast %mul3A_641 : f32 to vector<16xf32>
        %mul3A_643 = arith.mulf %get3A_640, %mul3A_642 : vector<16xf32>
        %mul3A_644 = arith.constant 4 : i32
        %mul3A_645 = arith.muli %scan3A_572, %mul3A_644 : i32
        %add3A_646 = arith.constant 0 : i32
        %add3A_647 = arith.addi %mul3A_645, %add3A_646 : i32
        %swap3A_648 = arith.index_cast %add3A_647 : i32 to index
        %swap3A_649 = arith.constant 48 : index
        %swap3A_650 = tpu.vector_load %arg9[%swap3A_648, %swap3A_649] {strides = array<i32>} : memref<200x64xf32, #tpu.memory_space<vmem>>, vector<1x16xf32>,
        %swap3A_651 = vector.shape_cast %swap3A_650 : vector<1x16xf32> to vector<16xf32>
        %swap3A_652 = vector.shape_cast %mul3A_643 : vector<16xf32> to vector<1x16xf32>
        tpu.vector_store %arg9[%swap3A_648, %swap3A_649], %swap3A_652 {strides = array<i32>} : memref<200x64xf32, #tpu.memory_space<vmem>>, vector<1x16xf32>,
        %mul3A_653 = arith.constant 4 : i32
        %mul3A_654 = arith.muli %scan3A_572, %mul3A_653 : i32
        %add3A_655 = arith.constant 1 : i32
        %add3A_656 = arith.addi %mul3A_654, %add3A_655 : i32
        %get3A_657 = arith.index_cast %add3A_656 : i32 to index
        %get3A_658 = arith.constant 0 : index
        %get3A_659 = tpu.vector_load %arg9[%get3A_657, %get3A_658] {strides = array<i32>} : memref<200x64xf32, #tpu.memory_space<vmem>>, vector<1x16xf32>,
        %get3A_660 = vector.shape_cast %get3A_659 : vector<1x16xf32> to vector<16xf32>
        %mul3A_661 = arith.constant 8.000000e+00 : f32
        %mul3A_662 = vector.broadcast %mul3A_661 : f32 to vector<16xf32>
        %mul3A_663 = arith.mulf %get3A_660, %mul3A_662 : vector<16xf32>
        %mul3A_664 = arith.constant 4 : i32
        %mul3A_665 = arith.muli %scan3A_572, %mul3A_664 : i32
        %add3A_666 = arith.constant 1 : i32
        %add3A_667 = arith.addi %mul3A_665, %add3A_666 : i32
        %swap3A_668 = arith.index_cast %add3A_667 : i32 to index
        %swap3A_669 = arith.constant 0 : index
        %swap3A_670 = tpu.vector_load %arg9[%swap3A_668, %swap3A_669] {strides = array<i32>} : memref<200x64xf32, #tpu.memory_space<vmem>>, vector<1x16xf32>,
        %swap3A_671 = vector.shape_cast %swap3A_670 : vector<1x16xf32> to vector<16xf32>
        %swap3A_672 = vector.shape_cast %mul3A_663 : vector<16xf32> to vector<1x16xf32>
        tpu.vector_store %arg9[%swap3A_668, %swap3A_669], %swap3A_672 {strides = array<i32>} : memref<200x64xf32, #tpu.memory_space<vmem>>, vector<1x16xf32>,
        %mul3A_673 = arith.constant 4 : i32
        %mul3A_674 = arith.muli %scan3A_572, %mul3A_673 : i32
        %add3A_675 = arith.constant 1 : i32
        %add3A_676 = arith.addi %mul3A_674, %add3A_675 : i32
        %get3A_677 = arith.index_cast %add3A_676 : i32 to index
        %get3A_678 = arith.constant 16 : index
        %get3A_679 = tpu.vector_load %arg9[%get3A_677, %get3A_678] {strides = array<i32>} : memref<200x64xf32, #tpu.memory_space<vmem>>, vector<1x16xf32>,
        %get3A_680 = vector.shape_cast %get3A_679 : vector<1x16xf32> to vector<16xf32>
        %mul3A_681 = arith.constant 8.000000e+00 : f32
        %mul3A_682 = vector.broadcast %mul3A_681 : f32 to vector<16xf32>
        %mul3A_683 = arith.mulf %get3A_680, %mul3A_682 : vector<16xf32>
        %mul3A_684 = arith.constant 4 : i32
        %mul3A_685 = arith.muli %scan3A_572, %mul3A_684 : i32
        %add3A_686 = arith.constant 1 : i32
        %add3A_687 = arith.addi %mul3A_685, %add3A_686 : i32
        %swap3A_688 = arith.index_cast %add3A_687 : i32 to index
        %swap3A_689 = arith.constant 16 : index
        %swap3A_690 = tpu.vector_load %arg9[%swap3A_688, %swap3A_689] {strides = array<i32>} : memref<200x64xf32, #tpu.memory_space<vmem>>, vector<1x16xf32>,
        %swap3A_691 = vector.shape_cast %swap3A_690 : vector<1x16xf32> to vector<16xf32>
        %swap3A_692 = vector.shape_cast %mul3A_683 : vector<16xf32> to vector<1x16xf32>
        tpu.vector_store %arg9[%swap3A_688, %swap3A_689], %swap3A_692 {strides = array<i32>} : memref<200x64xf32, #tpu.memory_space<vmem>>, vector<1x16xf32>,
        %mul3A_693 = arith.constant 4 : i32
        %mul3A_694 = arith.muli %scan3A_572, %mul3A_693 : i32
        %add3A_695 = arith.constant 1 : i32
        %add3A_696 = arith.addi %mul3A_694, %add3A_695 : i32
        %get3A_697 = arith.index_cast %add3A_696 : i32 to index
        %get3A_698 = arith.constant 32 : index
        %get3A_699 = tpu.vector_load %arg9[%get3A_697, %get3A_698] {strides = array<i32>} : memref<200x64xf32, #tpu.memory_space<vmem>>, vector<1x16xf32>,
        %get3A_700 = vector.shape_cast %get3A_699 : vector<1x16xf32> to vector<16xf32>
        %mul3A_701 = arith.constant 8.000000e+00 : f32
        %mul3A_702 = vector.broadcast %mul3A_701 : f32 to vector<16xf32>
        %mul3A_703 = arith.mulf %get3A_700, %mul3A_702 : vector<16xf32>
        %mul3A_704 = arith.constant 4 : i32
        %mul3A_705 = arith.muli %scan3A_572, %mul3A_704 : i32
        %add3A_706 = arith.constant 1 : i32
        %add3A_707 = arith.addi %mul3A_705, %add3A_706 : i32
        %swap3A_708 = arith.index_cast %add3A_707 : i32 to index
        %swap3A_709 = arith.constant 32 : index
        %swap3A_710 = tpu.vector_load %arg9[%swap3A_708, %swap3A_709] {strides = array<i32>} : memref<200x64xf32, #tpu.memory_space<vmem>>, vector<1x16xf32>,
        %swap3A_711 = vector.shape_cast %swap3A_710 : vector<1x16xf32> to vector<16xf32>
        %swap3A_712 = vector.shape_cast %mul3A_703 : vector<16xf32> to vector<1x16xf32>
        tpu.vector_store %arg9[%swap3A_708, %swap3A_709], %swap3A_712 {strides = array<i32>} : memref<200x64xf32, #tpu.memory_space<vmem>>, vector<1x16xf32>,
        %mul3A_713 = arith.constant 4 : i32
        %mul3A_714 = arith.muli %scan3A_572, %mul3A_713 : i32
        %add3A_715 = arith.constant 1 : i32
        %add3A_716 = arith.addi %mul3A_714, %add3A_715 : i32
        %get3A_717 = arith.index_cast %add3A_716 : i32 to index
        %get3A_718 = arith.constant 48 : index
        %get3A_719 = tpu.vector_load %arg9[%get3A_717, %get3A_718] {strides = array<i32>} : memref<200x64xf32, #tpu.memory_space<vmem>>, vector<1x16xf32>,
        %get3A_720 = vector.shape_cast %get3A_719 : vector<1x16xf32> to vector<16xf32>
        %mul3A_721 = arith.constant 8.000000e+00 : f32
        %mul3A_722 = vector.broadcast %mul3A_721 : f32 to vector<16xf32>
        %mul3A_723 = arith.mulf %get3A_720, %mul3A_722 : vector<16xf32>
        %mul3A_724 = arith.constant 4 : i32
        %mul3A_725 = arith.muli %scan3A_572, %mul3A_724 : i32
        %add3A_726 = arith.constant 1 : i32
        %add3A_727 = arith.addi %mul3A_725, %add3A_726 : i32
        %swap3A_728 = arith.index_cast %add3A_727 : i32 to index
        %swap3A_729 = arith.constant 48 : index
        %swap3A_730 = tpu.vector_load %arg9[%swap3A_728, %swap3A_729] {strides = array<i32>} : memref<200x64xf32, #tpu.memory_space<vmem>>, vector<1x16xf32>,
        %swap3A_731 = vector.shape_cast %swap3A_730 : vector<1x16xf32> to vector<16xf32>
        %swap3A_732 = vector.shape_cast %mul3A_723 : vector<16xf32> to vector<1x16xf32>
        tpu.vector_store %arg9[%swap3A_728, %swap3A_729], %swap3A_732 {strides = array<i32>} : memref<200x64xf32, #tpu.memory_space<vmem>>, vector<1x16xf32>,
        %mul3A_733 = arith.constant 4 : i32
        %mul3A_734 = arith.muli %scan3A_572, %mul3A_733 : i32
        %add3A_735 = arith.constant 2 : i32
        %add3A_736 = arith.addi %mul3A_734, %add3A_735 : i32
        %get3A_737 = arith.index_cast %add3A_736 : i32 to index
        %get3A_738 = arith.constant 0 : index
        %get3A_739 = tpu.vector_load %arg9[%get3A_737, %get3A_738] {strides = array<i32>} : memref<200x64xf32, #tpu.memory_space<vmem>>, vector<1x16xf32>,
        %get3A_740 = vector.shape_cast %get3A_739 : vector<1x16xf32> to vector<16xf32>
        %mul3A_741 = arith.constant 8.000000e+00 : f32
        %mul3A_742 = vector.broadcast %mul3A_741 : f32 to vector<16xf32>
        %mul3A_743 = arith.mulf %get3A_740, %mul3A_742 : vector<16xf32>
        %mul3A_744 = arith.constant 4 : i32
        %mul3A_745 = arith.muli %scan3A_572, %mul3A_744 : i32
        %add3A_746 = arith.constant 2 : i32
        %add3A_747 = arith.addi %mul3A_745, %add3A_746 : i32
        %swap3A_748 = arith.index_cast %add3A_747 : i32 to index
        %swap3A_749 = arith.constant 0 : index
        %swap3A_750 = tpu.vector_load %arg9[%swap3A_748, %swap3A_749] {strides = array<i32>} : memref<200x64xf32, #tpu.memory_space<vmem>>, vector<1x16xf32>,
        %swap3A_751 = vector.shape_cast %swap3A_750 : vector<1x16xf32> to vector<16xf32>
        %swap3A_752 = vector.shape_cast %mul3A_743 : vector<16xf32> to vector<1x16xf32>
        tpu.vector_store %arg9[%swap3A_748, %swap3A_749], %swap3A_752 {strides = array<i32>} : memref<200x64xf32, #tpu.memory_space<vmem>>, vector<1x16xf32>,
        %mul3A_753 = arith.constant 4 : i32
        %mul3A_754 = arith.muli %scan3A_572, %mul3A_753 : i32
        %add3A_755 = arith.constant 2 : i32
        %add3A_756 = arith.addi %mul3A_754, %add3A_755 : i32
        %get3A_757 = arith.index_cast %add3A_756 : i32 to index
        %get3A_758 = arith.constant 16 : index
        %get3A_759 = tpu.vector_load %arg9[%get3A_757, %get3A_758] {strides = array<i32>} : memref<200x64xf32, #tpu.memory_space<vmem>>, vector<1x16xf32>,
        %get3A_760 = vector.shape_cast %get3A_759 : vector<1x16xf32> to vector<16xf32>
        %mul3A_761 = arith.constant 8.000000e+00 : f32
        %mul3A_762 = vector.broadcast %mul3A_761 : f32 to vector<16xf32>
        %mul3A_763 = arith.mulf %get3A_760, %mul3A_762 : vector<16xf32>
        %mul3A_764 = arith.constant 4 : i32
        %mul3A_765 = arith.muli %scan3A_572, %mul3A_764 : i32
        %add3A_766 = arith.constant 2 : i32
        %add3A_767 = arith.addi %mul3A_765, %add3A_766 : i32
        %swap3A_768 = arith.index_cast %add3A_767 : i32 to index
        %swap3A_769 = arith.constant 16 : index
        %swap3A_770 = tpu.vector_load %arg9[%swap3A_768, %swap3A_769] {strides = array<i32>} : memref<200x64xf32, #tpu.memory_space<vmem>>, vector<1x16xf32>,
        %swap3A_771 = vector.shape_cast %swap3A_770 : vector<1x16xf32> to vector<16xf32>
        %swap3A_772 = vector.shape_cast %mul3A_763 : vector<16xf32> to vector<1x16xf32>
        tpu.vector_store %arg9[%swap3A_768, %swap3A_769], %swap3A_772 {strides = array<i32>} : memref<200x64xf32, #tpu.memory_space<vmem>>, vector<1x16xf32>,
        %mul3A_773 = arith.constant 4 : i32
        %mul3A_774 = arith.muli %scan3A_572, %mul3A_773 : i32
        %add3A_775 = arith.constant 2 : i32
        %add3A_776 = arith.addi %mul3A_774, %add3A_775 : i32
        %get3A_777 = arith.index_cast %add3A_776 : i32 to index
        %get3A_778 = arith.constant 32 : index
        %get3A_779 = tpu.vector_load %arg9[%get3A_777, %get3A_778] {strides = array<i32>} : memref<200x64xf32, #tpu.memory_space<vmem>>, vector<1x16xf32>,
        %get3A_780 = vector.shape_cast %get3A_779 : vector<1x16xf32> to vector<16xf32>
        %mul3A_781 = arith.constant 8.000000e+00 : f32
        %mul3A_782 = vector.broadcast %mul3A_781 : f32 to vector<16xf32>
        %mul3A_783 = arith.mulf %get3A_780, %mul3A_782 : vector<16xf32>
        %mul3A_784 = arith.constant 4 : i32
        %mul3A_785 = arith.muli %scan3A_572, %mul3A_784 : i32
        %add3A_786 = arith.constant 2 : i32
        %add3A_787 = arith.addi %mul3A_785, %add3A_786 : i32
        %swap3A_788 = arith.index_cast %add3A_787 : i32 to index
        %swap3A_789 = arith.constant 32 : index
        %swap3A_790 = tpu.vector_load %arg9[%swap3A_788, %swap3A_789] {strides = array<i32>} : memref<200x64xf32, #tpu.memory_space<vmem>>, vector<1x16xf32>,
        %swap3A_791 = vector.shape_cast %swap3A_790 : vector<1x16xf32> to vector<16xf32>
        %swap3A_792 = vector.shape_cast %mul3A_783 : vector<16xf32> to vector<1x16xf32>
        tpu.vector_store %arg9[%swap3A_788, %swap3A_789], %swap3A_792 {strides = array<i32>} : memref<200x64xf32, #tpu.memory_space<vmem>>, vector<1x16xf32>,
        %mul3A_793 = arith.constant 4 : i32
        %mul3A_794 = arith.muli %scan3A_572, %mul3A_793 : i32
        %add3A_795 = arith.constant 2 : i32
        %add3A_796 = arith.addi %mul3A_794, %add3A_795 : i32
        %get3A_797 = arith.index_cast %add3A_796 : i32 to index
        %get3A_798 = arith.constant 48 : index
        %get3A_799 = tpu.vector_load %arg9[%get3A_797, %get3A_798] {strides = array<i32>} : memref<200x64xf32, #tpu.memory_space<vmem>>, vector<1x16xf32>,
        %get3A_800 = vector.shape_cast %get3A_799 : vector<1x16xf32> to vector<16xf32>
        %mul3A_801 = arith.constant 8.000000e+00 : f32
        %mul3A_802 = vector.broadcast %mul3A_801 : f32 to vector<16xf32>
        %mul3A_803 = arith.mulf %get3A_800, %mul3A_802 : vector<16xf32>
        %mul3A_804 = arith.constant 4 : i32
        %mul3A_805 = arith.muli %scan3A_572, %mul3A_804 : i32
        %add3A_806 = arith.constant 2 : i32
        %add3A_807 = arith.addi %mul3A_805, %add3A_806 : i32
        %swap3A_808 = arith.index_cast %add3A_807 : i32 to index
        %swap3A_809 = arith.constant 48 : index
        %swap3A_810 = tpu.vector_load %arg9[%swap3A_808, %swap3A_809] {strides = array<i32>} : memref<200x64xf32, #tpu.memory_space<vmem>>, vector<1x16xf32>,
        %swap3A_811 = vector.shape_cast %swap3A_810 : vector<1x16xf32> to vector<16xf32>
        %swap3A_812 = vector.shape_cast %mul3A_803 : vector<16xf32> to vector<1x16xf32>
        tpu.vector_store %arg9[%swap3A_808, %swap3A_809], %swap3A_812 {strides = array<i32>} : memref<200x64xf32, #tpu.memory_space<vmem>>, vector<1x16xf32>,
        %mul3A_813 = arith.constant 4 : i32
        %mul3A_814 = arith.muli %scan3A_572, %mul3A_813 : i32
        %add3A_815 = arith.constant 3 : i32
        %add3A_816 = arith.addi %mul3A_814, %add3A_815 : i32
        %get3A_817 = arith.index_cast %add3A_816 : i32 to index
        %get3A_818 = arith.constant 0 : index
        %get3A_819 = tpu.vector_load %arg9[%get3A_817, %get3A_818] {strides = array<i32>} : memref<200x64xf32, #tpu.memory_space<vmem>>, vector<1x16xf32>,
        %get3A_820 = vector.shape_cast %get3A_819 : vector<1x16xf32> to vector<16xf32>
        %mul3A_821 = arith.constant 8.000000e+00 : f32
        %mul3A_822 = vector.broadcast %mul3A_821 : f32 to vector<16xf32>
        %mul3A_823 = arith.mulf %get3A_820, %mul3A_822 : vector<16xf32>
        %mul3A_824 = arith.constant 4 : i32
        %mul3A_825 = arith.muli %scan3A_572, %mul3A_824 : i32
        %add3A_826 = arith.constant 3 : i32
        %add3A_827 = arith.addi %mul3A_825, %add3A_826 : i32
        %swap3A_828 = arith.index_cast %add3A_827 : i32 to index
        %swap3A_829 = arith.constant 0 : index
        %swap3A_830 = tpu.vector_load %arg9[%swap3A_828, %swap3A_829] {strides = array<i32>} : memref<200x64xf32, #tpu.memory_space<vmem>>, vector<1x16xf32>,
        %swap3A_831 = vector.shape_cast %swap3A_830 : vector<1x16xf32> to vector<16xf32>
        %swap3A_832 = vector.shape_cast %mul3A_823 : vector<16xf32> to vector<1x16xf32>
        tpu.vector_store %arg9[%swap3A_828, %swap3A_829], %swap3A_832 {strides = array<i32>} : memref<200x64xf32, #tpu.memory_space<vmem>>, vector<1x16xf32>,
        %mul3A_833 = arith.constant 4 : i32
        %mul3A_834 = arith.muli %scan3A_572, %mul3A_833 : i32
        %add3A_835 = arith.constant 3 : i32
        %add3A_836 = arith.addi %mul3A_834, %add3A_835 : i32
        %get3A_837 = arith.index_cast %add3A_836 : i32 to index
        %get3A_838 = arith.constant 16 : index
        %get3A_839 = tpu.vector_load %arg9[%get3A_837, %get3A_838] {strides = array<i32>} : memref<200x64xf32, #tpu.memory_space<vmem>>, vector<1x16xf32>,
        %get3A_840 = vector.shape_cast %get3A_839 : vector<1x16xf32> to vector<16xf32>
        %mul3A_841 = arith.constant 8.000000e+00 : f32
        %mul3A_842 = vector.broadcast %mul3A_841 : f32 to vector<16xf32>
        %mul3A_843 = arith.mulf %get3A_840, %mul3A_842 : vector<16xf32>
        %mul3A_844 = arith.constant 4 : i32
        %mul3A_845 = arith.muli %scan3A_572, %mul3A_844 : i32
        %add3A_846 = arith.constant 3 : i32
        %add3A_847 = arith.addi %mul3A_845, %add3A_846 : i32
        %swap3A_848 = arith.index_cast %add3A_847 : i32 to index
        %swap3A_849 = arith.constant 16 : index
        %swap3A_850 = tpu.vector_load %arg9[%swap3A_848, %swap3A_849] {strides = array<i32>} : memref<200x64xf32, #tpu.memory_space<vmem>>, vector<1x16xf32>,
        %swap3A_851 = vector.shape_cast %swap3A_850 : vector<1x16xf32> to vector<16xf32>
        %swap3A_852 = vector.shape_cast %mul3A_843 : vector<16xf32> to vector<1x16xf32>
        tpu.vector_store %arg9[%swap3A_848, %swap3A_849], %swap3A_852 {strides = array<i32>} : memref<200x64xf32, #tpu.memory_space<vmem>>, vector<1x16xf32>,
        %mul3A_853 = arith.constant 4 : i32
        %mul3A_854 = arith.muli %scan3A_572, %mul3A_853 : i32
        %add3A_855 = arith.constant 3 : i32
        %add3A_856 = arith.addi %mul3A_854, %add3A_855 : i32
        %get3A_857 = arith.index_cast %add3A_856 : i32 to index
        %get3A_858 = arith.constant 32 : index
        %get3A_859 = tpu.vector_load %arg9[%get3A_857, %get3A_858] {strides = array<i32>} : memref<200x64xf32, #tpu.memory_space<vmem>>, vector<1x16xf32>,
        %get3A_860 = vector.shape_cast %get3A_859 : vector<1x16xf32> to vector<16xf32>
        %mul3A_861 = arith.constant 8.000000e+00 : f32
        %mul3A_862 = vector.broadcast %mul3A_861 : f32 to vector<16xf32>
        %mul3A_863 = arith.mulf %get3A_860, %mul3A_862 : vector<16xf32>
        %mul3A_864 = arith.constant 4 : i32
        %mul3A_865 = arith.muli %scan3A_572, %mul3A_864 : i32
        %add3A_866 = arith.constant 3 : i32
        %add3A_867 = arith.addi %mul3A_865, %add3A_866 : i32
        %swap3A_868 = arith.index_cast %add3A_867 : i32 to index
        %swap3A_869 = arith.constant 32 : index
        %swap3A_870 = tpu.vector_load %arg9[%swap3A_868, %swap3A_869] {strides = array<i32>} : memref<200x64xf32, #tpu.memory_space<vmem>>, vector<1x16xf32>,
        %swap3A_871 = vector.shape_cast %swap3A_870 : vector<1x16xf32> to vector<16xf32>
        %swap3A_872 = vector.shape_cast %mul3A_863 : vector<16xf32> to vector<1x16xf32>
        tpu.vector_store %arg9[%swap3A_868, %swap3A_869], %swap3A_872 {strides = array<i32>} : memref<200x64xf32, #tpu.memory_space<vmem>>, vector<1x16xf32>,
        %mul3A_873 = arith.constant 4 : i32
        %mul3A_874 = arith.muli %scan3A_572, %mul3A_873 : i32
        %add3A_875 = arith.constant 3 : i32
        %add3A_876 = arith.addi %mul3A_874, %add3A_875 : i32
        %get3A_877 = arith.index_cast %add3A_876 : i32 to index
        %get3A_878 = arith.constant 48 : index
        %get3A_879 = tpu.vector_load %arg9[%get3A_877, %get3A_878] {strides = array<i32>} : memref<200x64xf32, #tpu.memory_space<vmem>>, vector<1x16xf32>,
        %get3A_880 = vector.shape_cast %get3A_879 : vector<1x16xf32> to vector<16xf32>
        %mul3A_881 = arith.constant 8.000000e+00 : f32
        %mul3A_882 = vector.broadcast %mul3A_881 : f32 to vector<16xf32>
        %mul3A_883 = arith.mulf %get3A_880, %mul3A_882 : vector<16xf32>
        %mul3A_884 = arith.constant 4 : i32
        %mul3A_885 = arith.muli %scan3A_572, %mul3A_884 : i32
        %add3A_886 = arith.constant 3 : i32
        %add3A_887 = arith.addi %mul3A_885, %add3A_886 : i32
        %swap3A_888 = arith.index_cast %add3A_887 : i32 to index
        %swap3A_889 = arith.constant 48 : index
        %swap3A_890 = tpu.vector_load %arg9[%swap3A_888, %swap3A_889] {strides = array<i32>} : memref<200x64xf32, #tpu.memory_space<vmem>>, vector<1x16xf32>,
        %swap3A_891 = vector.shape_cast %swap3A_890 : vector<1x16xf32> to vector<16xf32>
        %swap3A_892 = vector.shape_cast %mul3A_883 : vector<16xf32> to vector<1x16xf32>
        tpu.vector_store %arg9[%swap3A_888, %swap3A_889], %swap3A_892 {strides = array<i32>} : memref<200x64xf32, #tpu.memory_space<vmem>>, vector<1x16xf32>,
      }
      %scan3A_242 = arith.constant 50 : i32
      %add3A_243 = arith.addi %mul3A_2, %add3A_211 : i32
      %dma_start3A_244 = arith.constant 0 : i32
      %dma_start3A_245 = arith.constant 0 : i32
      %dma_start3A_246 = tpu.memref_slice %arg4[%add3A_243, %dma_start3A_244, %dma_start3A_245] : memref<4096x200x64xf32, #tpu.memory_space<hbm>> -> memref<1x200x64xf32, #tpu.memory_space<hbm>>
      %dma_start3A_247 = tpu.memref_squeeze %dma_start3A_246 : memref<1x200x64xf32, #tpu.memory_space<hbm>> -> memref<200x64xf32, #tpu.memory_space<hbm>>
      %dma_start3A_248 = arith.constant 0 : i32
      %dma_start3A_249 = arith.constant 0 : i32
      %dma_start3A_250 = tpu.memref_slice %arg4[%add3A_243, %dma_start3A_248, %dma_start3A_249] : memref<4096x200x64xf32, #tpu.memory_space<hbm>> -> memref<1x200x64xf32, #tpu.memory_space<hbm>>
      %dma_start3A_251 = tpu.memref_squeeze %dma_start3A_250 : memref<1x200x64xf32, #tpu.memory_space<hbm>> -> memref<200x64xf32, #tpu.memory_space<hbm>>
      tpu.enqueue_dma source(%arg9 : memref<200x64xf32, #tpu.memory_space<vmem>>) target(%dma_start3A_251 : memref<200x64xf32, #tpu.memory_space<hbm>>) target_semaphore(%arg17 : memref<!tpu.dma_semaphore, #tpu.memory_space<semaphore_mem>>)
    }
    %scan3A_46 = arith.constant 32 : i32
    %dma_wait3A = arith.constant 0 : i32
    %dma_wait3A_47 = arith.constant 0 : i32
    %dma_wait3A_48 = tpu.memref_slice %arg4[%mul3A_2, %dma_wait3A, %dma_wait3A_47] : memref<4096x200x64xf32, #tpu.memory_space<hbm>> -> memref<1x200x64xf32, #tpu.memory_space<hbm>>
    %dma_wait3A_49 = tpu.memref_squeeze %dma_wait3A_48 : memref<1x200x64xf32, #tpu.memory_space<hbm>> -> memref<200x64xf32, #tpu.memory_space<hbm>>
    %dma_wait3A_50 = arith.constant 0 : i32
    %dma_wait3A_51 = arith.constant 0 : i32
    %dma_wait3A_52 = tpu.memref_slice %arg4[%mul3A_2, %dma_wait3A_50, %dma_wait3A_51] : memref<4096x200x64xf32, #tpu.memory_space<hbm>> -> memref<1x200x64xf32, #tpu.memory_space<hbm>>
    %dma_wait3A_53 = tpu.memref_squeeze %dma_wait3A_52 : memref<1x200x64xf32, #tpu.memory_space<hbm>> -> memref<200x64xf32, #tpu.memory_space<hbm>>
    tpu.wait_dma2 semaphore(%arg14 : memref<!tpu.dma_semaphore, #tpu.memory_space<semaphore_mem>>) src(%arg6 : memref<200x64xf32, #tpu.memory_space<vmem>>) dst(%dma_wait3A_53 : memref<200x64xf32, #tpu.memory_space<hbm>>)
    %dma_wait3A_54 = arith.constant 0 : i32
    %dma_wait3A_55 = arith.constant 0 : i32
    %dma_wait3A_56 = tpu.memref_slice %arg4[%mul3A_2, %dma_wait3A_54, %dma_wait3A_55] : memref<4096x200x64xf32, #tpu.memory_space<hbm>> -> memref<1x200x64xf32, #tpu.memory_space<hbm>>
    %dma_wait3A_57 = tpu.memref_squeeze %dma_wait3A_56 : memref<1x200x64xf32, #tpu.memory_space<hbm>> -> memref<200x64xf32, #tpu.memory_space<hbm>>
    %dma_wait3A_58 = arith.constant 0 : i32
    %dma_wait3A_59 = arith.constant 0 : i32
    %dma_wait3A_60 = tpu.memref_slice %arg4[%mul3A_2, %dma_wait3A_58, %dma_wait3A_59] : memref<4096x200x64xf32, #tpu.memory_space<hbm>> -> memref<1x200x64xf32, #tpu.memory_space<hbm>>
    %dma_wait3A_61 = tpu.memref_squeeze %dma_wait3A_60 : memref<1x200x64xf32, #tpu.memory_space<hbm>> -> memref<200x64xf32, #tpu.memory_space<hbm>>
    tpu.wait_dma2 semaphore(%arg15 : memref<!tpu.dma_semaphore, #tpu.memory_space<semaphore_mem>>) src(%arg7 : memref<200x64xf32, #tpu.memory_space<vmem>>) dst(%dma_wait3A_61 : memref<200x64xf32, #tpu.memory_space<hbm>>)
    %dma_wait3A_62 = arith.constant 0 : i32
    %dma_wait3A_63 = arith.constant 0 : i32
    %dma_wait3A_64 = tpu.memref_slice %arg4[%mul3A_2, %dma_wait3A_62, %dma_wait3A_63] : memref<4096x200x64xf32, #tpu.memory_space<hbm>> -> memref<1x200x64xf32, #tpu.memory_space<hbm>>
    %dma_wait3A_65 = tpu.memref_squeeze %dma_wait3A_64 : memref<1x200x64xf32, #tpu.memory_space<hbm>> -> memref<200x64xf32, #tpu.memory_space<hbm>>
    %dma_wait3A_66 = arith.constant 0 : i32
    %dma_wait3A_67 = arith.constant 0 : i32
    %dma_wait3A_68 = tpu.memref_slice %arg4[%mul3A_2, %dma_wait3A_66, %dma_wait3A_67] : memref<4096x200x64xf32, #tpu.memory_space<hbm>> -> memref<1x200x64xf32, #tpu.memory_space<hbm>>
    %dma_wait3A_69 = tpu.memref_squeeze %dma_wait3A_68 : memref<1x200x64xf32, #tpu.memory_space<hbm>> -> memref<200x64xf32, #tpu.memory_space<hbm>>
    tpu.wait_dma2 semaphore(%arg16 : memref<!tpu.dma_semaphore, #tpu.memory_space<semaphore_mem>>) src(%arg8 : memref<200x64xf32, #tpu.memory_space<vmem>>) dst(%dma_wait3A_69 : memref<200x64xf32, #tpu.memory_space<hbm>>)
    %dma_wait3A_70 = arith.constant 0 : i32
    %dma_wait3A_71 = arith.constant 0 : i32
    %dma_wait3A_72 = tpu.memref_slice %arg4[%mul3A_2, %dma_wait3A_70, %dma_wait3A_71] : memref<4096x200x64xf32, #tpu.memory_space<hbm>> -> memref<1x200x64xf32, #tpu.memory_space<hbm>>
    %dma_wait3A_73 = tpu.memref_squeeze %dma_wait3A_72 : memref<1x200x64xf32, #tpu.memory_space<hbm>> -> memref<200x64xf32, #tpu.memory_space<hbm>>
    %dma_wait3A_74 = arith.constant 0 : i32
    %dma_wait3A_75 = arith.constant 0 : i32
    %dma_wait3A_76 = tpu.memref_slice %arg4[%mul3A_2, %dma_wait3A_74, %dma_wait3A_75] : memref<4096x200x64xf32, #tpu.memory_space<hbm>> -> memref<1x200x64xf32, #tpu.memory_space<hbm>>
    %dma_wait3A_77 = tpu.memref_squeeze %dma_wait3A_76 : memref<1x200x64xf32, #tpu.memory_space<hbm>> -> memref<200x64xf32, #tpu.memory_space<hbm>>
    tpu.wait_dma2 semaphore(%arg17 : memref<!tpu.dma_semaphore, #tpu.memory_space<semaphore_mem>>) src(%arg9 : memref<200x64xf32, #tpu.memory_space<vmem>>) dst(%dma_wait3A_77 : memref<200x64xf32, #tpu.memory_space<hbm>>)
    return
  }
}

</mosaic_0001>

<sc_bundles>
// kernel: _gather_scale.3.cloned.1.call-start
scs
__scs_entry_jumppad:
0x0: {  	(pc) =	sbr.rel $0x88, $3  }
0x1: {  	(tag) =	ssettag $0x0;
	lr =	simm.s32 $0x1  }
0x2: {  	[smem:$0x3F9F] =	sst lr;
	_ =	strace $0xD0000000  }
0x3: {  	_ = 	snop  }
0x4: {  	_ = 	snop  }
0x5: {  	_ = 	snop  }
0x6: {  	_ = 	snop  }
0x7: {  	_ = 	snop  }
__scs_overlays_trampoline_lowered:
0x8: {  	[smem:$0x3FAE] =	sst s0  }
0x9: {  	[smem:$0x3FAF] =	sst s1  }
0xa: {  	[smem:$0x3FB0] =	sst s2  }
0xb: {  	[smem:$0x3FB1] =	sst s3  }
0xc: {  	[smem:$0x3FB2] =	sst s4  }
0xd: {  	[smem:$0x3FB3] =	sst s5  }
0xe: {  	[smem:$0x3FB4] =	sst s6  }
0xf: {  	[smem:$0x3FB5] =	sst s7  }
0x10: {  	[smem:$0x3FB6] =	sst s8  }
0x11: {  	[smem:$0x3FB7] =	sst s9;
	s0 =	simm.s32 @!p0 $0x0  }
0x12: {  	s1 =	sld [smem:$0x3F9D];
	s0 =	simm.s32 @p0 $0x1  }
0x13: {  	[smem:$0x3FB8] =	sst s0;
	s0 =	simm.s32 @!p1 $0x0  }
0x14: {  	s2 =	sld [smem:$0x3F9C];
	s0 =	simm.s32 @p1 $0x1  }
0x15: {  	[smem:$0x3FB9] =	sst s0;
	s0 =	simm.s32 @!p2 $0x0  }
0x16: {  	s3 =	sld [smem:$0x3FDB];
	s0 =	simm.s32 @p2 $0x1  }
0x17: {  	s4 =	simm.s32 $0x1BF5;
	[smem:$0x3FBB] =	sst s0  }
0x18: {  	s0 =	sld [smem:$0x3F9E];
	_ =	swait.ge [sflag:s4], $0x0  }
0x19: {  	s7 =	sld [smem:$0x3F9F]  }
0x1a: {  	s8 =	sadd.s32 $0xFFFFE003, lr  }
0x1b: {  	s9 =	sadd.s32 $0xFFFFFEF7, lr;
	s5 =	simm.s32 $0xFFFFFFFF;
	p2 =	slt.u32 s8, $0xFFFFF086  }
0x1c: {  	p1 =	slt.u32 s9, $0xF7A;
	s5 =	simm.s32 @!p2 $0x0  }
0x1d: {  	s5 =	simm.s32 @p1 $0x1;
	p0 =	seq.s32 s7, s2  }
0x1e: {  	s7 =	smul.u32 @!p0 $0xF7A, s2;
	p2 =	seq.s32 @!p0 s5, $0x0  }
0x1f: {  	s9 =	smul.u32 $0xF7A, s1;
	s8 =	simm.s32 @!p0 $0x1BF5;
	p2 =	por !p2, p0  }
0x20: {  	[sflag:s8] =	ssyncset.s32 @!p0 $0xFFFFF086;
	s6 =	sadd.s32 @!p0 s3, s7;
	s7 =	simm.s32 @!p0 $0x108  }
0x21: {  	s3 =	sadd.s32 s3, s9;
	s6 =	sadd.s32 @!p0 $0x88, s6;
	s7 =	simm.s32 @p2 $0x1082  }
0x22: {  	[simem:s7], [sflag:s8] =	dma.local @!p0 [hbm:s6], $0xF7A  }
0x23: {  	s9 =	sor.u32 $0xD0000000, s2;
	s6 =	simm.s32 $0x108;
	_ =	swait.ge @!p0 [sflag:s8], $0x0  }
0x24: {  	s3 =	sadd.s32 $0x88, s3;
	s6 =	simm.s32 @!p1 $0x1082;
	[sflag:s4] =	ssyncset.s32 $0xFFFFF086  }
0x25: {  	[simem:s6], [sflag:s4] =	dma.local [hbm:s3], $0xF7A  }
0x26: {  	[smem:$0x3F9F] =	sst s1;
	(tag) =	ssettag s2;
	_ =	strace s9  }
0x27: {  	s1 =	sld [smem:$0x3FAF]  }
0x28: {  	s2 =	sld [smem:$0x3FB0]  }
0x29: {  	s4 =	sld [smem:$0x3FB2]  }
0x2a: {  	p0 =	seq.s32 s5, $0x0;
	s5 =	sld [smem:$0x3FB3]  }
0x2b: {  	s6 =	sld [smem:$0x3FB4]  }
0x2c: {  	s7 =	sld [smem:$0x3FB5]  }
0x2d: {  	s3 =	simm.s32 $0x108;
	s8 =	sld [smem:$0x3FB6]  }
0x2e: {  	s3 =	simm.s32 @!p0 $0x1082;
	s9 =	sld [smem:$0x3FB7]  }
0x2f: {  	lr =	sadd.s32 s0, s3;
	s0 =	sld [smem:$0x3FAE]  }
0x30: {  	s3 =	sld [smem:$0x3FB1]  }
0x31: {  	[smem:$0x3FBA] =	sst s10  }
0x32: {  	s10 =	sld [smem:$0x3FB8];
	_ =	sdelay $0x3  }
0x33: {  	p0 =	seq.s32 s10, $0x1;
	s10 =	sld [smem:$0x3FBA];
	_ =	sdelay $0x3  }
0x34: {  	[smem:$0x3FBA] =	sst s10  }
0x35: {  	s10 =	sld [smem:$0x3FB9];
	_ =	sdelay $0x3  }
0x36: {  	p1 =	seq.s32 s10, $0x1;
	s10 =	sld [smem:$0x3FBA];
	_ =	sdelay $0x3  }
0x37: {  	[smem:$0x3FBA] =	sst s10  }
0x38: {  	s10 =	sld [smem:$0x3FBB]  }
0x39: {  	_ = 	snop;
	(pc) =	sbr.ind lr, $3  }
0x3a: {  	_ = 	snop  }
0x3b: {  	_ = 	snop  }
0x3c: {  	p2 =	seq.s32 s10, $0x1;
	s10 =	sld [smem:$0x3FBA]  }
0x3d: {  	_ =	shalt  }
0x3e: {  	_ =	shalt  }
0x3f: {  	_ =	shalt  }
0x40: {  	_ =	shalt  }
0x41: {  	_ =	shalt  }
0x42: {  	_ =	shalt  }
0x43: {  	_ =	shalt  }
0x44: {  	_ =	shalt  }
0x45: {  	_ =	shalt  }
0x46: {  	_ =	shalt  }
0x47: {  	_ =	shalt  }
0x48: {  	_ =	shalt  }
0x49: {  	_ =	shalt  }
0x4a: {  	_ =	shalt  }
0x4b: {  	_ =	shalt  }
0x4c: {  	_ =	shalt  }
0x4d: {  	_ =	shalt  }
0x4e: {  	_ =	shalt  }
0x4f: {  	_ =	shalt  }
0x50: {  	_ =	shalt  }
0x51: {  	_ =	shalt  }
0x52: {  	_ =	shalt  }
0x53: {  	_ =	shalt  }
0x54: {  	_ =	shalt  }
0x55: {  	_ =	shalt  }
0x56: {  	_ =	shalt  }
0x57: {  	_ =	shalt  }
0x58: {  	_ =	shalt  }
0x59: {  	_ =	shalt  }
0x5a: {  	_ =	shalt  }
0x5b: {  	_ =	shalt  }
0x5c: {  	_ =	shalt  }
0x5d: {  	_ =	shalt  }
0x5e: {  	_ =	shalt  }
0x5f: {  	_ =	shalt  }
0x60: {  	_ =	shalt  }
0x61: {  	_ =	shalt  }
0x62: {  	_ =	shalt  }
0x63: {  	_ =	shalt  }
0x64: {  	_ =	shalt  }
0x65: {  	_ =	shalt  }
0x66: {  	_ =	shalt  }
0x67: {  	_ =	shalt  }
0x68: {  	_ =	shalt  }
0x69: {  	_ =	shalt  }
0x6a: {  	_ =	shalt  }
0x6b: {  	_ =	shalt  }
0x6c: {  	_ =	shalt  }
0x6d: {  	_ =	shalt  }
0x6e: {  	_ =	shalt  }
0x6f: {  	_ =	shalt  }
0x70: {  	_ =	shalt  }
0x71: {  	_ =	shalt  }
0x72: {  	_ =	shalt  }
0x73: {  	_ =	shalt  }
0x74: {  	_ =	shalt  }
0x75: {  	_ =	shalt  }
0x76: {  	_ =	shalt  }
0x77: {  	_ =	shalt  }
0x78: {  	_ =	shalt  }
0x79: {  	_ =	shalt  }
0x7a: {  	_ =	shalt  }
0x7b: {  	_ =	shalt  }
0x7c: {  	_ =	shalt  }
0x7d: {  	_ =	shalt  }
0x7e: {  	_ =	shalt  }
0x7f: {  	_ =	shalt  }
0x80: {  	_ =	shalt  }
0x81: {  	_ =	shalt  }
0x82: {  	_ =	shalt  }
0x83: {  	_ =	shalt  }
0x84: {  	_ =	shalt  }
0x85: {  	_ =	shalt  }
0x86: {  	_ =	shalt  }
0x87: {  	_ =	shalt  }
.Lfunc_end0:
.L_simem_size_0:
called_computation.1_lowered:
.L_overlay_start_0:
0x88: {  	s2 =	sld [smem:$0x3FD9]  }
0x89: {  	s3 =	sld [smem:$0x3FFE];
	_ =	sdelay $0x1  }
0x8a: {  	s1 =	srdreg.scid  }
0x8b: {  	s0 =	sand.u32 $0x1, s1  }
0x8c: {  	s17 =	sshll.u32 s0, $0xA;
	s2 =	sadd.s32 s3, s2  }
0x8d: {  	s2 =	sadd.s32 s2, s17  }
0x8e: {  	[smem:$0x3FC6] =	sst s2  }
0x8f: {  	_ = 	snop  }
0x90: {  	s2 =	sld [smem:$0x3FD0];
	(tm) =	ssettm $0x1  }
0x91: {  	s18 =	sld [smem:$0x3FFB];
	_ =	sdelay $0x3  }
0x92: {  	_ =	strace s18  }
0x93: {  	s3 =	sld [smem:$0x3FFC];
	_ =	sdelay $0x3  }
0x94: {  	_ =	strace s3  }
0x95: {  	s3 =	sld [smem:$0x3FFD];
	_ =	sdelay $0x3  }
0x96: {  	_ =	strace s3  }
0x97: {  	_ =	strace $0x8FFFFFFF  }
0x98: {  	s19 =	sld [smem:$0x3FDB];
	_ =	sdelay $0x1  }
0x99: {  	s4 =	simm.s32 $_scs_section_size  }
0x9a: {  	s5 =	simm.s32 $_size__tile_overlayer_lowered;
	s6 =	simm.s32 $_tile_overlayer_lowered  }
0x9b: {  	s22 =	simm.s32 $0x1BFF;
	s21 =	sshll.u32 s6, $0x1;
	s3 =	sadd.s32 s4, s19  }
0x9c: {  	s7 =	simm.s32 $0x0;
	s20 =	sshll.u32 s5, $0x1;
	s5 =	sadd.s32 s21, s3  }
0x9d: {  	[timem:s7], [sflag:s22] =	dma.local [hbm:s5], s20  }
0x9e: {  	_ =	swait.ge [sflag:s22], s20  }
0x9f: {  	s4 =	ssub.s32 $0x0, s20;
	[sflag:s22] =	ssyncset.done $0x0  }
0xa0: {  	[sflag:s22] =	ssyncadd.s32 s4;
	_ =	sdelay $0x1  }
0xa1: {  	s23 =	simm.s32 $0x1B8B  }
0xa2: {  	_ =	swait.ge [sflag:s23], $0x1  }
0xa3: {  	[sflag:s23] =	ssyncset.done $0x0  }
0xa4: {  	s25 =	simm.s32 $0x1B8E;
	s24 =	sld [smem:$0x3FFE];
	[sflag:s23] =	ssyncadd.s32 $0xFFFFFFFF  }
0xa5: {  	s26 =	simm.s32 $execute0_lowered;
	[smem:$0x3FD2] =	sst s25  }
0xa6: {  	s5 =	sshll.u32 s26, $0x1;
	_ =	strace $0x80000046;
	[dreg:$0x1] =	wrdreg $0xFFFFFFFF  }
0xa7: {  	s28 =	simm.s32 $_size_execute0_lowered;
	s3 =	sadd.s32 s3, s5;
	[dreg:$0x0] =	wrdreg $0x0  }
0xa8: {  	s5 =	sshll.u32 s28, $0x1;
	[dreg:$0x2] =	wrdreg s3  }
0xa9: {  	[dreg:$0x3] =	wrdreg s5  }
0xaa: {  	[dreg:$0x4] =	wrdreg $0xC0  }
0xab: {  	_ =	task [dreg:s7], $0x5FFFF  }
0xac: {  	[dreg:$0x1] =	wrdreg $0xFFFFFFFF  }
0xad: {  	[dreg:$0x0] =	wrdreg $0x60  }
0xae: {  	[dreg:$0x2] =	wrdreg s24  }
0xaf: {  	[dreg:$0x3] =	wrdreg s2  }
0xb0: {  	[dreg:$0x4] =	wrdreg $0x9  }
0xb1: {  	_ =	task.clear_ibuf [dreg:s7], $0x5FFFF;
	_ =	strace $0x90000046  }
0xb2: {  	s29 =	simm.s32 $0x9;
	_ =	strace $0x80000048  }
0xb3: {  	_ =	swait.ge [sflag:s29], $0x1  }
0xb4: {  	[sflag:s29] =	ssyncadd.s32 $0xFFFFFFFF  }
0xb5: {  	_ =	strace $0x90000048  }
0xb6: {  	_ =	sfence  }
0xb7: {  	s30 =	sld [smem:$0x0];
	_ =	sdelay $0x2  }
0xb8: {  	s31 =	sshll.u32 s1, $0xD;
	s1 =	sshrl.u32 s1, $0x2  }
0xb9: {  	s3 =	sand.u32 $0x4000, s31;
	s1 =	sadd.s32 s1, s30  }
0xba: {  	s0 =	sor.u32 s3, s0;
	s1 =	sshll.u32 s1, $0x11  }
0xbb: {  	s0 =	sor.u32 s1, s0  }
0xbc: {  	s0 =	sadd.s32 $0x8F2B, s0  }
0xbd: {  	[sflag:s0] =	ssyncadd.remote.s32 $0x1  }
0xbe: {  	_ =	sfence.sel $0xFFFF  }
0xbf: {  	[dreg:$0x0] =	wrdreg $0xFFFFFFFF;
	(pc) =	sbr.abs _section_cstart, $3  }
0xc0: {  	[dreg:$0x1] =	wrdreg $0xFFFFFFFF  }
0xc1: {  	_ =	task.clear_ibuf [dreg:s7], $0x2FFFF;
	_ =	strace $0x9FFFFFFF  }
0xc2: {  	(tm) =	ssettm $0x7FFFFFFF  }
0xc3: {  	_ =	shalt  }
tec
execute0_lowered:
.L_overlay_start_1:
0x0: {  	(tag) =	ssettag $0x1  }
0x1: {  	s0 =	srdreg.scid;
	s1 =	rddreg [dreg:$0x0]  }
0x2: {  	s3 =	stileid.u32;
	s2 =	rddreg [dreg:$0x1]  }
0x3: {  	s8 =	simm.s32 $0x9;
	s9 =	simm.s32 $0x60;
	s10 =	simm.s32 $0x6400  }
0x4: {  	s11 =	simm.s32 $0x68;
	s14 =	simm.s32 $0x9600;
	s17 =	simm.s32 $0xC800  }
0x5: {  	s18 =	simm.s32 $0xE000;
	s19 =	simm.s32 $0x1;
	s20 =	simm.s32 $0xFA00  }
0x6: {  	s21 =	simm.s32 $0x11200;
	s22 =	simm.s32 $0x2;
	s23 =	simm.s32 $0x3  }
0x7: {  	s24 =	simm.s32 $0x4;
	s25 =	simm.s32 $0x5;
	s0 =	sand.u32 $0x1, s0  }
0x8: {  	s26 =	simm.s32 $0x6;
	s4 =	sshll.u32 s3, $0x8;
	s5 =	sshll.u32 s0, $0x7  }
0x9: {  	s28 =	simm.s32 $0x7;
	s29 =	simm.s32 $0x8;
	s4 =	sor.u32 s5, s4  }
0xa: {  	s3 =	simm.s32 $0x0;
	s0 =	ssub.s32 $0x2, s0;
	s6 =	smul.u32 $0x19, s4  }
0xb: {  	s30 =	simm.s32 $0x0;
	[smem:$0x7FF] =	sst s3;
	s7 =	sshrl.u32 s0, $0x1  }
0xc: {  	s5 =	sadd.s32 $0xF42E00, s1;
	s0 =	ssub.s32 s0, s7;
	s1 =	sadd.s32 s6, s1  }
0xd: {  	_ =	strace $0x80000047;
	s7 =	smax.u32 s0, $0x1;
	s6 =	sadd.s32 $0xA00, s1  }
.LBB2_1:
0xe: {  	[tilespmem:s3], [sflag:$0x9] =	stream.linear.gather [hbm4b:s6+s3], $0x6400, $0x38;
	[tilespmem:$0x12C00] =	vst v63  }
0xf: {  	_ =	swait.ge [sflag:s8], $0x6400  }
0x10: {  	[sflag:s8] =	ssyncset.done $0x0  }
0x11: {  	[sflag:s8] =	ssyncadd.s32 $0xFFFF9C00  }
0x12: {  	[tilespmem:s10], [sflag:$0x1] =	stream.indirect.gather [hbm4b:s5+s9], $0x40, s3, s9, $0xb8;
	[tilespmem:$0x12C00] =	vst v63  }
0x13: {  	s0 =	simm.s32 $0x7C00  }
0x14: {  	[tilespmem:s0], [sflag:$0x1] =	stream.indirect.gather [hbm4b:s5+s11], $0x40, s9, s11, $0xb8;
	[tilespmem:$0x12C00] =	vst v63  }
0x15: {  	s15 =	simm.s32 $0xC8  }
0x16: {  	[tilespmem:s14], [sflag:$0x2] =	stream.indirect.gather [hbm4b:s5+s9], $0x40, s15, s9, $0xb8;
	[tilespmem:$0x12C00] =	vst v63  }
0x17: {  	s16 =	simm.s32 $0x128;
	s1 =	simm.s32 $0xAE00;
	s31 =	simm.s32 $0x0  }
0x18: {  	[tilespmem:s1], [sflag:$0x2] =	stream.indirect.gather [hbm4b:s5+s11], $0x40, s16, s11, $0xb8;
	[tilespmem:$0x12C00] =	vst v63  }
.LBB2_2:
0x19: {  	s12 =	sshll.u32 s31, $0x2;
	p0 =	seq.s32 s31, $0x0  }
0x1a: {  	s0 =	sor.u32 $0x2, s12;
	s1 =	simm.s32 @!p0 $0x7  }
0x1b: {  	_ =	swait.ge @!p0 [sflag:s1], $0x3200;
	s13 =	smul.u32 $0x320, s0  }
0x1c: {  	[sflag:s1] =	ssyncset.done @!p0 $0x0  }
0x1d: {  	[sflag:s1] =	ssyncadd.s32 @!p0 $0xFFFFCE00;
	s16 =	sshra.s32 s13, $0x2  }
0x1e: {  	[tilespmem:s17], [sflag:$0x3] =	stream.indirect.gather [hbm4b:s5+s9], $0x40, s16, s9, $0xb8;
	[tilespmem:$0x12C00] =	vst v63  }
0x1f: {  	s1 =	sadd.s32 $0x60, s16  }
0x20: {  	[tilespmem:s18], [sflag:$0x3] =	stream.indirect.gather [hbm4b:s5+s11], $0x40, s1, s11, $0xb8;
	[tilespmem:$0x12C00] =	vst v63  }
0x21: {  	_ =	swait.ge [sflag:s19], $0x1800  }
0x22: {  	[sflag:s19] =	ssyncset.done $0x0  }
0x23: {  	[sflag:s19] =	ssyncadd.s32 $0xFFFFE800  }
0x24: {  	_ =	swait.ge [sflag:s19], $0x1A00  }
0x25: {  	[sflag:s19] =	ssyncset.done $0x0  }
0x26: {  	s1 =	simm.s32 $0x6500;
	[sflag:s19] =	ssyncadd.s32 $0xFFFFE600  }
0x27: {  	v0 =	vld [tilespmem:s1+$0xFFFFFF00]  }
0x28: {  	v1 =	vld [tilespmem:s1+$0xFFFFFF10]  }
0x29: {  	v2 =	vld [tilespmem:s1+$0xFFFFFF20]  }
0x2a: {  	v3 =	vld [tilespmem:s1+$0xFFFFFF30]  }
0x2b: {  	v4 =	vld [tilespmem:s1+$0xFFFFFF40]  }
0x2c: {  	v5 =	vld [tilespmem:s1+$0xFFFFFF50];
	v0 =	vmul.f32 $8.000000000e+00, v0  }
0x2d: {  	v6 =	vld [tilespmem:s1+$0xFFFFFF60];
	v1 =	vmul.f32 $8.000000000e+00, v1  }
0x2e: {  	[tilespmem:s1+$0xFFFFFF00] =	vst v0;
	v0 =	vmul.f32 $8.000000000e+00, v2;
	v2 =	vld [tilespmem:s1+$0xFFFFFF70]  }
0x2f: {  	[tilespmem:s1+$0xFFFFFF10] =	vst v1;
	v1 =	vmul.f32 $8.000000000e+00, v3;
	v3 =	vld [tilespmem:s1+$0xFFFFFF80]  }
0x30: {  	[tilespmem:s1+$0xFFFFFF20] =	vst v0;
	v0 =	vmul.f32 $8.000000000e+00, v4;
	v4 =	vld [tilespmem:s1+$0xFFFFFF90]  }
0x31: {  	[tilespmem:s1+$0xFFFFFF30] =	vst v1;
	v1 =	vmul.f32 $8.000000000e+00, v5;
	v5 =	vld [tilespmem:s1+$0xFFFFFFA0]  }
0x32: {  	[tilespmem:s1+$0xFFFFFF40] =	vst v0;
	v0 =	vmul.f32 $8.000000000e+00, v6;
	v6 =	vld [tilespmem:s1+$0xFFFFFFB0]  }
0x33: {  	[tilespmem:s1+$0xFFFFFF50] =	vst v1;
	v1 =	vmul.f32 $8.000000000e+00, v2;
	v2 =	vld [tilespmem:s1+$0xFFFFFFC0]  }
0x34: {  	[tilespmem:s1+$0xFFFFFF60] =	vst v0;
	v0 =	vmul.f32 $8.000000000e+00, v3;
	v3 =	vld [tilespmem:s1+$0xFFFFFFD0]  }
0x35: {  	[tilespmem:s1+$0xFFFFFF70] =	vst v1;
	v1 =	vmul.f32 $8.000000000e+00, v4;
	v4 =	vld [tilespmem:s1+$0xFFFFFFE0]  }
0x36: {  	[tilespmem:s1+$0xFFFFFF80] =	vst v0;
	v0 =	vmul.f32 $8.000000000e+00, v5;
	v5 =	vld [tilespmem:s1+$0x0]  }
0x37: {  	[tilespmem:s1+$0xFFFFFF90] =	vst v1;
	v1 =	vmul.f32 $8.000000000e+00, v6;
	v6 =	vld [tilespmem:s1+$0x10]  }
0x38: {  	[tilespmem:s1+$0xFFFFFFA0] =	vst v0;
	v0 =	vmul.f32 $8.000000000e+00, v2;
	v2 =	vld [tilespmem:s1+$0x20]  }
0x39: {  	[tilespmem:s1+$0xFFFFFFB0] =	vst v1;
	v1 =	vmul.f32 $8.000000000e+00, v3;
	v3 =	vld [tilespmem:s1+$0x30]  }
0x3a: {  	[tilespmem:s1+$0xFFFFFFC0] =	vst v0;
	v0 =	vmul.f32 $8.000000000e+00, v4;
	v4 =	vld [tilespmem:s1+$0x40]  }
0x3b: {  	[tilespmem:s1+$0xFFFFFFD0] =	vst v1;
	v1 =	vmul.f32 $8.000000000e+00, v5;
	v5 =	vld [tilespmem:s1+$0x50]  }
0x3c: {  	[tilespmem:s1+$0xFFFFFFE0] =	vst v0;
	v0 =	vmul.f32 $8.000000000e+00, v6;
	v6 =	vld [tilespmem:s1+$0x60]  }
0x3d: {  	[tilespmem:s1+$0x0] =	vst v1;
	v1 =	vmul.f32 $8.000000000e+00, v2;
	v2 =	vld [tilespmem:s1+$0x70]  }
0x3e: {  	[tilespmem:s1+$0x10] =	vst v0;
	v0 =	vmul.f32 $8.000000000e+00, v3;
	v3 =	vld [tilespmem:s1+$0x80]  }
0x3f: {  	[tilespmem:s1+$0x20] =	vst v1;
	v1 =	vmul.f32 $8.000000000e+00, v4;
	v4 =	vld [tilespmem:s1+$0x90]  }
0x40: {  	[tilespmem:s1+$0x30] =	vst v0;
	v0 =	vmul.f32 $8.000000000e+00, v5;
	v5 =	vld [tilespmem:s1+$0xA0]  }
0x41: {  	[tilespmem:s1+$0x40] =	vst v1;
	v1 =	vmul.f32 $8.000000000e+00, v6;
	v6 =	vld [tilespmem:s1+$0xB0]  }
0x42: {  	[tilespmem:s1+$0x50] =	vst v0;
	v2 =	vmul.f32 $8.000000000e+00, v2;
	v0 =	vld [tilespmem:s1+$0xC0]  }
0x43: {  	[tilespmem:s1+$0x60] =	vst v1;
	v3 =	vmul.f32 $8.000000000e+00, v3;
	v1 =	vld [tilespmem:s1+$0xD0]  }
0x44: {  	[tilespmem:s1+$0x70] =	vst v2;
	v7 =	vmul.f32 $8.000000000e+00, v4;
	v2 =	vld [tilespmem:s1+$0xE0]  }
0x45: {  	[tilespmem:s1+$0x80] =	vst v3;
	v3 =	vld [tilespmem:s1+$0xF0];
	v5 =	vmul.f32 $8.000000000e+00, v5  }
0x46: {  	s15 =	simm.s32 $0x6700;
	s13 =	simm.s32 $0x0;
	v4 =	vld [tilespmem:s1+$0xFFFFFFF0];
	[tilespmem:s1+$0x90] =	vst v7;
	v6 =	vmul.f32 $8.000000000e+00, v6  }
.LBB2_3:
0x47: {  	v7 =	vld [tilespmem:s15+$0xFFFFFF00];
	[tilespmem:s1+$0xA0] =	vst v5;
	v0 =	vmul.f32 $8.000000000e+00, v0  }
0x48: {  	v5 =	vld [tilespmem:s15+$0xFFFFFF10];
	[tilespmem:s1+$0xB0] =	vst v6;
	v1 =	vmul.f32 $8.000000000e+00, v1  }
0x49: {  	v6 =	vld [tilespmem:s15+$0xFFFFFF20];
	[tilespmem:s1+$0xC0] =	vst v0;
	v0 =	vmul.f32 $8.000000000e+00, v2  }
0x4a: {  	v2 =	vld [tilespmem:s15+$0xFFFFFF30];
	[tilespmem:s1+$0xD0] =	vst v1;
	v1 =	vmul.f32 $8.000000000e+00, v3  }
0x4b: {  	v3 =	vld [tilespmem:s15+$0xFFFFFF40];
	v4 =	vmul.f32 $8.000000000e+00, v4;
	[tilespmem:s1+$0xE0] =	vst v0  }
0x4c: {  	v0 =	vmul.f32 $8.000000000e+00, v7;
	v7 =	vld [tilespmem:s15+$0xFFFFFF50];
	[tilespmem:s1+$0xF0] =	vst v1  }
0x4d: {  	v1 =	vmul.f32 $8.000000000e+00, v5;
	v5 =	vld [tilespmem:s15+$0xFFFFFF60];
	[tilespmem:s1+$0xFFFFFFF0] =	vst v4;
	s1 =	smov.u32 s15  }
0x4e: {  	[tilespmem:s15+$0xFFFFFF00] =	vst v0;
	v0 =	vmul.f32 $8.000000000e+00, v6;
	v4 =	vld [tilespmem:s15+$0xFFFFFF70]  }
0x4f: {  	[tilespmem:s15+$0xFFFFFF10] =	vst v1;
	v1 =	vmul.f32 $8.000000000e+00, v2;
	v2 =	vld [tilespmem:s15+$0xFFFFFF80]  }
0x50: {  	[tilespmem:s15+$0xFFFFFF20] =	vst v0;
	v0 =	vmul.f32 $8.000000000e+00, v3;
	v3 =	vld [tilespmem:s15+$0xFFFFFF90]  }
0x51: {  	[tilespmem:s15+$0xFFFFFF30] =	vst v1;
	v1 =	vmul.f32 $8.000000000e+00, v7;
	v6 =	vld [tilespmem:s15+$0xFFFFFFA0]  }
0x52: {  	[tilespmem:s15+$0xFFFFFF40] =	vst v0;
	v0 =	vmul.f32 $8.000000000e+00, v5;
	v5 =	vld [tilespmem:s15+$0xFFFFFFB0]  }
0x53: {  	[tilespmem:s15+$0xFFFFFF50] =	vst v1;
	v1 =	vmul.f32 $8.000000000e+00, v4;
	v4 =	vld [tilespmem:s15+$0xFFFFFFC0]  }
0x54: {  	[tilespmem:s15+$0xFFFFFF60] =	vst v0;
	v0 =	vmul.f32 $8.000000000e+00, v2;
	v2 =	vld [tilespmem:s15+$0xFFFFFFD0]  }
0x55: {  	[tilespmem:s15+$0xFFFFFF70] =	vst v1;
	v1 =	vmul.f32 $8.000000000e+00, v3;
	v3 =	vld [tilespmem:s15+$0xFFFFFFE0]  }
0x56: {  	[tilespmem:s15+$0xFFFFFF80] =	vst v0;
	v0 =	vmul.f32 $8.000000000e+00, v6;
	v6 =	vld [tilespmem:s15+$0x0]  }
0x57: {  	[tilespmem:s15+$0xFFFFFF90] =	vst v1;
	v1 =	vmul.f32 $8.000000000e+00, v5;
	v5 =	vld [tilespmem:s15+$0x10]  }
0x58: {  	[tilespmem:s15+$0xFFFFFFA0] =	vst v0;
	v0 =	vmul.f32 $8.000000000e+00, v4;
	v4 =	vld [tilespmem:s15+$0x20]  }
0x59: {  	[tilespmem:s15+$0xFFFFFFB0] =	vst v1;
	v1 =	vmul.f32 $8.000000000e+00, v2;
	v2 =	vld [tilespmem:s15+$0x30]  }
0x5a: {  	[tilespmem:s15+$0xFFFFFFC0] =	vst v0;
	v0 =	vmul.f32 $8.000000000e+00, v3;
	v3 =	vld [tilespmem:s15+$0x40]  }
0x5b: {  	[tilespmem:s15+$0xFFFFFFD0] =	vst v1;
	v1 =	vmul.f32 $8.000000000e+00, v6;
	v6 =	vld [tilespmem:s15+$0x50]  }
0x5c: {  	[tilespmem:s15+$0xFFFFFFE0] =	vst v0;
	v0 =	vmul.f32 $8.000000000e+00, v5;
	v5 =	vld [tilespmem:s15+$0x60]  }
0x5d: {  	[tilespmem:s15+$0x0] =	vst v1;
	v1 =	vmul.f32 $8.000000000e+00, v4;
	v4 =	vld [tilespmem:s15+$0x70]  }
0x5e: {  	[tilespmem:s15+$0x10] =	vst v0;
	v0 =	vmul.f32 $8.000000000e+00, v2;
	v2 =	vld [tilespmem:s15+$0x80]  }
0x5f: {  	[tilespmem:s15+$0x20] =	vst v1;
	v1 =	vmul.f32 $8.000000000e+00, v3;
	v3 =	vld [tilespmem:s15+$0x90]  }
0x60: {  	s13 =	sadd.s32 $0x2, s13;
	[tilespmem:s15+$0x30] =	vst v0;
	v0 =	vmul.f32 $8.000000000e+00, v6;
	v6 =	vld [tilespmem:s15+$0xA0]  }
0x61: {  	p1 =	slt.u32 s13, $0x30;
	[tilespmem:s15+$0x40] =	vst v1;
	v1 =	vmul.f32 $8.000000000e+00, v5;
	v7 =	vld [tilespmem:s15+$0xB0]  }
.Ltmp0:
0x62: {  	[tilespmem:s15+$0x50] =	vst v0;
	v4 =	vmul.f32 $8.000000000e+00, v4;
	v0 =	vld [tilespmem:s15+$0xC0];
	(pc) =	sbr.rel @p1 .LBB2_3-.Ltmp0, $4  }
0x63: {  	[tilespmem:s15+$0x60] =	vst v1;
	v5 =	vmul.f32 $8.000000000e+00, v2;
	v1 =	vld [tilespmem:s15+$0xD0]  }
0x64: {  	[tilespmem:s15+$0x70] =	vst v4;
	v8 =	vmul.f32 $8.000000000e+00, v3;
	v2 =	vld [tilespmem:s15+$0xE0]  }
0x65: {  	[tilespmem:s15+$0x80] =	vst v5;
	v5 =	vmul.f32 $8.000000000e+00, v6;
	v3 =	vld [tilespmem:s15+$0xF0]  }
0x66: {  	s15 =	sadd.s32 $0x200, s15;
	v4 =	vld [tilespmem:s1+$0xFFFFFFF0];
	[tilespmem:s1+$0x90] =	vst v8;
	v6 =	vmul.f32 $8.000000000e+00, v7  }
0x67: {  	[tilespmem:s1+$0xA0] =	vst v5;
	v0 =	vmul.f32 $8.000000000e+00, v0  }
0x68: {  	[tilespmem:s1+$0xB0] =	vst v6;
	v1 =	vmul.f32 $8.000000000e+00, v1  }
0x69: {  	[tilespmem:s1+$0xC0] =	vst v0;
	v0 =	vmul.f32 $8.000000000e+00, v2  }
0x6a: {  	s13 =	sadd.s32 s4, s12;
	[tilespmem:s1+$0xD0] =	vst v1;
	v1 =	vmul.f32 $8.000000000e+00, v3  }
0x6b: {  	s13 =	smul.u32 $0x640, s13;
	v2 =	vmul.f32 $8.000000000e+00, v4;
	[tilespmem:s1+$0xE0] =	vst v0  }
0x6c: {  	[tilespmem:s1+$0xF0] =	vst v1  }
0x6d: {  	s15 =	sadd.s32 s2, s13;
	s13 =	simm.s32 @!p0 $0x8;
	[tilespmem:s1+$0xFFFFFFF0] =	vst v2;
	s1 =	sor.u32 $0x3, s12  }
0x6e: {  	[hbm4b:s15+s3] =	stream.linear.scatter [tilespmem:s10], [sflag:$0x5], $0x3200, $0x38;
	[tilespmem:$0x12C00] =	vst v63  }
0x6f: {  	s15 =	smul.u32 $0x320, s1;
	_ =	swait.ge @!p0 [sflag:s13], $0x3200  }
0x70: {  	[sflag:s13] =	ssyncset.done @!p0 $0x0  }
0x71: {  	s16 =	sshra.s32 s15, $0x2;
	[sflag:s13] =	ssyncadd.s32 @!p0 $0xFFFFCE00  }
0x72: {  	[tilespmem:s20], [sflag:$0x4] =	stream.indirect.gather [hbm4b:s5+s9], $0x40, s16, s9, $0xb8;
	[tilespmem:$0x12C00] =	vst v63  }
0x73: {  	s13 =	sadd.s32 $0x60, s16  }
0x74: {  	[tilespmem:s21], [sflag:$0x4] =	stream.indirect.gather [hbm4b:s5+s11], $0x40, s13, s11, $0xb8;
	[tilespmem:$0x12C00] =	vst v63  }
0x75: {  	_ =	swait.ge [sflag:s22], $0x1800  }
0x76: {  	[sflag:s22] =	ssyncset.done $0x0  }
0x77: {  	[sflag:s22] =	ssyncadd.s32 $0xFFFFE800  }
0x78: {  	_ =	swait.ge [sflag:s22], $0x1A00  }
0x79: {  	[sflag:s22] =	ssyncset.done $0x0  }
0x7a: {  	s13 =	simm.s32 $0x9700;
	[sflag:s22] =	ssyncadd.s32 $0xFFFFE600  }
0x7b: {  	v0 =	vld [tilespmem:s13+$0xFFFFFF00]  }
0x7c: {  	v1 =	vld [tilespmem:s13+$0xFFFFFF10]  }
0x7d: {  	v2 =	vld [tilespmem:s13+$0xFFFFFF20]  }
0x7e: {  	v3 =	vld [tilespmem:s13+$0xFFFFFF30]  }
0x7f: {  	v4 =	vld [tilespmem:s13+$0xFFFFFF40]  }
0x80: {  	v5 =	vld [tilespmem:s13+$0xFFFFFF50];
	v0 =	vmul.f32 $8.000000000e+00, v0  }
0x81: {  	v6 =	vld [tilespmem:s13+$0xFFFFFF60];
	v1 =	vmul.f32 $8.000000000e+00, v1  }
0x82: {  	[tilespmem:s13+$0xFFFFFF00] =	vst v0;
	v0 =	vmul.f32 $8.000000000e+00, v2;
	v2 =	vld [tilespmem:s13+$0xFFFFFF70]  }
0x83: {  	[tilespmem:s13+$0xFFFFFF10] =	vst v1;
	v1 =	vmul.f32 $8.000000000e+00, v3;
	v3 =	vld [tilespmem:s13+$0xFFFFFF80]  }
0x84: {  	[tilespmem:s13+$0xFFFFFF20] =	vst v0;
	v0 =	vmul.f32 $8.000000000e+00, v4;
	v4 =	vld [tilespmem:s13+$0xFFFFFF90]  }
0x85: {  	[tilespmem:s13+$0xFFFFFF30] =	vst v1;
	v1 =	vmul.f32 $8.000000000e+00, v5;
	v5 =	vld [tilespmem:s13+$0xFFFFFFA0]  }
0x86: {  	[tilespmem:s13+$0xFFFFFF40] =	vst v0;
	v0 =	vmul.f32 $8.000000000e+00, v6;
	v6 =	vld [tilespmem:s13+$0xFFFFFFB0]  }
0x87: {  	[tilespmem:s13+$0xFFFFFF50] =	vst v1;
	v1 =	vmul.f32 $8.000000000e+00, v2;
	v2 =	vld [tilespmem:s13+$0xFFFFFFC0]  }
0x88: {  	[tilespmem:s13+$0xFFFFFF60] =	vst v0;
	v0 =	vmul.f32 $8.000000000e+00, v3;
	v3 =	vld [tilespmem:s13+$0xFFFFFFD0]  }
0x89: {  	[tilespmem:s13+$0xFFFFFF70] =	vst v1;
	v1 =	vmul.f32 $8.000000000e+00, v4;
	v4 =	vld [tilespmem:s13+$0xFFFFFFE0]  }
0x8a: {  	[tilespmem:s13+$0xFFFFFF80] =	vst v0;
	v0 =	vmul.f32 $8.000000000e+00, v5;
	v5 =	vld [tilespmem:s13+$0x0]  }
0x8b: {  	[tilespmem:s13+$0xFFFFFF90] =	vst v1;
	v1 =	vmul.f32 $8.000000000e+00, v6;
	v6 =	vld [tilespmem:s13+$0x10]  }
0x8c: {  	[tilespmem:s13+$0xFFFFFFA0] =	vst v0;
	v0 =	vmul.f32 $8.000000000e+00, v2;
	v2 =	vld [tilespmem:s13+$0x20]  }
0x8d: {  	[tilespmem:s13+$0xFFFFFFB0] =	vst v1;
	v1 =	vmul.f32 $8.000000000e+00, v3;
	v3 =	vld [tilespmem:s13+$0x30]  }
0x8e: {  	[tilespmem:s13+$0xFFFFFFC0] =	vst v0;
	v0 =	vmul.f32 $8.000000000e+00, v4;
	v4 =	vld [tilespmem:s13+$0x40]  }
0x8f: {  	[tilespmem:s13+$0xFFFFFFD0] =	vst v1;
	v1 =	vmul.f32 $8.000000000e+00, v5;
	v5 =	vld [tilespmem:s13+$0x50]  }
0x90: {  	[tilespmem:s13+$0xFFFFFFE0] =	vst v0;
	v0 =	vmul.f32 $8.000000000e+00, v6;
	v6 =	vld [tilespmem:s13+$0x60]  }
0x91: {  	[tilespmem:s13+$0x0] =	vst v1;
	v1 =	vmul.f32 $8.000000000e+00, v2;
	v2 =	vld [tilespmem:s13+$0x70]  }
0x92: {  	[tilespmem:s13+$0x10] =	vst v0;
	v0 =	vmul.f32 $8.000000000e+00, v3;
	v3 =	vld [tilespmem:s13+$0x80]  }
0x93: {  	[tilespmem:s13+$0x20] =	vst v1;
	v1 =	vmul.f32 $8.000000000e+00, v4;
	v4 =	vld [tilespmem:s13+$0x90]  }
0x94: {  	[tilespmem:s13+$0x30] =	vst v0;
	v0 =	vmul.f32 $8.000000000e+00, v5;
	v5 =	vld [tilespmem:s13+$0xA0]  }
0x95: {  	[tilespmem:s13+$0x40] =	vst v1;
	v1 =	vmul.f32 $8.000000000e+00, v6;
	v6 =	vld [tilespmem:s13+$0xB0]  }
0x96: {  	[tilespmem:s13+$0x50] =	vst v0;
	v2 =	vmul.f32 $8.000000000e+00, v2;
	v0 =	vld [tilespmem:s13+$0xC0]  }
0x97: {  	[tilespmem:s13+$0x60] =	vst v1;
	v3 =	vmul.f32 $8.000000000e+00, v3;
	v1 =	vld [tilespmem:s13+$0xD0]  }
0x98: {  	[tilespmem:s13+$0x70] =	vst v2;
	v7 =	vmul.f32 $8.000000000e+00, v4;
	v2 =	vld [tilespmem:s13+$0xE0]  }
0x99: {  	[tilespmem:s13+$0x80] =	vst v3;
	v3 =	vld [tilespmem:s13+$0xF0];
	v5 =	vmul.f32 $8.000000000e+00, v5  }
0x9a: {  	s12 =	sor.u32 $0x1, s12;
	s15 =	simm.s32 $0x0;
	s16 =	simm.s32 $0x9900;
	v4 =	vld [tilespmem:s13+$0xFFFFFFF0];
	[tilespmem:s13+$0x90] =	vst v7;
	v6 =	vmul.f32 $8.000000000e+00, v6  }
.LBB2_5:
0x9b: {  	v7 =	vld [tilespmem:s16+$0xFFFFFF00];
	[tilespmem:s13+$0xA0] =	vst v5;
	v0 =	vmul.f32 $8.000000000e+00, v0  }
0x9c: {  	v5 =	vld [tilespmem:s16+$0xFFFFFF10];
	[tilespmem:s13+$0xB0] =	vst v6;
	v1 =	vmul.f32 $8.000000000e+00, v1  }
0x9d: {  	v6 =	vld [tilespmem:s16+$0xFFFFFF20];
	[tilespmem:s13+$0xC0] =	vst v0;
	v0 =	vmul.f32 $8.000000000e+00, v2  }
0x9e: {  	v2 =	vld [tilespmem:s16+$0xFFFFFF30];
	[tilespmem:s13+$0xD0] =	vst v1;
	v1 =	vmul.f32 $8.000000000e+00, v3  }
0x9f: {  	v3 =	vld [tilespmem:s16+$0xFFFFFF40];
	v4 =	vmul.f32 $8.000000000e+00, v4;
	[tilespmem:s13+$0xE0] =	vst v0  }
0xa0: {  	v0 =	vmul.f32 $8.000000000e+00, v7;
	v7 =	vld [tilespmem:s16+$0xFFFFFF50];
	[tilespmem:s13+$0xF0] =	vst v1  }
0xa1: {  	v1 =	vmul.f32 $8.000000000e+00, v5;
	v5 =	vld [tilespmem:s16+$0xFFFFFF60];
	[tilespmem:s13+$0xFFFFFFF0] =	vst v4;
	s13 =	smov.u32 s16  }
0xa2: {  	[tilespmem:s16+$0xFFFFFF00] =	vst v0;
	v0 =	vmul.f32 $8.000000000e+00, v6;
	v4 =	vld [tilespmem:s16+$0xFFFFFF70]  }
0xa3: {  	[tilespmem:s16+$0xFFFFFF10] =	vst v1;
	v1 =	vmul.f32 $8.000000000e+00, v2;
	v2 =	vld [tilespmem:s16+$0xFFFFFF80]  }
0xa4: {  	[tilespmem:s16+$0xFFFFFF20] =	vst v0;
	v0 =	vmul.f32 $8.000000000e+00, v3;
	v3 =	vld [tilespmem:s16+$0xFFFFFF90]  }
0xa5: {  	[tilespmem:s16+$0xFFFFFF30] =	vst v1;
	v1 =	vmul.f32 $8.000000000e+00, v7;
	v6 =	vld [tilespmem:s16+$0xFFFFFFA0]  }
0xa6: {  	[tilespmem:s16+$0xFFFFFF40] =	vst v0;
	v0 =	vmul.f32 $8.000000000e+00, v5;
	v5 =	vld [tilespmem:s16+$0xFFFFFFB0]  }
0xa7: {  	[tilespmem:s16+$0xFFFFFF50] =	vst v1;
	v1 =	vmul.f32 $8.000000000e+00, v4;
	v4 =	vld [tilespmem:s16+$0xFFFFFFC0]  }
0xa8: {  	[tilespmem:s16+$0xFFFFFF60] =	vst v0;
	v0 =	vmul.f32 $8.000000000e+00, v2;
	v2 =	vld [tilespmem:s16+$0xFFFFFFD0]  }
0xa9: {  	[tilespmem:s16+$0xFFFFFF70] =	vst v1;
	v1 =	vmul.f32 $8.000000000e+00, v3;
	v3 =	vld [tilespmem:s16+$0xFFFFFFE0]  }
0xaa: {  	[tilespmem:s16+$0xFFFFFF80] =	vst v0;
	v0 =	vmul.f32 $8.000000000e+00, v6;
	v6 =	vld [tilespmem:s16+$0x0]  }
0xab: {  	[tilespmem:s16+$0xFFFFFF90] =	vst v1;
	v1 =	vmul.f32 $8.000000000e+00, v5;
	v5 =	vld [tilespmem:s16+$0x10]  }
0xac: {  	[tilespmem:s16+$0xFFFFFFA0] =	vst v0;
	v0 =	vmul.f32 $8.000000000e+00, v4;
	v4 =	vld [tilespmem:s16+$0x20]  }
0xad: {  	[tilespmem:s16+$0xFFFFFFB0] =	vst v1;
	v1 =	vmul.f32 $8.000000000e+00, v2;
	v2 =	vld [tilespmem:s16+$0x30]  }
0xae: {  	[tilespmem:s16+$0xFFFFFFC0] =	vst v0;
	v0 =	vmul.f32 $8.000000000e+00, v3;
	v3 =	vld [tilespmem:s16+$0x40]  }
0xaf: {  	[tilespmem:s16+$0xFFFFFFD0] =	vst v1;
	v1 =	vmul.f32 $8.000000000e+00, v6;
	v6 =	vld [tilespmem:s16+$0x50]  }
0xb0: {  	[tilespmem:s16+$0xFFFFFFE0] =	vst v0;
	v0 =	vmul.f32 $8.000000000e+00, v5;
	v5 =	vld [tilespmem:s16+$0x60]  }
0xb1: {  	[tilespmem:s16+$0x0] =	vst v1;
	v1 =	vmul.f32 $8.000000000e+00, v4;
	v4 =	vld [tilespmem:s16+$0x70]  }
0xb2: {  	[tilespmem:s16+$0x10] =	vst v0;
	v0 =	vmul.f32 $8.000000000e+00, v2;
	v2 =	vld [tilespmem:s16+$0x80]  }
0xb3: {  	[tilespmem:s16+$0x20] =	vst v1;
	v1 =	vmul.f32 $8.000000000e+00, v3;
	v3 =	vld [tilespmem:s16+$0x90]  }
0xb4: {  	s15 =	sadd.s32 $0x2, s15;
	[tilespmem:s16+$0x30] =	vst v0;
	v0 =	vmul.f32 $8.000000000e+00, v6;
	v6 =	vld [tilespmem:s16+$0xA0]  }
0xb5: {  	p0 =	slt.u32 s15, $0x30;
	[tilespmem:s16+$0x40] =	vst v1;
	v1 =	vmul.f32 $8.000000000e+00, v5;
	v7 =	vld [tilespmem:s16+$0xB0]  }
.Ltmp1:
0xb6: {  	[tilespmem:s16+$0x50] =	vst v0;
	v4 =	vmul.f32 $8.000000000e+00, v4;
	v0 =	vld [tilespmem:s16+$0xC0];
	(pc) =	sbr.rel @p0 .LBB2_5-.Ltmp1, $4  }
0xb7: {  	[tilespmem:s16+$0x60] =	vst v1;
	v5 =	vmul.f32 $8.000000000e+00, v2;
	v1 =	vld [tilespmem:s16+$0xD0]  }
0xb8: {  	[tilespmem:s16+$0x70] =	vst v4;
	v8 =	vmul.f32 $8.000000000e+00, v3;
	v2 =	vld [tilespmem:s16+$0xE0]  }
0xb9: {  	[tilespmem:s16+$0x80] =	vst v5;
	v5 =	vmul.f32 $8.000000000e+00, v6;
	v3 =	vld [tilespmem:s16+$0xF0]  }
0xba: {  	s16 =	sadd.s32 $0x200, s16;
	v4 =	vld [tilespmem:s13+$0xFFFFFFF0];
	[tilespmem:s13+$0x90] =	vst v8;
	v6 =	vmul.f32 $8.000000000e+00, v7  }
0xbb: {  	[tilespmem:s13+$0xA0] =	vst v5;
	v0 =	vmul.f32 $8.000000000e+00, v0  }
0xbc: {  	[tilespmem:s13+$0xB0] =	vst v6;
	v1 =	vmul.f32 $8.000000000e+00, v1  }
0xbd: {  	[tilespmem:s13+$0xC0] =	vst v0;
	v0 =	vmul.f32 $8.000000000e+00, v2  }
0xbe: {  	s12 =	sadd.s32 s4, s12;
	[tilespmem:s13+$0xD0] =	vst v1;
	v1 =	vmul.f32 $8.000000000e+00, v3  }
0xbf: {  	s12 =	smul.u32 $0x640, s12;
	v2 =	vmul.f32 $8.000000000e+00, v4;
	[tilespmem:s13+$0xE0] =	vst v0  }
0xc0: {  	[tilespmem:s13+$0xF0] =	vst v1  }
0xc1: {  	p0 =	seq.s32 s31, $0x1F;
	s12 =	sadd.s32 s2, s12;
	[tilespmem:s13+$0xFFFFFFF0] =	vst v2  }
0xc2: {  	[hbm4b:s12+s3] =	stream.linear.scatter [tilespmem:s14], [sflag:$0x6], $0x3200, $0x38;
	[tilespmem:$0x12C00] =	vst v63  }
0xc3: {  	s12 =	simm.s32 @!p0 $0x5  }
0xc4: {  	s13 =	smul.u32 @!p0 $0xC80, s31;
	_ =	swait.ge @!p0 [sflag:s12], $0x3200  }
0xc5: {  	[sflag:s12] =	ssyncset.done @!p0 $0x0  }
0xc6: {  	[sflag:s12] =	ssyncadd.s32 @!p0 $0xFFFFCE00;
	s12 =	sshra.s32 @!p0 s13, $0x2  }
0xc7: {  	s15 =	simm.s32 @!p0 $0x60;
	s16 =	simm.s32 @!p0 $0x6400;
	s13 =	sadd.s32 @!p0 $0x320, s12  }
0xc8: {  	[tilespmem:s16], [sflag:$0x1] =	stream.indirect.gather @!p0 [hbm4b:s5+s15], $0x40, s13, s15, $0xb8;
	[tilespmem:$0x12C00] =	vst v63  }
0xc9: {  	s13 =	sadd.s32 @!p0 $0x380, s12;
	s15 =	simm.s32 @!p0 $0x68;
	s16 =	simm.s32 @!p0 $0x7C00  }
0xca: {  	[tilespmem:s16], [sflag:$0x1] =	stream.indirect.gather @!p0 [hbm4b:s5+s15], $0x40, s13, s15, $0xb8;
	[tilespmem:$0x12C00] =	vst v63  }
0xcb: {  	_ =	swait.ge [sflag:s23], $0x1800  }
0xcc: {  	[sflag:s23] =	ssyncset.done $0x0  }
0xcd: {  	[sflag:s23] =	ssyncadd.s32 $0xFFFFE800  }
0xce: {  	_ =	swait.ge [sflag:s23], $0x1A00  }
0xcf: {  	[sflag:s23] =	ssyncset.done $0x0  }
0xd0: {  	s13 =	simm.s32 $0xC900;
	[sflag:s23] =	ssyncadd.s32 $0xFFFFE600  }
0xd1: {  	v0 =	vld [tilespmem:s13+$0xFFFFFF00]  }
0xd2: {  	v1 =	vld [tilespmem:s13+$0xFFFFFF10]  }
0xd3: {  	v2 =	vld [tilespmem:s13+$0xFFFFFF20]  }
0xd4: {  	v3 =	vld [tilespmem:s13+$0xFFFFFF30]  }
0xd5: {  	v4 =	vld [tilespmem:s13+$0xFFFFFF40]  }
0xd6: {  	v5 =	vld [tilespmem:s13+$0xFFFFFF50];
	v0 =	vmul.f32 $8.000000000e+00, v0  }
0xd7: {  	v6 =	vld [tilespmem:s13+$0xFFFFFF60];
	v1 =	vmul.f32 $8.000000000e+00, v1  }
0xd8: {  	[tilespmem:s13+$0xFFFFFF00] =	vst v0;
	v0 =	vmul.f32 $8.000000000e+00, v2;
	v2 =	vld [tilespmem:s13+$0xFFFFFF70]  }
0xd9: {  	[tilespmem:s13+$0xFFFFFF10] =	vst v1;
	v1 =	vmul.f32 $8.000000000e+00, v3;
	v3 =	vld [tilespmem:s13+$0xFFFFFF80]  }
0xda: {  	[tilespmem:s13+$0xFFFFFF20] =	vst v0;
	v0 =	vmul.f32 $8.000000000e+00, v4;
	v4 =	vld [tilespmem:s13+$0xFFFFFF90]  }
0xdb: {  	[tilespmem:s13+$0xFFFFFF30] =	vst v1;
	v1 =	vmul.f32 $8.000000000e+00, v5;
	v5 =	vld [tilespmem:s13+$0xFFFFFFA0]  }
0xdc: {  	[tilespmem:s13+$0xFFFFFF40] =	vst v0;
	v0 =	vmul.f32 $8.000000000e+00, v6;
	v6 =	vld [tilespmem:s13+$0xFFFFFFB0]  }
0xdd: {  	[tilespmem:s13+$0xFFFFFF50] =	vst v1;
	v1 =	vmul.f32 $8.000000000e+00, v2;
	v2 =	vld [tilespmem:s13+$0xFFFFFFC0]  }
0xde: {  	[tilespmem:s13+$0xFFFFFF60] =	vst v0;
	v0 =	vmul.f32 $8.000000000e+00, v3;
	v3 =	vld [tilespmem:s13+$0xFFFFFFD0]  }
0xdf: {  	[tilespmem:s13+$0xFFFFFF70] =	vst v1;
	v1 =	vmul.f32 $8.000000000e+00, v4;
	v4 =	vld [tilespmem:s13+$0xFFFFFFE0]  }
0xe0: {  	[tilespmem:s13+$0xFFFFFF80] =	vst v0;
	v0 =	vmul.f32 $8.000000000e+00, v5;
	v5 =	vld [tilespmem:s13+$0x0]  }
0xe1: {  	[tilespmem:s13+$0xFFFFFF90] =	vst v1;
	v1 =	vmul.f32 $8.000000000e+00, v6;
	v6 =	vld [tilespmem:s13+$0x10]  }
0xe2: {  	[tilespmem:s13+$0xFFFFFFA0] =	vst v0;
	v0 =	vmul.f32 $8.000000000e+00, v2;
	v2 =	vld [tilespmem:s13+$0x20]  }
0xe3: {  	[tilespmem:s13+$0xFFFFFFB0] =	vst v1;
	v1 =	vmul.f32 $8.000000000e+00, v3;
	v3 =	vld [tilespmem:s13+$0x30]  }
0xe4: {  	[tilespmem:s13+$0xFFFFFFC0] =	vst v0;
	v0 =	vmul.f32 $8.000000000e+00, v4;
	v4 =	vld [tilespmem:s13+$0x40]  }
0xe5: {  	[tilespmem:s13+$0xFFFFFFD0] =	vst v1;
	v1 =	vmul.f32 $8.000000000e+00, v5;
	v5 =	vld [tilespmem:s13+$0x50]  }
0xe6: {  	[tilespmem:s13+$0xFFFFFFE0] =	vst v0;
	v0 =	vmul.f32 $8.000000000e+00, v6;
	v6 =	vld [tilespmem:s13+$0x60]  }
0xe7: {  	[tilespmem:s13+$0x0] =	vst v1;
	v1 =	vmul.f32 $8.000000000e+00, v2;
	v2 =	vld [tilespmem:s13+$0x70]  }
0xe8: {  	[tilespmem:s13+$0x10] =	vst v0;
	v0 =	vmul.f32 $8.000000000e+00, v3;
	v3 =	vld [tilespmem:s13+$0x80]  }
0xe9: {  	[tilespmem:s13+$0x20] =	vst v1;
	v1 =	vmul.f32 $8.000000000e+00, v4;
	v4 =	vld [tilespmem:s13+$0x90]  }
0xea: {  	[tilespmem:s13+$0x30] =	vst v0;
	v0 =	vmul.f32 $8.000000000e+00, v5;
	v5 =	vld [tilespmem:s13+$0xA0]  }
0xeb: {  	[tilespmem:s13+$0x40] =	vst v1;
	v1 =	vmul.f32 $8.000000000e+00, v6;
	v6 =	vld [tilespmem:s13+$0xB0]  }
0xec: {  	[tilespmem:s13+$0x50] =	vst v0;
	v2 =	vmul.f32 $8.000000000e+00, v2;
	v0 =	vld [tilespmem:s13+$0xC0]  }
0xed: {  	[tilespmem:s13+$0x60] =	vst v1;
	v3 =	vmul.f32 $8.000000000e+00, v3;
	v1 =	vld [tilespmem:s13+$0xD0]  }
0xee: {  	[tilespmem:s13+$0x70] =	vst v2;
	v7 =	vmul.f32 $8.000000000e+00, v4;
	v2 =	vld [tilespmem:s13+$0xE0]  }
0xef: {  	[tilespmem:s13+$0x80] =	vst v3;
	v3 =	vld [tilespmem:s13+$0xF0];
	v5 =	vmul.f32 $8.000000000e+00, v5  }
0xf0: {  	s15 =	simm.s32 $0x0;
	s16 =	simm.s32 $0xCB00;
	v4 =	vld [tilespmem:s13+$0xFFFFFFF0];
	[tilespmem:s13+$0x90] =	vst v7;
	v6 =	vmul.f32 $8.000000000e+00, v6  }
.LBB2_7:
0xf1: {  	v7 =	vld [tilespmem:s16+$0xFFFFFF00];
	[tilespmem:s13+$0xA0] =	vst v5;
	v0 =	vmul.f32 $8.000000000e+00, v0  }
0xf2: {  	v5 =	vld [tilespmem:s16+$0xFFFFFF10];
	[tilespmem:s13+$0xB0] =	vst v6;
	v1 =	vmul.f32 $8.000000000e+00, v1  }
0xf3: {  	v6 =	vld [tilespmem:s16+$0xFFFFFF20];
	[tilespmem:s13+$0xC0] =	vst v0;
	v0 =	vmul.f32 $8.000000000e+00, v2  }
0xf4: {  	v2 =	vld [tilespmem:s16+$0xFFFFFF30];
	[tilespmem:s13+$0xD0] =	vst v1;
	v1 =	vmul.f32 $8.000000000e+00, v3  }
0xf5: {  	v3 =	vld [tilespmem:s16+$0xFFFFFF40];
	v4 =	vmul.f32 $8.000000000e+00, v4;
	[tilespmem:s13+$0xE0] =	vst v0  }
0xf6: {  	v0 =	vmul.f32 $8.000000000e+00, v7;
	v7 =	vld [tilespmem:s16+$0xFFFFFF50];
	[tilespmem:s13+$0xF0] =	vst v1  }
0xf7: {  	v1 =	vmul.f32 $8.000000000e+00, v5;
	v5 =	vld [tilespmem:s16+$0xFFFFFF60];
	[tilespmem:s13+$0xFFFFFFF0] =	vst v4;
	s13 =	smov.u32 s16  }
0xf8: {  	[tilespmem:s16+$0xFFFFFF00] =	vst v0;
	v0 =	vmul.f32 $8.000000000e+00, v6;
	v4 =	vld [tilespmem:s16+$0xFFFFFF70]  }
0xf9: {  	[tilespmem:s16+$0xFFFFFF10] =	vst v1;
	v1 =	vmul.f32 $8.000000000e+00, v2;
	v2 =	vld [tilespmem:s16+$0xFFFFFF80]  }
0xfa: {  	[tilespmem:s16+$0xFFFFFF20] =	vst v0;
	v0 =	vmul.f32 $8.000000000e+00, v3;
	v3 =	vld [tilespmem:s16+$0xFFFFFF90]  }
0xfb: {  	[tilespmem:s16+$0xFFFFFF30] =	vst v1;
	v1 =	vmul.f32 $8.000000000e+00, v7;
	v6 =	vld [tilespmem:s16+$0xFFFFFFA0]  }
0xfc: {  	[tilespmem:s16+$0xFFFFFF40] =	vst v0;
	v0 =	vmul.f32 $8.000000000e+00, v5;
	v5 =	vld [tilespmem:s16+$0xFFFFFFB0]  }
0xfd: {  	[tilespmem:s16+$0xFFFFFF50] =	vst v1;
	v1 =	vmul.f32 $8.000000000e+00, v4;
	v4 =	vld [tilespmem:s16+$0xFFFFFFC0]  }
0xfe: {  	[tilespmem:s16+$0xFFFFFF60] =	vst v0;
	v0 =	vmul.f32 $8.000000000e+00, v2;
	v2 =	vld [tilespmem:s16+$0xFFFFFFD0]  }
0xff: {  	[tilespmem:s16+$0xFFFFFF70] =	vst v1;
	v1 =	vmul.f32 $8.000000000e+00, v3;
	v3 =	vld [tilespmem:s16+$0xFFFFFFE0]  }
0x100: {  	[tilespmem:s16+$0xFFFFFF80] =	vst v0;
	v0 =	vmul.f32 $8.000000000e+00, v6;
	v6 =	vld [tilespmem:s16+$0x0]  }
0x101: {  	[tilespmem:s16+$0xFFFFFF90] =	vst v1;
	v1 =	vmul.f32 $8.000000000e+00, v5;
	v5 =	vld [tilespmem:s16+$0x10]  }
0x102: {  	[tilespmem:s16+$0xFFFFFFA0] =	vst v0;
	v0 =	vmul.f32 $8.000000000e+00, v4;
	v4 =	vld [tilespmem:s16+$0x20]  }
0x103: {  	[tilespmem:s16+$0xFFFFFFB0] =	vst v1;
	v1 =	vmul.f32 $8.000000000e+00, v2;
	v2 =	vld [tilespmem:s16+$0x30]  }
0x104: {  	[tilespmem:s16+$0xFFFFFFC0] =	vst v0;
	v0 =	vmul.f32 $8.000000000e+00, v3;
	v3 =	vld [tilespmem:s16+$0x40]  }
0x105: {  	[tilespmem:s16+$0xFFFFFFD0] =	vst v1;
	v1 =	vmul.f32 $8.000000000e+00, v6;
	v6 =	vld [tilespmem:s16+$0x50]  }
0x106: {  	[tilespmem:s16+$0xFFFFFFE0] =	vst v0;
	v0 =	vmul.f32 $8.000000000e+00, v5;
	v5 =	vld [tilespmem:s16+$0x60]  }
0x107: {  	[tilespmem:s16+$0x0] =	vst v1;
	v1 =	vmul.f32 $8.000000000e+00, v4;
	v4 =	vld [tilespmem:s16+$0x70]  }
0x108: {  	[tilespmem:s16+$0x10] =	vst v0;
	v0 =	vmul.f32 $8.000000000e+00, v2;
	v2 =	vld [tilespmem:s16+$0x80]  }
0x109: {  	[tilespmem:s16+$0x20] =	vst v1;
	v1 =	vmul.f32 $8.000000000e+00, v3;
	v3 =	vld [tilespmem:s16+$0x90]  }
0x10a: {  	s15 =	sadd.s32 $0x2, s15;
	[tilespmem:s16+$0x30] =	vst v0;
	v0 =	vmul.f32 $8.000000000e+00, v6;
	v6 =	vld [tilespmem:s16+$0xA0]  }
0x10b: {  	p1 =	slt.u32 s15, $0x30;
	[tilespmem:s16+$0x40] =	vst v1;
	v1 =	vmul.f32 $8.000000000e+00, v5;
	v7 =	vld [tilespmem:s16+$0xB0]  }
.Ltmp2:
0x10c: {  	[tilespmem:s16+$0x50] =	vst v0;
	v4 =	vmul.f32 $8.000000000e+00, v4;
	v0 =	vld [tilespmem:s16+$0xC0];
	(pc) =	sbr.rel @p1 .LBB2_7-.Ltmp2, $4  }
0x10d: {  	[tilespmem:s16+$0x60] =	vst v1;
	v5 =	vmul.f32 $8.000000000e+00, v2;
	v1 =	vld [tilespmem:s16+$0xD0]  }
0x10e: {  	[tilespmem:s16+$0x70] =	vst v4;
	v8 =	vmul.f32 $8.000000000e+00, v3;
	v2 =	vld [tilespmem:s16+$0xE0]  }
0x10f: {  	[tilespmem:s16+$0x80] =	vst v5;
	v5 =	vmul.f32 $8.000000000e+00, v6;
	v3 =	vld [tilespmem:s16+$0xF0]  }
0x110: {  	s16 =	sadd.s32 $0x200, s16;
	v4 =	vld [tilespmem:s13+$0xFFFFFFF0];
	[tilespmem:s13+$0x90] =	vst v8;
	v6 =	vmul.f32 $8.000000000e+00, v7  }
0x111: {  	[tilespmem:s13+$0xA0] =	vst v5;
	v0 =	vmul.f32 $8.000000000e+00, v0  }
0x112: {  	[tilespmem:s13+$0xB0] =	vst v6;
	v1 =	vmul.f32 $8.000000000e+00, v1  }
0x113: {  	[tilespmem:s13+$0xC0] =	vst v0;
	v0 =	vmul.f32 $8.000000000e+00, v2  }
0x114: {  	s0 =	sadd.s32 s4, s0;
	[tilespmem:s13+$0xD0] =	vst v1;
	v1 =	vmul.f32 $8.000000000e+00, v3  }
0x115: {  	s0 =	smul.u32 $0x640, s0;
	v2 =	vmul.f32 $8.000000000e+00, v4;
	[tilespmem:s13+$0xE0] =	vst v0  }
0x116: {  	[tilespmem:s13+$0xF0] =	vst v1  }
0x117: {  	s0 =	sadd.s32 s2, s0;
	[tilespmem:s13+$0xFFFFFFF0] =	vst v2  }
0x118: {  	[hbm4b:s0+s3] =	stream.linear.scatter [tilespmem:s17], [sflag:$0x7], $0x3200, $0x38;
	[tilespmem:$0x12C00] =	vst v63  }
0x119: {  	s0 =	simm.s32 @!p0 $0x6  }
0x11a: {  	_ =	swait.ge @!p0 [sflag:s0], $0x3200  }
0x11b: {  	s15 =	simm.s32 @!p0 $0x9600;
	[sflag:s0] =	ssyncset.done @!p0 $0x0  }
0x11c: {  	s13 =	simm.s32 @!p0 $0x60;
	[sflag:s0] =	ssyncadd.s32 @!p0 $0xFFFFCE00;
	s0 =	sadd.s32 @!p0 $0x3E8, s12  }
0x11d: {  	[tilespmem:s15], [sflag:$0x2] =	stream.indirect.gather @!p0 [hbm4b:s5+s13], $0x40, s0, s13, $0xb8;
	[tilespmem:$0x12C00] =	vst v63  }
0x11e: {  	s0 =	sadd.s32 @!p0 $0x448, s12;
	s12 =	simm.s32 @!p0 $0x68;
	s13 =	simm.s32 @!p0 $0xAE00  }
0x11f: {  	[tilespmem:s13], [sflag:$0x2] =	stream.indirect.gather @!p0 [hbm4b:s5+s12], $0x40, s0, s12, $0xb8;
	[tilespmem:$0x12C00] =	vst v63  }
0x120: {  	_ =	swait.ge [sflag:s24], $0x1800  }
0x121: {  	[sflag:s24] =	ssyncset.done $0x0  }
0x122: {  	[sflag:s24] =	ssyncadd.s32 $0xFFFFE800  }
0x123: {  	_ =	swait.ge [sflag:s24], $0x1A00  }
0x124: {  	[sflag:s24] =	ssyncset.done $0x0  }
0x125: {  	s0 =	simm.s32 $0xFB00;
	[sflag:s24] =	ssyncadd.s32 $0xFFFFE600  }
0x126: {  	v0 =	vld [tilespmem:s0+$0xFFFFFF00]  }
0x127: {  	v1 =	vld [tilespmem:s0+$0xFFFFFF10]  }
0x128: {  	v2 =	vld [tilespmem:s0+$0xFFFFFF20]  }
0x129: {  	v3 =	vld [tilespmem:s0+$0xFFFFFF30]  }
0x12a: {  	v4 =	vld [tilespmem:s0+$0xFFFFFF40]  }
0x12b: {  	v5 =	vld [tilespmem:s0+$0xFFFFFF50];
	v0 =	vmul.f32 $8.000000000e+00, v0  }
0x12c: {  	v6 =	vld [tilespmem:s0+$0xFFFFFF60];
	v1 =	vmul.f32 $8.000000000e+00, v1  }
0x12d: {  	[tilespmem:s0+$0xFFFFFF00] =	vst v0;
	v0 =	vmul.f32 $8.000000000e+00, v2;
	v2 =	vld [tilespmem:s0+$0xFFFFFF70]  }
0x12e: {  	[tilespmem:s0+$0xFFFFFF10] =	vst v1;
	v1 =	vmul.f32 $8.000000000e+00, v3;
	v3 =	vld [tilespmem:s0+$0xFFFFFF80]  }
0x12f: {  	[tilespmem:s0+$0xFFFFFF20] =	vst v0;
	v0 =	vmul.f32 $8.000000000e+00, v4;
	v4 =	vld [tilespmem:s0+$0xFFFFFF90]  }
0x130: {  	[tilespmem:s0+$0xFFFFFF30] =	vst v1;
	v1 =	vmul.f32 $8.000000000e+00, v5;
	v5 =	vld [tilespmem:s0+$0xFFFFFFA0]  }
0x131: {  	[tilespmem:s0+$0xFFFFFF40] =	vst v0;
	v0 =	vmul.f32 $8.000000000e+00, v6;
	v6 =	vld [tilespmem:s0+$0xFFFFFFB0]  }
0x132: {  	[tilespmem:s0+$0xFFFFFF50] =	vst v1;
	v1 =	vmul.f32 $8.000000000e+00, v2;
	v2 =	vld [tilespmem:s0+$0xFFFFFFC0]  }
0x133: {  	[tilespmem:s0+$0xFFFFFF60] =	vst v0;
	v0 =	vmul.f32 $8.000000000e+00, v3;
	v3 =	vld [tilespmem:s0+$0xFFFFFFD0]  }
0x134: {  	[tilespmem:s0+$0xFFFFFF70] =	vst v1;
	v1 =	vmul.f32 $8.000000000e+00, v4;
	v4 =	vld [tilespmem:s0+$0xFFFFFFE0]  }
0x135: {  	[tilespmem:s0+$0xFFFFFF80] =	vst v0;
	v0 =	vmul.f32 $8.000000000e+00, v5;
	v5 =	vld [tilespmem:s0+$0x0]  }
0x136: {  	[tilespmem:s0+$0xFFFFFF90] =	vst v1;
	v1 =	vmul.f32 $8.000000000e+00, v6;
	v6 =	vld [tilespmem:s0+$0x10]  }
0x137: {  	[tilespmem:s0+$0xFFFFFFA0] =	vst v0;
	v0 =	vmul.f32 $8.000000000e+00, v2;
	v2 =	vld [tilespmem:s0+$0x20]  }
0x138: {  	[tilespmem:s0+$0xFFFFFFB0] =	vst v1;
	v1 =	vmul.f32 $8.000000000e+00, v3;
	v3 =	vld [tilespmem:s0+$0x30]  }
0x139: {  	[tilespmem:s0+$0xFFFFFFC0] =	vst v0;
	v0 =	vmul.f32 $8.000000000e+00, v4;
	v4 =	vld [tilespmem:s0+$0x40]  }
0x13a: {  	[tilespmem:s0+$0xFFFFFFD0] =	vst v1;
	v1 =	vmul.f32 $8.000000000e+00, v5;
	v5 =	vld [tilespmem:s0+$0x50]  }
0x13b: {  	[tilespmem:s0+$0xFFFFFFE0] =	vst v0;
	v0 =	vmul.f32 $8.000000000e+00, v6;
	v6 =	vld [tilespmem:s0+$0x60]  }
0x13c: {  	[tilespmem:s0+$0x0] =	vst v1;
	v1 =	vmul.f32 $8.000000000e+00, v2;
	v2 =	vld [tilespmem:s0+$0x70]  }
0x13d: {  	[tilespmem:s0+$0x10] =	vst v0;
	v0 =	vmul.f32 $8.000000000e+00, v3;
	v3 =	vld [tilespmem:s0+$0x80]  }
0x13e: {  	[tilespmem:s0+$0x20] =	vst v1;
	v1 =	vmul.f32 $8.000000000e+00, v4;
	v4 =	vld [tilespmem:s0+$0x90]  }
0x13f: {  	[tilespmem:s0+$0x30] =	vst v0;
	v0 =	vmul.f32 $8.000000000e+00, v5;
	v5 =	vld [tilespmem:s0+$0xA0]  }
0x140: {  	[tilespmem:s0+$0x40] =	vst v1;
	v1 =	vmul.f32 $8.000000000e+00, v6;
	v6 =	vld [tilespmem:s0+$0xB0]  }
0x141: {  	[tilespmem:s0+$0x50] =	vst v0;
	v2 =	vmul.f32 $8.000000000e+00, v2;
	v0 =	vld [tilespmem:s0+$0xC0]  }
0x142: {  	[tilespmem:s0+$0x60] =	vst v1;
	v3 =	vmul.f32 $8.000000000e+00, v3;
	v1 =	vld [tilespmem:s0+$0xD0]  }
0x143: {  	[tilespmem:s0+$0x70] =	vst v2;
	v7 =	vmul.f32 $8.000000000e+00, v4;
	v2 =	vld [tilespmem:s0+$0xE0]  }
0x144: {  	[tilespmem:s0+$0x80] =	vst v3;
	v3 =	vld [tilespmem:s0+$0xF0];
	v5 =	vmul.f32 $8.000000000e+00, v5  }
0x145: {  	s12 =	simm.s32 $0x0;
	s13 =	simm.s32 $0xFD00;
	v4 =	vld [tilespmem:s0+$0xFFFFFFF0];
	[tilespmem:s0+$0x90] =	vst v7;
	v6 =	vmul.f32 $8.000000000e+00, v6  }
.LBB2_9:
0x146: {  	v7 =	vld [tilespmem:s13+$0xFFFFFF00];
	[tilespmem:s0+$0xA0] =	vst v5;
	v0 =	vmul.f32 $8.000000000e+00, v0  }
0x147: {  	v5 =	vld [tilespmem:s13+$0xFFFFFF10];
	[tilespmem:s0+$0xB0] =	vst v6;
	v1 =	vmul.f32 $8.000000000e+00, v1  }
0x148: {  	v6 =	vld [tilespmem:s13+$0xFFFFFF20];
	[tilespmem:s0+$0xC0] =	vst v0;
	v0 =	vmul.f32 $8.000000000e+00, v2  }
0x149: {  	v2 =	vld [tilespmem:s13+$0xFFFFFF30];
	[tilespmem:s0+$0xD0] =	vst v1;
	v1 =	vmul.f32 $8.000000000e+00, v3  }
0x14a: {  	v3 =	vld [tilespmem:s13+$0xFFFFFF40];
	v4 =	vmul.f32 $8.000000000e+00, v4;
	[tilespmem:s0+$0xE0] =	vst v0  }
0x14b: {  	v0 =	vmul.f32 $8.000000000e+00, v7;
	v7 =	vld [tilespmem:s13+$0xFFFFFF50];
	[tilespmem:s0+$0xF0] =	vst v1  }
0x14c: {  	v1 =	vmul.f32 $8.000000000e+00, v5;
	v5 =	vld [tilespmem:s13+$0xFFFFFF60];
	[tilespmem:s0+$0xFFFFFFF0] =	vst v4;
	s0 =	smov.u32 s13  }
0x14d: {  	[tilespmem:s13+$0xFFFFFF00] =	vst v0;
	v0 =	vmul.f32 $8.000000000e+00, v6;
	v4 =	vld [tilespmem:s13+$0xFFFFFF70]  }
0x14e: {  	[tilespmem:s13+$0xFFFFFF10] =	vst v1;
	v1 =	vmul.f32 $8.000000000e+00, v2;
	v2 =	vld [tilespmem:s13+$0xFFFFFF80]  }
0x14f: {  	[tilespmem:s13+$0xFFFFFF20] =	vst v0;
	v0 =	vmul.f32 $8.000000000e+00, v3;
	v3 =	vld [tilespmem:s13+$0xFFFFFF90]  }
0x150: {  	[tilespmem:s13+$0xFFFFFF30] =	vst v1;
	v1 =	vmul.f32 $8.000000000e+00, v7;
	v6 =	vld [tilespmem:s13+$0xFFFFFFA0]  }
0x151: {  	[tilespmem:s13+$0xFFFFFF40] =	vst v0;
	v0 =	vmul.f32 $8.000000000e+00, v5;
	v5 =	vld [tilespmem:s13+$0xFFFFFFB0]  }
0x152: {  	[tilespmem:s13+$0xFFFFFF50] =	vst v1;
	v1 =	vmul.f32 $8.000000000e+00, v4;
	v4 =	vld [tilespmem:s13+$0xFFFFFFC0]  }
0x153: {  	[tilespmem:s13+$0xFFFFFF60] =	vst v0;
	v0 =	vmul.f32 $8.000000000e+00, v2;
	v2 =	vld [tilespmem:s13+$0xFFFFFFD0]  }
0x154: {  	[tilespmem:s13+$0xFFFFFF70] =	vst v1;
	v1 =	vmul.f32 $8.000000000e+00, v3;
	v3 =	vld [tilespmem:s13+$0xFFFFFFE0]  }
0x155: {  	[tilespmem:s13+$0xFFFFFF80] =	vst v0;
	v0 =	vmul.f32 $8.000000000e+00, v6;
	v6 =	vld [tilespmem:s13+$0x0]  }
0x156: {  	[tilespmem:s13+$0xFFFFFF90] =	vst v1;
	v1 =	vmul.f32 $8.000000000e+00, v5;
	v5 =	vld [tilespmem:s13+$0x10]  }
0x157: {  	[tilespmem:s13+$0xFFFFFFA0] =	vst v0;
	v0 =	vmul.f32 $8.000000000e+00, v4;
	v4 =	vld [tilespmem:s13+$0x20]  }
0x158: {  	[tilespmem:s13+$0xFFFFFFB0] =	vst v1;
	v1 =	vmul.f32 $8.000000000e+00, v2;
	v2 =	vld [tilespmem:s13+$0x30]  }
0x159: {  	[tilespmem:s13+$0xFFFFFFC0] =	vst v0;
	v0 =	vmul.f32 $8.000000000e+00, v3;
	v3 =	vld [tilespmem:s13+$0x40]  }
0x15a: {  	[tilespmem:s13+$0xFFFFFFD0] =	vst v1;
	v1 =	vmul.f32 $8.000000000e+00, v6;
	v6 =	vld [tilespmem:s13+$0x50]  }
0x15b: {  	[tilespmem:s13+$0xFFFFFFE0] =	vst v0;
	v0 =	vmul.f32 $8.000000000e+00, v5;
	v5 =	vld [tilespmem:s13+$0x60]  }
0x15c: {  	[tilespmem:s13+$0x0] =	vst v1;
	v1 =	vmul.f32 $8.000000000e+00, v4;
	v4 =	vld [tilespmem:s13+$0x70]  }
0x15d: {  	[tilespmem:s13+$0x10] =	vst v0;
	v0 =	vmul.f32 $8.000000000e+00, v2;
	v2 =	vld [tilespmem:s13+$0x80]  }
0x15e: {  	[tilespmem:s13+$0x20] =	vst v1;
	v1 =	vmul.f32 $8.000000000e+00, v3;
	v3 =	vld [tilespmem:s13+$0x90]  }
0x15f: {  	s12 =	sadd.s32 $0x2, s12;
	[tilespmem:s13+$0x30] =	vst v0;
	v0 =	vmul.f32 $8.000000000e+00, v6;
	v6 =	vld [tilespmem:s13+$0xA0]  }
0x160: {  	p0 =	slt.u32 s12, $0x30;
	[tilespmem:s13+$0x40] =	vst v1;
	v1 =	vmul.f32 $8.000000000e+00, v5;
	v7 =	vld [tilespmem:s13+$0xB0]  }
.Ltmp3:
0x161: {  	[tilespmem:s13+$0x50] =	vst v0;
	v4 =	vmul.f32 $8.000000000e+00, v4;
	v0 =	vld [tilespmem:s13+$0xC0];
	(pc) =	sbr.rel @p0 .LBB2_9-.Ltmp3, $4  }
0x162: {  	[tilespmem:s13+$0x60] =	vst v1;
	v5 =	vmul.f32 $8.000000000e+00, v2;
	v1 =	vld [tilespmem:s13+$0xD0]  }
0x163: {  	[tilespmem:s13+$0x70] =	vst v4;
	v8 =	vmul.f32 $8.000000000e+00, v3;
	v2 =	vld [tilespmem:s13+$0xE0]  }
0x164: {  	[tilespmem:s13+$0x80] =	vst v5;
	v5 =	vmul.f32 $8.000000000e+00, v6;
	v3 =	vld [tilespmem:s13+$0xF0]  }
0x165: {  	s13 =	sadd.s32 $0x200, s13;
	v4 =	vld [tilespmem:s0+$0xFFFFFFF0];
	[tilespmem:s0+$0x90] =	vst v8;
	v6 =	vmul.f32 $8.000000000e+00, v7  }
0x166: {  	[tilespmem:s0+$0xA0] =	vst v5;
	v0 =	vmul.f32 $8.000000000e+00, v0  }
0x167: {  	s31 =	sadd.s32 $0x1, s31;
	[tilespmem:s0+$0xB0] =	vst v6;
	v1 =	vmul.f32 $8.000000000e+00, v1  }
0x168: {  	p0 =	sne.s32 s31, $0x20;
	[tilespmem:s0+$0xC0] =	vst v0;
	v61 =	vmul.f32 $8.000000000e+00, v2  }
.Ltmp4:
0x169: {  	s1 =	sadd.s32 s4, s1;
	[tilespmem:s0+$0xD0] =	vst v1;
	v62 =	vmul.f32 $8.000000000e+00, v3;
	(pc) =	sbr.rel @p0 .LBB2_2-.Ltmp4, $4  }
0x16a: {  	s1 =	smul.u32 $0x640, s1;
	v63 =	vmul.f32 $8.000000000e+00, v4;
	[tilespmem:s0+$0xE0] =	vst v61  }
0x16b: {  	[tilespmem:s0+$0xF0] =	vst v62  }
0x16c: {  	s16 =	sadd.s32 s2, s1;
	[tilespmem:s0+$0xFFFFFFF0] =	vst v63  }
0x16d: {  	[hbm4b:s16+s3] =	stream.linear.scatter [tilespmem:s20], [sflag:$0x8], $0x3200, $0x38;
	[tilespmem:$0x12C00] =	vst v63  }
0x16e: {  	_ =	swait.ge [sflag:s25], $0x3200  }
0x16f: {  	[sflag:s25] =	ssyncset.done $0x0  }
0x170: {  	[sflag:s25] =	ssyncadd.s32 $0xFFFFCE00  }
0x171: {  	_ =	swait.ge [sflag:s26], $0x3200  }
0x172: {  	[sflag:s26] =	ssyncset.done $0x0  }
0x173: {  	s30 =	sadd.s32 $0x1, s30;
	[sflag:s26] =	ssyncadd.s32 $0xFFFFCE00  }
0x174: {  	p0 =	sne.s32 s30, s7;
	_ =	swait.ge [sflag:s28], $0x3200  }
.Ltmp5:
0x175: {  	[sflag:s28] =	ssyncset.done $0x0;
	(pc) =	sbr.rel @p0 .LBB2_1-.Ltmp5, $4  }
0x176: {  	[sflag:s28] =	ssyncadd.s32 $0xFFFFCE00  }
0x177: {  	_ =	swait.ge [sflag:s29], $0x3200  }
0x178: {  	[sflag:s29] =	ssyncset.done $0x0  }
0x179: {  	[sflag:s29] =	ssyncadd.s32 $0xFFFFCE00  }
0x17a: {  	_ =	sfence.sel $0x180000  }
0x17b: {  	[bflag:$0x0] =	sbarrier.arrive $0xFFFF  }
0x17c: {  	_ =	strace $0x90000047  }
0x17d: {  	s0 =	stileid.u32;
	[bflag:$0x2] =	sbarrier.arrive $0xFFFF  }
0x17e: {  	p0 =	sne.s32 s0, $0x0;
	s0 =	rddreg [dreg:$0x2]  }
0x17f: {  	s0 =	sadd.s32 @!p0 $0x100000, s0  }
0x180: {  	[sflag:s0] =	ssyncadd.tile.s32 @!p0 $0x1;
	_ =	shalt  }
.Lfunc_end2:
_tile_overlayer_lowered:
.L_overlay_start_2:
0x181: {  	(tag) =	ssettag $0x2  }
0x182: {  	s0 =	rddreg [dreg:$0x0];
	s2 =	stileid.u32  }
0x183: {  	s1 =	rddreg [dreg:$0x1];
	p0 =	sne.s32 s2, $0x0  }
0x184: {  	s3 =	rddreg [dreg:$0x2];
	[bflag:$0x3] =	sbarrier.arrive $0xFFFF;
	s2 =	simm.s32 @!p0 $0x1C09  }
0x185: {  	[timem:s3], [sflag:s2] =	dma.local @!p0 [hbm:s0], s1  }
0x186: {  	s0 =	simm.s32 @!p0 $0x9  }
0x187: {  	_ =	swait.ge @!p0 [sflag:s0], s1  }
0x188: {  	s1 =	ssub.s32 @!p0 $0x0, s1;
	[sflag:s0] =	ssyncset.done @!p0 $0x0  }
0x189: {  	[sflag:s0] =	ssyncadd.s32 @!p0 s1  }
0x18a: {  	[bflag:$0x3] =	sbarrier.arrive $0xFFFF  }
0x18b: {  	_ =	shalt  }

// kernel: sparse-core-data-format-call.cloned.1.call-start
scs
called_computation_lowered:
.L_overlay_start_0:
0x0: {  	s2 =	sld [smem:$0x3FD9]  }
0x1: {  	s3 =	sld [smem:$0x3FFE];
	_ =	sdelay $0x1  }
0x2: {  	s1 =	srdreg.scid  }
0x3: {  	s0 =	sand.u32 $0x1, s1  }
0x4: {  	s18 =	sshll.u32 s0, $0xA;
	s2 =	sadd.s32 s3, s2  }
0x5: {  	s2 =	sadd.s32 s2, s18  }
0x6: {  	[smem:$0x3FC6] =	sst s2  }
0x7: {  	_ = 	snop  }
0x8: {  	s2 =	sld [smem:$0x3FD0];
	(tm) =	ssettm $0x1  }
0x9: {  	s19 =	sld [smem:$0x3FFB];
	_ =	sdelay $0x3  }
0xa: {  	_ =	strace s19  }
0xb: {  	s3 =	sld [smem:$0x3FFC];
	_ =	sdelay $0x3  }
0xc: {  	_ =	strace s3  }
0xd: {  	s3 =	sld [smem:$0x3FFD];
	_ =	sdelay $0x3  }
0xe: {  	_ =	strace s3  }
0xf: {  	_ =	strace $0x8FFFFFFF  }
0x10: {  	s20 =	sld [smem:$0x3FDB];
	_ =	sdelay $0x1  }
0x11: {  	s4 =	simm.s32 $_scs_section_size  }
0x12: {  	s5 =	simm.s32 $_size__tile_overlayer_lowered;
	s6 =	simm.s32 $_tile_overlayer_lowered  }
0x13: {  	s23 =	simm.s32 $0x1BFF;
	s22 =	sshll.u32 s6, $0x1;
	s3 =	sadd.s32 s4, s20  }
0x14: {  	s7 =	simm.s32 $0x0;
	s21 =	sshll.u32 s5, $0x1;
	s5 =	sadd.s32 s22, s3  }
0x15: {  	[timem:s7], [sflag:s23] =	dma.local [hbm:s5], s21  }
0x16: {  	_ =	swait.ge [sflag:s23], s21  }
0x17: {  	s4 =	ssub.s32 $0x0, s21;
	[sflag:s23] =	ssyncset.done $0x0  }
0x18: {  	[sflag:s23] =	ssyncadd.s32 s4;
	_ =	sdelay $0x1  }
0x19: {  	s24 =	simm.s32 $0x1B8B  }
0x1a: {  	_ =	swait.ge [sflag:s24], $0x1  }
0x1b: {  	[sflag:s24] =	ssyncset.done $0x0  }
0x1c: {  	s26 =	simm.s32 $0x1B8E;
	s25 =	sld [smem:$0x3FFE];
	[sflag:s24] =	ssyncadd.s32 $0xFFFFFFFF  }
0x1d: {  	s27 =	simm.s32 $execute0_lowered;
	[smem:$0x3FD2] =	sst s26  }
0x1e: {  	s5 =	sshll.u32 s27, $0x1;
	_ =	strace $0x80000049;
	[dreg:$0x1] =	wrdreg $0xFFFFFFFF  }
0x1f: {  	s28 =	simm.s32 $_size_execute0_lowered;
	s3 =	sadd.s32 s3, s5;
	[dreg:$0x0] =	wrdreg $0x0  }
0x20: {  	s5 =	sshll.u32 s28, $0x1;
	[dreg:$0x2] =	wrdreg s3  }
0x21: {  	[dreg:$0x3] =	wrdreg s5  }
0x22: {  	[dreg:$0x4] =	wrdreg $0xC0  }
0x23: {  	_ =	task [dreg:s7], $0x5FFFF  }
0x24: {  	[dreg:$0x1] =	wrdreg $0xFFFFFFFF  }
0x25: {  	[dreg:$0x0] =	wrdreg $0x60  }
0x26: {  	[dreg:$0x2] =	wrdreg s25  }
0x27: {  	[dreg:$0x3] =	wrdreg s2  }
0x28: {  	[dreg:$0x4] =	wrdreg $0x9  }
0x29: {  	_ =	task.clear_ibuf [dreg:s7], $0x5FFFF;
	_ =	strace $0x90000049  }
0x2a: {  	s29 =	simm.s32 $0x9;
	_ =	strace $0x8000004B  }
0x2b: {  	_ =	swait.ge [sflag:s29], $0x1  }
0x2c: {  	[sflag:s29] =	ssyncadd.s32 $0xFFFFFFFF  }
0x2d: {  	_ =	strace $0x9000004B  }
0x2e: {  	_ =	sfence  }
0x2f: {  	s30 =	sld [smem:$0x0];
	_ =	sdelay $0x2  }
0x30: {  	s31 =	sshll.u32 s1, $0xD;
	s1 =	sshrl.u32 s1, $0x2  }
0x31: {  	s3 =	sand.u32 $0x4000, s31;
	s1 =	sadd.s32 s1, s30  }
0x32: {  	s0 =	sor.u32 s3, s0;
	s1 =	sshll.u32 s1, $0x11  }
0x33: {  	s0 =	sor.u32 s1, s0  }
0x34: {  	s0 =	sadd.s32 $0x8F2B, s0  }
0x35: {  	[sflag:s0] =	ssyncadd.remote.s32 $0x1  }
0x36: {  	_ =	sfence.sel $0xFFFF  }
0x37: {  	[dreg:$0x0] =	wrdreg $0xFFFFFFFF;
	(pc) =	sbr.abs _section_cstart, $3  }
0x38: {  	[dreg:$0x1] =	wrdreg $0xFFFFFFFF  }
0x39: {  	_ =	task.clear_ibuf [dreg:s7], $0x2FFFF;
	_ =	strace $0x9FFFFFFF  }
0x3a: {  	(tm) =	ssettm $0x7FFFFFFF  }
0x3b: {  	_ =	shalt  }
tec
execute0_lowered:
.L_overlay_start_1:
0x0: {  	(tag) =	ssettag $0x1  }
0x1: {  	s0 =	srdreg.scid  }
0x2: {  	s1 =	sshll.u32 s0, $0x4  }
0x3: {  	s0 =	stileid.u32;
	s1 =	sand.u32 $0x10, s1  }
0x4: {  	s1 =	sor.u32 s0, s1  }
0x5: {  	s6 =	rddreg [dreg:$0x0];
	s4 =	simm.s32 $0x1;
	s2 =	sshll.u32 s1, $0x7  }
0x6: {  	s7 =	simm.s32 $0x2;
	s12 =	simm.s32 $0x0;
	s1 =	ssub.s32 $0x1000, s2  }
0x7: {  	s8 =	simm.s32 $0x8000;
	s13 =	simm.s32 $0x0;
	s3 =	sand.u32 $0xF80, s1  }
0x8: {  	s9 =	simm.s32 $0x0;
	s5 =	sshrl.u32 s1, $0xC;
	p0 =	sne.s32 s3, $0x0  }
.Ltmp0:
0x9: {  	s1 =	rddreg [dreg:$0x2];
	s4 =	simm.s32 @!p0 $0x0;
	(pc) =	sbr.rel .LBB1_1-.Ltmp0, $4  }
0xa: {  	s11 =	simm.s32 $0x0;
	s3 =	rddreg [dreg:$0x1];
	s5 =	sadd.s32 s4, s5  }
0xb: {  	_ =	strace $0x8000004A;
	s4 =	simm.s32 $0x1;
	s5 =	smul.u32 $0xC8, s5  }
0xc: {  	s6 =	sadd.s32 $0xA00, s6;
	s10 =	smov.u32 s2;
	[sflag:s4] =	ssyncpa.u1 $0x0  }
0xd: {  	p0 =	por $0x0, $0x0;
	[sflag:s7] =	ssyncpa.u1 $0x0;
	s7 =	sor.u32 $0x1, s5  }
.LBB1_4:
0xe: {  	s16 =	sshll.u32 s13, $0x3;
	s17 =	sand.u32 $0x78, s13  }
0xf: {  	s30 =	sand.u32 $0x7E00, s13;
	s12 =	sshll.u32 s12, $0xF;
	s16 =	sand.u32 $0xC00, s16  }
0x10: {  	[tilespmem:s15+$0x810 ss:$0x81] =	vst.msk $0xffff, v2;
	s31 =	sand.u32 $0x7, s13;
	s16 =	sor.u32 s17, s16;
	s17 =	sadd.s32 s3, s30  }
0x11: {  	[tilespmem:s15+$0x1020 ss:$0x81] =	vst.msk $0xffff, v0;
	s13 =	sshll.u32 s31, $0x12;
	s12 =	sadd.s32 s12, s17;
	s16 =	sshrl.u32 s16, $0x3  }
0x12: {  	[tilespmem:s15+$0x0 ss:$0x81] =	vst.msk $0xffff, v1;
	s13 =	sor.u32 $0x400, s13;
	s12 =	sadd.s32 s16, s12  }
0x13: {  	[hbm4b:s12+s13] =	stream.strided.scatter [tilespmem:s14], [sflag:$0x2], $0x2000, s8, s13, $0x20;
	[tilespmem:$0x8080] =	vst v63  }
.LBB1_5:
0x14: {  	s14 =	sadd.s32 $0x1, s9  }
0x15: {  	s12 =	sadd.s32 $0x1000, s10;
	s16 =	smov.u32 s10;
	p2 =	sgt.s32 s14, $0xC7  }
0x16: {  	s16 =	smov.u32 @p2 s12  }
0x17: {  	s14 =	simm.s32 @p2 $0x0;
	p2 =	sgt.s32 s16, $0xFFF  }
0x18: {  	s16 =	smov.u32 @p2 s2;
	p2 =	sne.s32 s11, s7  }
.Ltmp1:
0x19: {  	p1 =	slt.u32 s11, $0x2;
	(pc) =	sbr.rel @!p2 .LBB1_6-.Ltmp1, $4  }
0x1a: {  	s15 =	simm.s32 @!p1 $0x2  }
0x1b: {  	s13 =	smov.u32 s10;
	p0 =	por !p0, !p0;
	_ =	swait.ge @!p1 [sflag:s15], $0x2000  }
0x1c: {  	s12 =	smov.u32 s9;
	[sflag:s15] =	ssyncset.done @!p1 $0x0;
	s9 =	smov.u32 s14  }
0x1d: {  	s11 =	sadd.s32 $0x1, s11;
	[sflag:s15] =	ssyncadd.s32 @!p1 $0xFFFFE000;
	s10 =	smov.u32 s16  }
.LBB1_1:
0x1e: {  	p1 =	sge.u32 s11, s5  }
0x1f: {  	s14 =	sand.u32 @!p1 $0x1FFFFFF, s9  }
0x20: {  	s15 =	smulhi.u32 @!p1 $0x147AE15, s14;
	_ =	sdelay $0x1  }
0x21: {  	s15 =	smul.u32 @!p1 $0xC8, s15  }
0x22: {  	s16 =	sxor.u32 @!p1 $0xFFFFFFFF, s11;
	s17 =	smul.u32 @!p1 $0xC80, s10  }
0x23: {  	s31 =	sadd.s32 $0xFFFFFFFF, s11;
	s16 =	sshll.u32 @!p1 s16, $0xD;
	s14 =	ssub.s32 @!p1 s14, s15  }
0x24: {  	s15 =	sand.u32 @!p1 $0x2000, s16;
	s16 =	sadd.s32 @!p1 s6, s17;
	s14 =	sshll.u32 @!p1 s14, $0x4  }
0x25: {  	s17 =	simm.s32 @!p1 $0x6400;
	s14 =	sadd.s32 @!p1 s14, s16;
	s16 =	simm.s32 @!p1 $0x40  }
0x26: {  	[tilespmem:s15], [sflag:$0x1] =	stream.strided.gather @!p1 [hbm4b:s14+s16], $0x2000, s17, s16, $0x38;
	[tilespmem:$0x8080] =	vst v63  }
0x27: {  	p1 =	sge.u32 s31, s5  }
.Ltmp2:
0x28: {  	_ = 	snop;
	(pc) =	sbr.rel @p1 .LBB1_5-.Ltmp2, $1  }
0x29: {  	_ =	sdelay $0x3  }
0x2a: {  	s14 =	simm.s32 $0x1  }
0x2b: {  	_ =	swait.ge [sflag:s4], $0x2000;
	s14 =	simm.s32 @!p0 $0x0  }
0x2c: {  	[sflag:s4] =	ssyncset.done $0x0;
	s15 =	sshll.u32 s14, $0xD  }
0x2d: {  	[sflag:s4] =	ssyncadd.s32 $0xFFFFE000;
	s18 =	sor.u32 $0x20, s15  }
0x2e: {  	s14 =	smul.u32 $0x8100, s14;
	v3 =	vld [tilespmem:s18+$0x10]  }
0x2f: {  	s30 =	sand.u32 $0x1, s11;
	v2 =	vld [tilespmem:s18+$0xFFFFFFF0]  }
0x30: {  	s15 =	smul.u32 $0x8100, s30;
	s14 =	sshrl.u32 s14, $0x2;
	v0 =	vld [tilespmem:s18+$0x0]  }
0x31: {  	v1 =	vld [tilespmem:s18+$0xFFFFFFE0];
	s16 =	sor.u32 $0x4000, s14  }
0x32: {  	s31 =	sshrl.u32 s15, $0x2;
	s15 =	sadd.s32 $0x0, s16  }
0x33: {  	s17 =	simm.s32 $0x4;
	s18 =	sadd.s32 $0x40, s18;
	s14 =	sor.u32 $0x4000, s31;
	[tilespmem:s15+$0x1830 ss:$0x81] =	vst.msk $0xffff, v3  }
.LBB1_3:
0x34: {  	v3 =	vld [tilespmem:s18+$0x10];
	p1 =	sne.s32 s17, $0x1FC;
	[tilespmem:s15+$0x810 ss:$0x81] =	vst.msk $0xffff, v2;
	s19 =	smov.u32 s17;
	s17 =	sadd.s32 $0x4, s17  }
.Ltmp3:
0x35: {  	v2 =	vld [tilespmem:s18+$0xFFFFFFF0];
	[tilespmem:s15+$0x1020 ss:$0x81] =	vst.msk $0xffff, v0;
	(pc) =	sbr.rel @p1 .LBB1_3-.Ltmp3, $4  }
0x36: {  	v0 =	vld [tilespmem:s18+$0x0];
	[tilespmem:s15+$0x0 ss:$0x81] =	vst.msk $0xffff, v1  }
0x37: {  	s15 =	sshra.s32 s19, $0x2;
	v1 =	vld [tilespmem:s18+$0xFFFFFFE0]  }
0x38: {  	s15 =	sadd.s32 s15, s16  }
0x39: {  	s18 =	sadd.s32 $0x40, s18;
	[tilespmem:s15+$0x1830 ss:$0x81] =	vst.msk $0xffff, v3  }
.Ltmp4:
0x3a: {  	_ = 	snop;
	(pc) =	sbr.rel .LBB1_4-.Ltmp4, $1  }
0x3b: {  	_ =	sdelay $0x3  }
.LBB1_6:
0x3c: {  	_ =	sfence.sel $0x180000  }
0x3d: {  	s2 =	simm.s32 $0x1;
	[bflag:$0x0] =	sbarrier.arrive $0xFFFF  }
0x3e: {  	s31 =	simm.s32 $0x2;
	[sflag:s2] =	ssyncpa.u1 $0x1  }
0x3f: {  	[sflag:s31] =	ssyncpa.u1 $0x1  }
0x40: {  	p0 =	sne.s32 s0, $0x0;
	_ =	strace $0x9000004A  }
0x41: {  	s0 =	sadd.s32 @!p0 $0x100000, s1;
	[bflag:$0x2] =	sbarrier.arrive $0xFFFF  }
0x42: {  	[sflag:s0] =	ssyncadd.tile.s32 @!p0 $0x1;
	_ =	shalt  }
.Lfunc_end1:
_tile_overlayer_lowered:
.L_overlay_start_2:
0x43: {  	(tag) =	ssettag $0x2  }
0x44: {  	s0 =	rddreg [dreg:$0x0];
	s2 =	stileid.u32  }
0x45: {  	s1 =	rddreg [dreg:$0x1];
	p0 =	sne.s32 s2, $0x0  }
0x46: {  	s3 =	rddreg [dreg:$0x2];
	[bflag:$0x3] =	sbarrier.arrive $0xFFFF;
	s2 =	simm.s32 @!p0 $0x1C01  }
0x47: {  	[timem:s3], [sflag:s2] =	dma.local @!p0 [hbm:s0], s1  }
0x48: {  	s0 =	simm.s32 @!p0 $0x1  }
0x49: {  	_ =	swait.ge @!p0 [sflag:s0], s1  }
0x4a: {  	s1 =	ssub.s32 @!p0 $0x0, s1;
	[sflag:s0] =	ssyncset.done @!p0 $0x0  }
0x4b: {  	[sflag:s0] =	ssyncadd.s32 @!p0 s1  }
0x4c: {  	[bflag:$0x3] =	sbarrier.arrive $0xFFFF  }
0x4d: {  	_ =	shalt  }

</sc_bundles>
